<compile_context>
chip_gen: v7x
topology: tpu7x:2x2x1
jax: 0.10.2.dev20260603
libtpu: 0.0.44.dev20260713+nightly
codegen_flags: <defaults>
</compile_context>

<pallas_src>
import functools
import math

import jax
import jax.numpy as jnp
from jax import lax
from jax.experimental import pallas as pl
from jax.experimental.pallas import tpu as pltpu
from jax.experimental.pallas import tpu_sc as plsc

_BINS = 64
_MIN = -4.0
_MAX = 4.0
_SIGMA = 100.0
_DELTA = (_MAX - _MIN) / _BINS
_SD = _SIGMA * _DELTA
_INV_DELTA = 1.0 / _DELTA

_ROWS = 8
_COLS = 131072
_TCOLS = 32768
_SCCOLS = _COLS - _TCOLS
_SEG = _SCCOLS // 2

_CHUNK = 8192
_NCH = _SEG // _CHUNK

_R = 1
_PAD = _R
_STRIDE = 72
_HSIZE = 16 * _STRIDE

_mesh = plsc.VectorSubcoreMesh(core_axis_name="c", subcore_axis_name="s")


@functools.partial(
    pl.kernel,
    mesh=_mesh,
    out_type=jax.ShapeDtypeStruct((32 * _BINS,), jnp.float32),
    scratch_types=[
        pltpu.VMEM((2 * _CHUNK,), jnp.float32),
        pltpu.VMEM((_HSIZE,), jnp.float32),
        pltpu.VMEM((_BINS,), jnp.float32),
        pltpu.SemaphoreType.DMA,
        pltpu.SemaphoreType.DMA,
    ],
    compiler_params=pltpu.CompilerParams(needs_layout_passes=False),
)
def _sc_hists(out_hbm, tgt_hbm, hists_hbm, xbuf, h2d, hrow, sem0, sem1):
    cid = lax.axis_index("c")
    sid = lax.axis_index("s")
    off = (sid // 2) * _SCCOLS + (sid % 2) * _SEG
    sems = (sem0, sem1)

    def start_chunk(g):
        dst = xbuf.at[pl.ds((g % 2) * _CHUNK, _CHUNK)]
        src = pl.ds(off + g * _CHUNK, _CHUNK)

        @pl.when(cid == 0)
        def _():
            pltpu.async_copy(out_hbm.at[src], dst, sems[g % 2])

        @pl.when(cid == 1)
        def _():
            pltpu.async_copy(tgt_hbm.at[src], dst, sems[g % 2])

    def wait_chunk(g):
        pltpu.make_async_copy(
            out_hbm.at[pl.ds(0, _CHUNK)],
            xbuf.at[pl.ds((g % 2) * _CHUNK, _CHUNK)],
            sems[g % 2],
        ).wait()

    start_chunk(0)

    zero = jnp.zeros((16,), jnp.float32)

    def zbody(i, carry):
        h2d[pl.ds(i * 16, 16)] = zero
        return carry

    lax.fori_loop(0, _HSIZE // 16, zbody, 0)

    lane = lax.iota(jnp.int32, 16)
    bases = [lane * _STRIDE + (o + _PAD) for o in range(-_R, _R + 1)]

    exp_sd = math.exp(_SD)

    for g in range(_NCH):
        if g + 1 < _NCH:
            start_chunk(g + 1)
        wait_chunk(g)
        buf_base = (g % 2) * _CHUNK

        @plsc.parallel_loop(buf_base, buf_base + _CHUNK, step=16, unroll=4)
        def _loop(i):
            x = xbuf[pl.ds(i, 16)]
            u = x * _INV_DELTA + (-_MIN * _INV_DELTA)
            uc = jnp.minimum(jnp.maximum(u, 0.0), float(_BINS - 1))
            c = uc.astype(jnp.int32)
            e = jnp.exp((c.astype(jnp.float32) - u) * _SD)
            a = 1.0 / (1.0 + e)
            b = 1.0 / (1.0 + e * exp_sd)
            for k, w in enumerate((1.0 - a, a - b, b)):
                plsc.addupdate_scatter(h2d, [bases[k] + c], w)

    for q in range(_BINS // 16):
        acc = h2d[pl.ds(_PAD + q * 16, 16)]
        for l in range(1, 16):
            acc = acc + h2d[pl.ds(l * _STRIDE + _PAD + q * 16, 16)]
        hrow[pl.ds(q * 16, 16)] = acc

    slot = cid * 16 + (sid % 2) * 8 + sid // 2
    pltpu.sync_copy(hrow, hists_hbm.at[pl.ds(slot * _BINS, _BINS)])


def _tc_tail_body(o_ref, t_ref, h_ref):
    for a, ref in enumerate((o_ref, t_ref)):
        x = ref[...]
        uh = x * (_INV_DELTA * _SD * 0.5) + (-_MIN * _INV_DELTA * _SD * 0.5)
        g = [jnp.sum(jnp.tanh(uh - (_SD * 0.5) * e), axis=1, keepdims=True)
             for e in range(_BINS + 1)]
        gm = jnp.concatenate(g, axis=1)
        h_ref[a * 8:(a + 1) * 8, :] = 0.5 * (gm[:, :-1] - gm[:, 1:])


def _tc_loss_body(h_ref, tail_ref, o_ref):
    x = h_ref[...]
    tl = tail_ref[...]
    oh = x[0:8] + x[8:16] + tl[0:8]
    th = x[16:24] + x[24:32] + tl[8:16]
    n = 1e-07 + jnp.sqrt(jnp.sum(oh * oh, axis=1, keepdims=True))
    loss = jnp.sum(jnp.abs(oh - th) / n) / float(_ROWS * _BINS)
    o_ref[...] = jnp.reshape(loss, (1, 1))


def kernel(output, target):
    hists = _sc_hists(output[:, :_SCCOLS].reshape(-1),
                      target[:, :_SCCOLS].reshape(-1))
    tail = pl.pallas_call(
        _tc_tail_body,
        out_shape=jax.ShapeDtypeStruct((16, _BINS), jnp.float32),
        grid=(1,),
        in_specs=[
            pl.BlockSpec((_ROWS, _TCOLS), lambda i: (0, _COLS // _TCOLS - 1)),
            pl.BlockSpec((_ROWS, _TCOLS), lambda i: (0, _COLS // _TCOLS - 1)),
        ],
        out_specs=pl.BlockSpec((16, _BINS), lambda i: (0, 0)),
    )(output, target)
    loss = pl.pallas_call(
        _tc_loss_body,
        out_shape=jax.ShapeDtypeStruct((1, 1), jnp.float32),
    )(hists.reshape(32, _BINS), tail)
    return loss[0, 0]

# --- scband reference (transcript-rebuilt; emitter-appended) ---
"""Pipeline reference for scband-histogram-loss-19980187861102 (READ-ONLY COPY).

The authoritative reference and input builder live on the scoring server;
editing this copy changes nothing except your own understanding.
"""

import jax, jax.numpy as jnp
import numpy as np

BINS = 64
MIN_VALUE = -4.0
MAX_VALUE = 4.0
SIGMA = 100.0


def soft_histogram(x, bins, vmin, vmax, sigma):
    # Differentiable histogram: each sample contributes a soft (sigmoid-window)
    # weight to every bin; reduce over the sample axis.
    delta = (vmax - vmin) / bins
    centers = vmin + delta * (jnp.arange(bins, dtype=x.dtype) + 0.5)
    diff = x[..., None] - centers  # [..., N, bins]
    w = jax.nn.sigmoid(sigma * (diff + delta / 2.0)) - jax.nn.sigmoid(sigma * (diff - delta / 2.0))
    return jnp.sum(w, axis=-2)  # [..., bins]


def setup_inputs(seed: int = 0) -> dict:
    key = jax.random.key(seed)
    k1, k2 = jax.random.split(key)
    output = jax.random.normal(k1, (8, 131072), dtype=jnp.float32)
    target = jax.random.normal(k2, (8, 131072), dtype=jnp.float32)
    return {"output": output, "target": target}


def reference(output, target):
    output_hist = soft_histogram(output, BINS, MIN_VALUE, MAX_VALUE, SIGMA)
    target_hist = soft_histogram(target, BINS, MIN_VALUE, MAX_VALUE, SIGMA)
    # NOTE: faithful to the torch code -- the normalizer is the norm of
    # output_hist (despite the variable name), applied to both histograms.
    target_hist_norm = 1e-07 + jnp.linalg.norm(output_hist, axis=-1, keepdims=True)
    output_hist = output_hist / target_hist_norm
    target_hist = target_hist / target_hist_norm
    # loss='l1' -> F.l1_loss with default mean reduction
    return jnp.mean(jnp.abs(output_hist - target_hist))

if __name__ == "__main__":
    import jax
    _d = setup_inputs()
    print(jax.jit(kernel)(*tuple(_d.values())))

</pallas_src>

<mosaic_0001>
#map = affine_map<(d0, d1) -> (0)>
module attributes {stable_mosaic.version = 14 : i64} {
  func.func @_sc_hists(%arg0: i32, %arg1: i32, %arg2: memref<786432xf32, #tpu.memory_space<hbm>>, %arg3: memref<786432xf32, #tpu.memory_space<hbm>>, %arg4: memref<2048xf32, #tpu.memory_space<hbm>>, %arg5: memref<16384xf32, #tpu.memory_space<vmem>>, %arg6: memref<1152xf32, #tpu.memory_space<vmem>>, %arg7: memref<64xf32, #tpu.memory_space<vmem>>, %arg8: memref<!tpu.dma_semaphore, #tpu.memory_space<semaphore_mem>>, %arg9: memref<!tpu.dma_semaphore, #tpu.memory_space<semaphore_mem>>) attributes {dimension_semantics = [#tpu.dimension_semantics<core_parallel>, #tpu.dimension_semantics<subcore_parallel>], iteration_bounds = array<i64: 2, 16>, scalar_prefetch = 0 : i64, scratch_operands = 5 : i64, tpu.core_type = #tpu.core_type<sc_vector_subcore>, window_params = [{transform_indices = #map}, {transform_indices = #map}, {transform_indices = #map}]} {
    %jit3A = arith.constant 2 : i32
    %div3A = arith.divsi %arg1, %jit3A : i32
    %sign3A = arith.constant 0 : i32
    %sign3A_0 = arith.cmpi sgt, %arg1, %sign3A : i32
    %sign3A_1 = arith.extui %sign3A_0 : i1 to i32
    %sign3A_2 = arith.constant 0 : i32
    %sign3A_3 = arith.cmpi slt, %arg1, %sign3A_2 : i32
    %sign3A_4 = arith.extui %sign3A_3 : i1 to i32
    %sign3A_5 = arith.subi %sign3A_1, %sign3A_4 : i32
    %sign3A_6 = arith.constant 0 : i32
    %sign3A_7 = arith.cmpi sgt, %jit3A, %sign3A_6 : i32
    %sign3A_8 = arith.extui %sign3A_7 : i1 to i32
    %sign3A_9 = arith.constant 0 : i32
    %sign3A_10 = arith.cmpi slt, %jit3A, %sign3A_9 : i32
    %sign3A_11 = arith.extui %sign3A_10 : i1 to i32
    %sign3A_12 = arith.subi %sign3A_8, %sign3A_11 : i32
    %ne3A = arith.cmpi ne, %sign3A_5, %sign3A_12 : i32
    %rem3A = arith.remsi %arg1, %jit3A : i32
    %ne3A_13 = arith.constant 0 : i32
    %ne3A_14 = arith.cmpi ne, %rem3A, %ne3A_13 : i32
    %and3A = arith.andi %ne3A, %ne3A_14 : i1
    %sub3A = arith.constant 1 : i32
    %sub3A_15 = arith.subi %div3A, %sub3A : i32
    %select_n3A = arith.select %and3A, %sub3A_15, %div3A : i32
    %mul3A = arith.constant 98304 : i32
    %mul3A_16 = arith.muli %select_n3A, %mul3A : i32
    %jit3A_17 = arith.constant 2 : i32
    %eq3A = arith.constant 0 : i32
    %eq3A_18 = arith.cmpi eq, %jit3A_17, %eq3A : i32
    %jit3A_19 = arith.constant 1 : i32
    %select_n3A_20 = arith.select %eq3A_18, %jit3A_19, %jit3A_17 : i32
    %rem3A_21 = arith.remsi %arg1, %select_n3A_20 : i32
    %ne3A_22 = arith.constant 0 : i32
    %ne3A_23 = arith.cmpi ne, %rem3A_21, %ne3A_22 : i32
    %lt3A = arith.constant 0 : i32
    %lt3A_24 = arith.cmpi slt, %rem3A_21, %lt3A : i32
    %lt3A_25 = arith.constant 0 : i32
    %lt3A_26 = arith.cmpi slt, %select_n3A_20, %lt3A_25 : i32
    %ne3A_27 = arith.xori %lt3A_24, %lt3A_26 : i1
    %and3A_28 = arith.andi %ne3A_27, %ne3A_23 : i1
    %add3A = arith.addi %rem3A_21, %select_n3A_20 : i32
    %select_n3A_29 = arith.select %and3A_28, %add3A, %rem3A_21 : i32
    %mul3A_30 = arith.constant 49152 : i32
    %mul3A_31 = arith.muli %select_n3A_29, %mul3A_30 : i32
    %add3A_32 = arith.addi %mul3A_16, %mul3A_31 : i32
    %add3A_33 = arith.constant 0 : i32
    %add3A_34 = arith.addi %add3A_32, %add3A_33 : i32
    %eq3A_35 = arith.constant 0 : i32
    %eq3A_36 = arith.cmpi eq, %arg0, %eq3A_35 : i32
    %convert_element_type3A = arith.extui %eq3A_36 : i1 to i32
    %cond3A = arith.constant 0 : i32
    %cond3A_37 = arith.cmpi ne, %convert_element_type3A, %cond3A : i32
    scf.if %cond3A_37 {
      %dma_start3A = arith.constant 0 : i32
      %dma_start3A_433 = tpu.memref_slice %arg5[%dma_start3A] : memref<16384xf32, #tpu.memory_space<vmem>> -> memref<8192xf32, #tpu.memory_space<vmem>>
      %dma_start3A_434 = tpu.memref_slice %arg2[%add3A_34] : memref<786432xf32, #tpu.memory_space<hbm>> -> memref<8192xf32, #tpu.memory_space<hbm>>
      %dma_start3A_435 = arith.constant 0 : i32
      %dma_start3A_436 = tpu.memref_slice %arg5[%dma_start3A_435] : memref<16384xf32, #tpu.memory_space<vmem>> -> memref<8192xf32, #tpu.memory_space<vmem>>
      %dma_start3A_437 = tpu.memref_slice %arg2[%add3A_34] : memref<786432xf32, #tpu.memory_space<hbm>> -> memref<8192xf32, #tpu.memory_space<hbm>>
      tpu.enqueue_dma source(%dma_start3A_437 : memref<8192xf32, #tpu.memory_space<hbm>>) target(%dma_start3A_436 : memref<8192xf32, #tpu.memory_space<vmem>>) target_semaphore(%arg8 : memref<!tpu.dma_semaphore, #tpu.memory_space<semaphore_mem>>)
    } else {
    }
    %eq3A_38 = arith.constant 1 : i32
    %eq3A_39 = arith.cmpi eq, %arg0, %eq3A_38 : i32
    %convert_element_type3A_40 = arith.extui %eq3A_39 : i1 to i32
    %cond3A_41 = arith.constant 0 : i32
    %cond3A_42 = arith.cmpi ne, %convert_element_type3A_40, %cond3A_41 : i32
    scf.if %cond3A_42 {
      %dma_start3A = arith.constant 0 : i32
      %dma_start3A_433 = tpu.memref_slice %arg5[%dma_start3A] : memref<16384xf32, #tpu.memory_space<vmem>> -> memref<8192xf32, #tpu.memory_space<vmem>>
      %dma_start3A_434 = tpu.memref_slice %arg3[%add3A_34] : memref<786432xf32, #tpu.memory_space<hbm>> -> memref<8192xf32, #tpu.memory_space<hbm>>
      %dma_start3A_435 = arith.constant 0 : i32
      %dma_start3A_436 = tpu.memref_slice %arg5[%dma_start3A_435] : memref<16384xf32, #tpu.memory_space<vmem>> -> memref<8192xf32, #tpu.memory_space<vmem>>
      %dma_start3A_437 = tpu.memref_slice %arg3[%add3A_34] : memref<786432xf32, #tpu.memory_space<hbm>> -> memref<8192xf32, #tpu.memory_space<hbm>>
      tpu.enqueue_dma source(%dma_start3A_437 : memref<8192xf32, #tpu.memory_space<hbm>>) target(%dma_start3A_436 : memref<8192xf32, #tpu.memory_space<vmem>>) target_semaphore(%arg8 : memref<!tpu.dma_semaphore, #tpu.memory_space<semaphore_mem>>)
    } else {
    }
    %broadcast_in_dim3A = arith.constant 0.000000e+00 : f32
    %broadcast_in_dim3A_43 = vector.broadcast %broadcast_in_dim3A : f32 to vector<16xf32>
    %scan3A = arith.constant 0 : i32
    %scan3A_44 = arith.constant 0 : i32
    %scan3A_45 = arith.constant 72 : i32
    %scan3A_46 = arith.addi %scan3A_44, %scan3A_45 : i32
    %scan3A_47 = arith.constant 1 : i32
    scf.for %scan3A_433 = %scan3A_44 to %scan3A_46 step %scan3A_47  : i32 {
      %mul3A_434 = arith.constant 16 : i32
      %mul3A_435 = arith.muli %scan3A_433, %mul3A_434 : i32
      %swap3A_436 = arith.index_cast %mul3A_435 : i32 to index
      %swap3A_437 = tpu.vector_load %arg6[%swap3A_436] {strides = array<i32>} : memref<1152xf32, #tpu.memory_space<vmem>>, vector<16xf32>,
      tpu.vector_store %arg6[%swap3A_436], %broadcast_in_dim3A_43 {strides = array<i32>} : memref<1152xf32, #tpu.memory_space<vmem>>, vector<16xf32>,
    }
    %scan3A_48 = arith.constant 72 : i32
    %iota3A = tpu.iota {dimensions = array<i32: 0>} : vector<16xi32>
    %mul3A_49 = arith.constant 72 : i32
    %mul3A_50 = vector.broadcast %mul3A_49 : i32 to vector<16xi32>
    %mul3A_51 = arith.muli %iota3A, %mul3A_50 : vector<16xi32>
    %add3A_52 = arith.constant 0 : i32
    %add3A_53 = vector.broadcast %add3A_52 : i32 to vector<16xi32>
    %add3A_54 = arith.addi %mul3A_51, %add3A_53 : vector<16xi32>
    %mul3A_55 = arith.constant 72 : i32
    %mul3A_56 = vector.broadcast %mul3A_55 : i32 to vector<16xi32>
    %mul3A_57 = arith.muli %iota3A, %mul3A_56 : vector<16xi32>
    %add3A_58 = arith.constant 1 : i32
    %add3A_59 = vector.broadcast %add3A_58 : i32 to vector<16xi32>
    %add3A_60 = arith.addi %mul3A_57, %add3A_59 : vector<16xi32>
    %mul3A_61 = arith.constant 72 : i32
    %mul3A_62 = vector.broadcast %mul3A_61 : i32 to vector<16xi32>
    %mul3A_63 = arith.muli %iota3A, %mul3A_62 : vector<16xi32>
    %add3A_64 = arith.constant 2 : i32
    %add3A_65 = vector.broadcast %add3A_64 : i32 to vector<16xi32>
    %add3A_66 = arith.addi %mul3A_63, %add3A_65 : vector<16xi32>
    %add3A_67 = arith.constant 8192 : i32
    %add3A_68 = arith.addi %add3A_32, %add3A_67 : i32
    %eq3A_69 = arith.constant 0 : i32
    %eq3A_70 = arith.cmpi eq, %arg0, %eq3A_69 : i32
    %convert_element_type3A_71 = arith.extui %eq3A_70 : i1 to i32
    %cond3A_72 = arith.constant 0 : i32
    %cond3A_73 = arith.cmpi ne, %convert_element_type3A_71, %cond3A_72 : i32
    scf.if %cond3A_73 {
      %dma_start3A = arith.constant 8192 : i32
      %dma_start3A_433 = tpu.memref_slice %arg5[%dma_start3A] : memref<16384xf32, #tpu.memory_space<vmem>> -> memref<8192xf32, #tpu.memory_space<vmem>>
      %dma_start3A_434 = tpu.memref_slice %arg2[%add3A_68] : memref<786432xf32, #tpu.memory_space<hbm>> -> memref<8192xf32, #tpu.memory_space<hbm>>
      %dma_start3A_435 = arith.constant 8192 : i32
      %dma_start3A_436 = tpu.memref_slice %arg5[%dma_start3A_435] : memref<16384xf32, #tpu.memory_space<vmem>> -> memref<8192xf32, #tpu.memory_space<vmem>>
      %dma_start3A_437 = tpu.memref_slice %arg2[%add3A_68] : memref<786432xf32, #tpu.memory_space<hbm>> -> memref<8192xf32, #tpu.memory_space<hbm>>
      tpu.enqueue_dma source(%dma_start3A_437 : memref<8192xf32, #tpu.memory_space<hbm>>) target(%dma_start3A_436 : memref<8192xf32, #tpu.memory_space<vmem>>) target_semaphore(%arg9 : memref<!tpu.dma_semaphore, #tpu.memory_space<semaphore_mem>>)
    } else {
    }
    %eq3A_74 = arith.constant 1 : i32
    %eq3A_75 = arith.cmpi eq, %arg0, %eq3A_74 : i32
    %convert_element_type3A_76 = arith.extui %eq3A_75 : i1 to i32
    %cond3A_77 = arith.constant 0 : i32
    %cond3A_78 = arith.cmpi ne, %convert_element_type3A_76, %cond3A_77 : i32
    scf.if %cond3A_78 {
      %dma_start3A = arith.constant 8192 : i32
      %dma_start3A_433 = tpu.memref_slice %arg5[%dma_start3A] : memref<16384xf32, #tpu.memory_space<vmem>> -> memref<8192xf32, #tpu.memory_space<vmem>>
      %dma_start3A_434 = tpu.memref_slice %arg3[%add3A_68] : memref<786432xf32, #tpu.memory_space<hbm>> -> memref<8192xf32, #tpu.memory_space<hbm>>
      %dma_start3A_435 = arith.constant 8192 : i32
      %dma_start3A_436 = tpu.memref_slice %arg5[%dma_start3A_435] : memref<16384xf32, #tpu.memory_space<vmem>> -> memref<8192xf32, #tpu.memory_space<vmem>>
      %dma_start3A_437 = tpu.memref_slice %arg3[%add3A_68] : memref<786432xf32, #tpu.memory_space<hbm>> -> memref<8192xf32, #tpu.memory_space<hbm>>
      tpu.enqueue_dma source(%dma_start3A_437 : memref<8192xf32, #tpu.memory_space<hbm>>) target(%dma_start3A_436 : memref<8192xf32, #tpu.memory_space<vmem>>) target_semaphore(%arg9 : memref<!tpu.dma_semaphore, #tpu.memory_space<semaphore_mem>>)
    } else {
    }
    %dma_wait3A = arith.constant 0 : i32
    %dma_wait3A_79 = tpu.memref_slice %arg5[%dma_wait3A] : memref<16384xf32, #tpu.memory_space<vmem>> -> memref<8192xf32, #tpu.memory_space<vmem>>
    %dma_wait3A_80 = arith.constant 0 : i32
    %dma_wait3A_81 = tpu.memref_slice %arg2[%dma_wait3A_80] : memref<786432xf32, #tpu.memory_space<hbm>> -> memref<8192xf32, #tpu.memory_space<hbm>>
    %dma_wait3A_82 = arith.constant 0 : i32
    %dma_wait3A_83 = tpu.memref_slice %arg5[%dma_wait3A_82] : memref<16384xf32, #tpu.memory_space<vmem>> -> memref<8192xf32, #tpu.memory_space<vmem>>
    %dma_wait3A_84 = arith.constant 0 : i32
    %dma_wait3A_85 = tpu.memref_slice %arg2[%dma_wait3A_84] : memref<786432xf32, #tpu.memory_space<hbm>> -> memref<8192xf32, #tpu.memory_space<hbm>>
    tpu.wait_dma2 semaphore(%arg8 : memref<!tpu.dma_semaphore, #tpu.memory_space<semaphore_mem>>) src(%dma_wait3A_85 : memref<8192xf32, #tpu.memory_space<hbm>>) dst(%dma_wait3A_83 : memref<8192xf32, #tpu.memory_space<vmem>>)
    %parallel_loop3A = arith.constant 0 : i32
    %parallel_loop3A_86 = arith.constant 8192 : i32
    %parallel_loop3A_87 = arith.constant 16 : i32
    scf.for %parallel_loop3A_433 = %parallel_loop3A to %parallel_loop3A_86 step %parallel_loop3A_87  : i32 {
      %parallel_loop3A_434 = arith.index_cast %parallel_loop3A_433 : i32 to index
      %parallel_loop3A_435 = tpu.vector_load %arg5[%parallel_loop3A_434] {strides = array<i32>} : memref<16384xf32, #tpu.memory_space<vmem>>, vector<16xf32>,
      %parallel_loop3A_436 = arith.constant 8.000000e+00 : f32
      %parallel_loop3A_437 = vector.broadcast %parallel_loop3A_436 : f32 to vector<16xf32>
      %parallel_loop3A_438 = arith.mulf %parallel_loop3A_435, %parallel_loop3A_437 : vector<16xf32>
      %parallel_loop3A_439 = arith.constant 3.200000e+01 : f32
      %parallel_loop3A_440 = vector.broadcast %parallel_loop3A_439 : f32 to vector<16xf32>
      %parallel_loop3A_441 = arith.addf %parallel_loop3A_438, %parallel_loop3A_440 : vector<16xf32>
      %parallel_loop3A_442 = arith.constant 0.000000e+00 : f32
      %parallel_loop3A_443 = vector.broadcast %parallel_loop3A_442 : f32 to vector<16xf32>
      %parallel_loop3A_444 = arith.maximumf %parallel_loop3A_441, %parallel_loop3A_443 : vector<16xf32>
      %parallel_loop3A_445 = arith.constant 6.300000e+01 : f32
      %parallel_loop3A_446 = vector.broadcast %parallel_loop3A_445 : f32 to vector<16xf32>
      %parallel_loop3A_447 = arith.minimumf %parallel_loop3A_444, %parallel_loop3A_446 : vector<16xf32>
      %parallel_loop3A_448 = arith.fptosi %parallel_loop3A_447 : vector<16xf32> to vector<16xi32>
      %parallel_loop3A_449 = arith.sitofp %parallel_loop3A_448 : vector<16xi32> to vector<16xf32>
      %parallel_loop3A_450 = arith.subf %parallel_loop3A_449, %parallel_loop3A_441 : vector<16xf32>
      %parallel_loop3A_451 = arith.constant 1.250000e+01 : f32
      %parallel_loop3A_452 = vector.broadcast %parallel_loop3A_451 : f32 to vector<16xf32>
      %parallel_loop3A_453 = arith.mulf %parallel_loop3A_450, %parallel_loop3A_452 : vector<16xf32>
      %parallel_loop3A_454 = math.exp %parallel_loop3A_453 : vector<16xf32>
      %parallel_loop3A_455 = arith.constant 1.000000e+00 : f32
      %parallel_loop3A_456 = vector.broadcast %parallel_loop3A_455 : f32 to vector<16xf32>
      %parallel_loop3A_457 = arith.addf %parallel_loop3A_456, %parallel_loop3A_454 : vector<16xf32>
      %parallel_loop3A_458 = arith.constant 1.000000e+00 : f32
      %parallel_loop3A_459 = vector.broadcast %parallel_loop3A_458 : f32 to vector<16xf32>
      %parallel_loop3A_460 = arith.divf %parallel_loop3A_459, %parallel_loop3A_457 : vector<16xf32>
      %parallel_loop3A_461 = arith.constant 268337.281 : f32
      %parallel_loop3A_462 = vector.broadcast %parallel_loop3A_461 : f32 to vector<16xf32>
      %parallel_loop3A_463 = arith.mulf %parallel_loop3A_454, %parallel_loop3A_462 : vector<16xf32>
      %parallel_loop3A_464 = arith.constant 1.000000e+00 : f32
      %parallel_loop3A_465 = vector.broadcast %parallel_loop3A_464 : f32 to vector<16xf32>
      %parallel_loop3A_466 = arith.addf %parallel_loop3A_465, %parallel_loop3A_463 : vector<16xf32>
      %parallel_loop3A_467 = arith.constant 1.000000e+00 : f32
      %parallel_loop3A_468 = vector.broadcast %parallel_loop3A_467 : f32 to vector<16xf32>
      %parallel_loop3A_469 = arith.divf %parallel_loop3A_468, %parallel_loop3A_466 : vector<16xf32>
      %parallel_loop3A_470 = arith.constant 1.000000e+00 : f32
      %parallel_loop3A_471 = vector.broadcast %parallel_loop3A_470 : f32 to vector<16xf32>
      %parallel_loop3A_472 = arith.subf %parallel_loop3A_471, %parallel_loop3A_460 : vector<16xf32>
      %parallel_loop3A_473 = arith.subf %parallel_loop3A_460, %parallel_loop3A_469 : vector<16xf32>
      %parallel_loop3A_474 = arith.addi %add3A_54, %parallel_loop3A_448 : vector<16xi32>
      tpu.vector_store_idx %arg6[%parallel_loop3A_474], %parallel_loop3A_472 {add = true} : memref<1152xf32, #tpu.memory_space<vmem>>[vector<16xi32>], vector<16xf32>,
      %parallel_loop3A_475 = arith.addi %add3A_60, %parallel_loop3A_448 : vector<16xi32>
      tpu.vector_store_idx %arg6[%parallel_loop3A_475], %parallel_loop3A_473 {add = true} : memref<1152xf32, #tpu.memory_space<vmem>>[vector<16xi32>], vector<16xf32>,
      %parallel_loop3A_476 = arith.addi %add3A_66, %parallel_loop3A_448 : vector<16xi32>
      tpu.vector_store_idx %arg6[%parallel_loop3A_476], %parallel_loop3A_469 {add = true} : memref<1152xf32, #tpu.memory_space<vmem>>[vector<16xi32>], vector<16xf32>,
    } {sc.loop_unroll_factor = 4 : i64, sc.parallel_access}
    %add3A_88 = arith.constant 16384 : i32
    %add3A_89 = arith.addi %add3A_32, %add3A_88 : i32
    %eq3A_90 = arith.constant 0 : i32
    %eq3A_91 = arith.cmpi eq, %arg0, %eq3A_90 : i32
    %convert_element_type3A_92 = arith.extui %eq3A_91 : i1 to i32
    %cond3A_93 = arith.constant 0 : i32
    %cond3A_94 = arith.cmpi ne, %convert_element_type3A_92, %cond3A_93 : i32
    scf.if %cond3A_94 {
      %dma_start3A = arith.constant 0 : i32
      %dma_start3A_433 = tpu.memref_slice %arg5[%dma_start3A] : memref<16384xf32, #tpu.memory_space<vmem>> -> memref<8192xf32, #tpu.memory_space<vmem>>
      %dma_start3A_434 = tpu.memref_slice %arg2[%add3A_89] : memref<786432xf32, #tpu.memory_space<hbm>> -> memref<8192xf32, #tpu.memory_space<hbm>>
      %dma_start3A_435 = arith.constant 0 : i32
      %dma_start3A_436 = tpu.memref_slice %arg5[%dma_start3A_435] : memref<16384xf32, #tpu.memory_space<vmem>> -> memref<8192xf32, #tpu.memory_space<vmem>>
      %dma_start3A_437 = tpu.memref_slice %arg2[%add3A_89] : memref<786432xf32, #tpu.memory_space<hbm>> -> memref<8192xf32, #tpu.memory_space<hbm>>
      tpu.enqueue_dma source(%dma_start3A_437 : memref<8192xf32, #tpu.memory_space<hbm>>) target(%dma_start3A_436 : memref<8192xf32, #tpu.memory_space<vmem>>) target_semaphore(%arg8 : memref<!tpu.dma_semaphore, #tpu.memory_space<semaphore_mem>>)
    } else {
    }
    %eq3A_95 = arith.constant 1 : i32
    %eq3A_96 = arith.cmpi eq, %arg0, %eq3A_95 : i32
    %convert_element_type3A_97 = arith.extui %eq3A_96 : i1 to i32
    %cond3A_98 = arith.constant 0 : i32
    %cond3A_99 = arith.cmpi ne, %convert_element_type3A_97, %cond3A_98 : i32
    scf.if %cond3A_99 {
      %dma_start3A = arith.constant 0 : i32
      %dma_start3A_433 = tpu.memref_slice %arg5[%dma_start3A] : memref<16384xf32, #tpu.memory_space<vmem>> -> memref<8192xf32, #tpu.memory_space<vmem>>
      %dma_start3A_434 = tpu.memref_slice %arg3[%add3A_89] : memref<786432xf32, #tpu.memory_space<hbm>> -> memref<8192xf32, #tpu.memory_space<hbm>>
      %dma_start3A_435 = arith.constant 0 : i32
      %dma_start3A_436 = tpu.memref_slice %arg5[%dma_start3A_435] : memref<16384xf32, #tpu.memory_space<vmem>> -> memref<8192xf32, #tpu.memory_space<vmem>>
      %dma_start3A_437 = tpu.memref_slice %arg3[%add3A_89] : memref<786432xf32, #tpu.memory_space<hbm>> -> memref<8192xf32, #tpu.memory_space<hbm>>
      tpu.enqueue_dma source(%dma_start3A_437 : memref<8192xf32, #tpu.memory_space<hbm>>) target(%dma_start3A_436 : memref<8192xf32, #tpu.memory_space<vmem>>) target_semaphore(%arg8 : memref<!tpu.dma_semaphore, #tpu.memory_space<semaphore_mem>>)
    } else {
    }
    %dma_wait3A_100 = arith.constant 8192 : i32
    %dma_wait3A_101 = tpu.memref_slice %arg5[%dma_wait3A_100] : memref<16384xf32, #tpu.memory_space<vmem>> -> memref<8192xf32, #tpu.memory_space<vmem>>
    %dma_wait3A_102 = arith.constant 0 : i32
    %dma_wait3A_103 = tpu.memref_slice %arg2[%dma_wait3A_102] : memref<786432xf32, #tpu.memory_space<hbm>> -> memref<8192xf32, #tpu.memory_space<hbm>>
    %dma_wait3A_104 = arith.constant 8192 : i32
    %dma_wait3A_105 = tpu.memref_slice %arg5[%dma_wait3A_104] : memref<16384xf32, #tpu.memory_space<vmem>> -> memref<8192xf32, #tpu.memory_space<vmem>>
    %dma_wait3A_106 = arith.constant 0 : i32
    %dma_wait3A_107 = tpu.memref_slice %arg2[%dma_wait3A_106] : memref<786432xf32, #tpu.memory_space<hbm>> -> memref<8192xf32, #tpu.memory_space<hbm>>
    tpu.wait_dma2 semaphore(%arg9 : memref<!tpu.dma_semaphore, #tpu.memory_space<semaphore_mem>>) src(%dma_wait3A_107 : memref<8192xf32, #tpu.memory_space<hbm>>) dst(%dma_wait3A_105 : memref<8192xf32, #tpu.memory_space<vmem>>)
    %parallel_loop3A_108 = arith.constant 8192 : i32
    %parallel_loop3A_109 = arith.constant 16384 : i32
    %parallel_loop3A_110 = arith.constant 16 : i32
    scf.for %parallel_loop3A_433 = %parallel_loop3A_108 to %parallel_loop3A_109 step %parallel_loop3A_110  : i32 {
      %parallel_loop3A_434 = arith.index_cast %parallel_loop3A_433 : i32 to index
      %parallel_loop3A_435 = tpu.vector_load %arg5[%parallel_loop3A_434] {strides = array<i32>} : memref<16384xf32, #tpu.memory_space<vmem>>, vector<16xf32>,
      %parallel_loop3A_436 = arith.constant 8.000000e+00 : f32
      %parallel_loop3A_437 = vector.broadcast %parallel_loop3A_436 : f32 to vector<16xf32>
      %parallel_loop3A_438 = arith.mulf %parallel_loop3A_435, %parallel_loop3A_437 : vector<16xf32>
      %parallel_loop3A_439 = arith.constant 3.200000e+01 : f32
      %parallel_loop3A_440 = vector.broadcast %parallel_loop3A_439 : f32 to vector<16xf32>
      %parallel_loop3A_441 = arith.addf %parallel_loop3A_438, %parallel_loop3A_440 : vector<16xf32>
      %parallel_loop3A_442 = arith.constant 0.000000e+00 : f32
      %parallel_loop3A_443 = vector.broadcast %parallel_loop3A_442 : f32 to vector<16xf32>
      %parallel_loop3A_444 = arith.maximumf %parallel_loop3A_441, %parallel_loop3A_443 : vector<16xf32>
      %parallel_loop3A_445 = arith.constant 6.300000e+01 : f32
      %parallel_loop3A_446 = vector.broadcast %parallel_loop3A_445 : f32 to vector<16xf32>
      %parallel_loop3A_447 = arith.minimumf %parallel_loop3A_444, %parallel_loop3A_446 : vector<16xf32>
      %parallel_loop3A_448 = arith.fptosi %parallel_loop3A_447 : vector<16xf32> to vector<16xi32>
      %parallel_loop3A_449 = arith.sitofp %parallel_loop3A_448 : vector<16xi32> to vector<16xf32>
      %parallel_loop3A_450 = arith.subf %parallel_loop3A_449, %parallel_loop3A_441 : vector<16xf32>
      %parallel_loop3A_451 = arith.constant 1.250000e+01 : f32
      %parallel_loop3A_452 = vector.broadcast %parallel_loop3A_451 : f32 to vector<16xf32>
      %parallel_loop3A_453 = arith.mulf %parallel_loop3A_450, %parallel_loop3A_452 : vector<16xf32>
      %parallel_loop3A_454 = math.exp %parallel_loop3A_453 : vector<16xf32>
      %parallel_loop3A_455 = arith.constant 1.000000e+00 : f32
      %parallel_loop3A_456 = vector.broadcast %parallel_loop3A_455 : f32 to vector<16xf32>
      %parallel_loop3A_457 = arith.addf %parallel_loop3A_456, %parallel_loop3A_454 : vector<16xf32>
      %parallel_loop3A_458 = arith.constant 1.000000e+00 : f32
      %parallel_loop3A_459 = vector.broadcast %parallel_loop3A_458 : f32 to vector<16xf32>
      %parallel_loop3A_460 = arith.divf %parallel_loop3A_459, %parallel_loop3A_457 : vector<16xf32>
      %parallel_loop3A_461 = arith.constant 268337.281 : f32
      %parallel_loop3A_462 = vector.broadcast %parallel_loop3A_461 : f32 to vector<16xf32>
      %parallel_loop3A_463 = arith.mulf %parallel_loop3A_454, %parallel_loop3A_462 : vector<16xf32>
      %parallel_loop3A_464 = arith.constant 1.000000e+00 : f32
      %parallel_loop3A_465 = vector.broadcast %parallel_loop3A_464 : f32 to vector<16xf32>
      %parallel_loop3A_466 = arith.addf %parallel_loop3A_465, %parallel_loop3A_463 : vector<16xf32>
      %parallel_loop3A_467 = arith.constant 1.000000e+00 : f32
      %parallel_loop3A_468 = vector.broadcast %parallel_loop3A_467 : f32 to vector<16xf32>
      %parallel_loop3A_469 = arith.divf %parallel_loop3A_468, %parallel_loop3A_466 : vector<16xf32>
      %parallel_loop3A_470 = arith.constant 1.000000e+00 : f32
      %parallel_loop3A_471 = vector.broadcast %parallel_loop3A_470 : f32 to vector<16xf32>
      %parallel_loop3A_472 = arith.subf %parallel_loop3A_471, %parallel_loop3A_460 : vector<16xf32>
      %parallel_loop3A_473 = arith.subf %parallel_loop3A_460, %parallel_loop3A_469 : vector<16xf32>
      %parallel_loop3A_474 = arith.addi %add3A_54, %parallel_loop3A_448 : vector<16xi32>
      tpu.vector_store_idx %arg6[%parallel_loop3A_474], %parallel_loop3A_472 {add = true} : memref<1152xf32, #tpu.memory_space<vmem>>[vector<16xi32>], vector<16xf32>,
      %parallel_loop3A_475 = arith.addi %add3A_60, %parallel_loop3A_448 : vector<16xi32>
      tpu.vector_store_idx %arg6[%parallel_loop3A_475], %parallel_loop3A_473 {add = true} : memref<1152xf32, #tpu.memory_space<vmem>>[vector<16xi32>], vector<16xf32>,
      %parallel_loop3A_476 = arith.addi %add3A_66, %parallel_loop3A_448 : vector<16xi32>
      tpu.vector_store_idx %arg6[%parallel_loop3A_476], %parallel_loop3A_469 {add = true} : memref<1152xf32, #tpu.memory_space<vmem>>[vector<16xi32>], vector<16xf32>,
    } {sc.loop_unroll_factor = 4 : i64, sc.parallel_access}
    %add3A_111 = arith.constant 24576 : i32
    %add3A_112 = arith.addi %add3A_32, %add3A_111 : i32
    %eq3A_113 = arith.constant 0 : i32
    %eq3A_114 = arith.cmpi eq, %arg0, %eq3A_113 : i32
    %convert_element_type3A_115 = arith.extui %eq3A_114 : i1 to i32
    %cond3A_116 = arith.constant 0 : i32
    %cond3A_117 = arith.cmpi ne, %convert_element_type3A_115, %cond3A_116 : i32
    scf.if %cond3A_117 {
      %dma_start3A = arith.constant 8192 : i32
      %dma_start3A_433 = tpu.memref_slice %arg5[%dma_start3A] : memref<16384xf32, #tpu.memory_space<vmem>> -> memref<8192xf32, #tpu.memory_space<vmem>>
      %dma_start3A_434 = tpu.memref_slice %arg2[%add3A_112] : memref<786432xf32, #tpu.memory_space<hbm>> -> memref<8192xf32, #tpu.memory_space<hbm>>
      %dma_start3A_435 = arith.constant 8192 : i32
      %dma_start3A_436 = tpu.memref_slice %arg5[%dma_start3A_435] : memref<16384xf32, #tpu.memory_space<vmem>> -> memref<8192xf32, #tpu.memory_space<vmem>>
      %dma_start3A_437 = tpu.memref_slice %arg2[%add3A_112] : memref<786432xf32, #tpu.memory_space<hbm>> -> memref<8192xf32, #tpu.memory_space<hbm>>
      tpu.enqueue_dma source(%dma_start3A_437 : memref<8192xf32, #tpu.memory_space<hbm>>) target(%dma_start3A_436 : memref<8192xf32, #tpu.memory_space<vmem>>) target_semaphore(%arg9 : memref<!tpu.dma_semaphore, #tpu.memory_space<semaphore_mem>>)
    } else {
    }
    %eq3A_118 = arith.constant 1 : i32
    %eq3A_119 = arith.cmpi eq, %arg0, %eq3A_118 : i32
    %convert_element_type3A_120 = arith.extui %eq3A_119 : i1 to i32
    %cond3A_121 = arith.constant 0 : i32
    %cond3A_122 = arith.cmpi ne, %convert_element_type3A_120, %cond3A_121 : i32
    scf.if %cond3A_122 {
      %dma_start3A = arith.constant 8192 : i32
      %dma_start3A_433 = tpu.memref_slice %arg5[%dma_start3A] : memref<16384xf32, #tpu.memory_space<vmem>> -> memref<8192xf32, #tpu.memory_space<vmem>>
      %dma_start3A_434 = tpu.memref_slice %arg3[%add3A_112] : memref<786432xf32, #tpu.memory_space<hbm>> -> memref<8192xf32, #tpu.memory_space<hbm>>
      %dma_start3A_435 = arith.constant 8192 : i32
      %dma_start3A_436 = tpu.memref_slice %arg5[%dma_start3A_435] : memref<16384xf32, #tpu.memory_space<vmem>> -> memref<8192xf32, #tpu.memory_space<vmem>>
      %dma_start3A_437 = tpu.memref_slice %arg3[%add3A_112] : memref<786432xf32, #tpu.memory_space<hbm>> -> memref<8192xf32, #tpu.memory_space<hbm>>
      tpu.enqueue_dma source(%dma_start3A_437 : memref<8192xf32, #tpu.memory_space<hbm>>) target(%dma_start3A_436 : memref<8192xf32, #tpu.memory_space<vmem>>) target_semaphore(%arg9 : memref<!tpu.dma_semaphore, #tpu.memory_space<semaphore_mem>>)
    } else {
    }
    %dma_wait3A_123 = arith.constant 0 : i32
    %dma_wait3A_124 = tpu.memref_slice %arg5[%dma_wait3A_123] : memref<16384xf32, #tpu.memory_space<vmem>> -> memref<8192xf32, #tpu.memory_space<vmem>>
    %dma_wait3A_125 = arith.constant 0 : i32
    %dma_wait3A_126 = tpu.memref_slice %arg2[%dma_wait3A_125] : memref<786432xf32, #tpu.memory_space<hbm>> -> memref<8192xf32, #tpu.memory_space<hbm>>
    %dma_wait3A_127 = arith.constant 0 : i32
    %dma_wait3A_128 = tpu.memref_slice %arg5[%dma_wait3A_127] : memref<16384xf32, #tpu.memory_space<vmem>> -> memref<8192xf32, #tpu.memory_space<vmem>>
    %dma_wait3A_129 = arith.constant 0 : i32
    %dma_wait3A_130 = tpu.memref_slice %arg2[%dma_wait3A_129] : memref<786432xf32, #tpu.memory_space<hbm>> -> memref<8192xf32, #tpu.memory_space<hbm>>
    tpu.wait_dma2 semaphore(%arg8 : memref<!tpu.dma_semaphore, #tpu.memory_space<semaphore_mem>>) src(%dma_wait3A_130 : memref<8192xf32, #tpu.memory_space<hbm>>) dst(%dma_wait3A_128 : memref<8192xf32, #tpu.memory_space<vmem>>)
    %parallel_loop3A_131 = arith.constant 0 : i32
    %parallel_loop3A_132 = arith.constant 8192 : i32
    %parallel_loop3A_133 = arith.constant 16 : i32
    scf.for %parallel_loop3A_433 = %parallel_loop3A_131 to %parallel_loop3A_132 step %parallel_loop3A_133  : i32 {
      %parallel_loop3A_434 = arith.index_cast %parallel_loop3A_433 : i32 to index
      %parallel_loop3A_435 = tpu.vector_load %arg5[%parallel_loop3A_434] {strides = array<i32>} : memref<16384xf32, #tpu.memory_space<vmem>>, vector<16xf32>,
      %parallel_loop3A_436 = arith.constant 8.000000e+00 : f32
      %parallel_loop3A_437 = vector.broadcast %parallel_loop3A_436 : f32 to vector<16xf32>
      %parallel_loop3A_438 = arith.mulf %parallel_loop3A_435, %parallel_loop3A_437 : vector<16xf32>
      %parallel_loop3A_439 = arith.constant 3.200000e+01 : f32
      %parallel_loop3A_440 = vector.broadcast %parallel_loop3A_439 : f32 to vector<16xf32>
      %parallel_loop3A_441 = arith.addf %parallel_loop3A_438, %parallel_loop3A_440 : vector<16xf32>
      %parallel_loop3A_442 = arith.constant 0.000000e+00 : f32
      %parallel_loop3A_443 = vector.broadcast %parallel_loop3A_442 : f32 to vector<16xf32>
      %parallel_loop3A_444 = arith.maximumf %parallel_loop3A_441, %parallel_loop3A_443 : vector<16xf32>
      %parallel_loop3A_445 = arith.constant 6.300000e+01 : f32
      %parallel_loop3A_446 = vector.broadcast %parallel_loop3A_445 : f32 to vector<16xf32>
      %parallel_loop3A_447 = arith.minimumf %parallel_loop3A_444, %parallel_loop3A_446 : vector<16xf32>
      %parallel_loop3A_448 = arith.fptosi %parallel_loop3A_447 : vector<16xf32> to vector<16xi32>
      %parallel_loop3A_449 = arith.sitofp %parallel_loop3A_448 : vector<16xi32> to vector<16xf32>
      %parallel_loop3A_450 = arith.subf %parallel_loop3A_449, %parallel_loop3A_441 : vector<16xf32>
      %parallel_loop3A_451 = arith.constant 1.250000e+01 : f32
      %parallel_loop3A_452 = vector.broadcast %parallel_loop3A_451 : f32 to vector<16xf32>
      %parallel_loop3A_453 = arith.mulf %parallel_loop3A_450, %parallel_loop3A_452 : vector<16xf32>
      %parallel_loop3A_454 = math.exp %parallel_loop3A_453 : vector<16xf32>
      %parallel_loop3A_455 = arith.constant 1.000000e+00 : f32
      %parallel_loop3A_456 = vector.broadcast %parallel_loop3A_455 : f32 to vector<16xf32>
      %parallel_loop3A_457 = arith.addf %parallel_loop3A_456, %parallel_loop3A_454 : vector<16xf32>
      %parallel_loop3A_458 = arith.constant 1.000000e+00 : f32
      %parallel_loop3A_459 = vector.broadcast %parallel_loop3A_458 : f32 to vector<16xf32>
      %parallel_loop3A_460 = arith.divf %parallel_loop3A_459, %parallel_loop3A_457 : vector<16xf32>
      %parallel_loop3A_461 = arith.constant 268337.281 : f32
      %parallel_loop3A_462 = vector.broadcast %parallel_loop3A_461 : f32 to vector<16xf32>
      %parallel_loop3A_463 = arith.mulf %parallel_loop3A_454, %parallel_loop3A_462 : vector<16xf32>
      %parallel_loop3A_464 = arith.constant 1.000000e+00 : f32
      %parallel_loop3A_465 = vector.broadcast %parallel_loop3A_464 : f32 to vector<16xf32>
      %parallel_loop3A_466 = arith.addf %parallel_loop3A_465, %parallel_loop3A_463 : vector<16xf32>
      %parallel_loop3A_467 = arith.constant 1.000000e+00 : f32
      %parallel_loop3A_468 = vector.broadcast %parallel_loop3A_467 : f32 to vector<16xf32>
      %parallel_loop3A_469 = arith.divf %parallel_loop3A_468, %parallel_loop3A_466 : vector<16xf32>
      %parallel_loop3A_470 = arith.constant 1.000000e+00 : f32
      %parallel_loop3A_471 = vector.broadcast %parallel_loop3A_470 : f32 to vector<16xf32>
      %parallel_loop3A_472 = arith.subf %parallel_loop3A_471, %parallel_loop3A_460 : vector<16xf32>
      %parallel_loop3A_473 = arith.subf %parallel_loop3A_460, %parallel_loop3A_469 : vector<16xf32>
      %parallel_loop3A_474 = arith.addi %add3A_54, %parallel_loop3A_448 : vector<16xi32>
      tpu.vector_store_idx %arg6[%parallel_loop3A_474], %parallel_loop3A_472 {add = true} : memref<1152xf32, #tpu.memory_space<vmem>>[vector<16xi32>], vector<16xf32>,
      %parallel_loop3A_475 = arith.addi %add3A_60, %parallel_loop3A_448 : vector<16xi32>
      tpu.vector_store_idx %arg6[%parallel_loop3A_475], %parallel_loop3A_473 {add = true} : memref<1152xf32, #tpu.memory_space<vmem>>[vector<16xi32>], vector<16xf32>,
      %parallel_loop3A_476 = arith.addi %add3A_66, %parallel_loop3A_448 : vector<16xi32>
      tpu.vector_store_idx %arg6[%parallel_loop3A_476], %parallel_loop3A_469 {add = true} : memref<1152xf32, #tpu.memory_space<vmem>>[vector<16xi32>], vector<16xf32>,
    } {sc.loop_unroll_factor = 4 : i64, sc.parallel_access}
    %add3A_134 = arith.constant 32768 : i32
    %add3A_135 = arith.addi %add3A_32, %add3A_134 : i32
    %eq3A_136 = arith.constant 0 : i32
    %eq3A_137 = arith.cmpi eq, %arg0, %eq3A_136 : i32
    %convert_element_type3A_138 = arith.extui %eq3A_137 : i1 to i32
    %cond3A_139 = arith.constant 0 : i32
    %cond3A_140 = arith.cmpi ne, %convert_element_type3A_138, %cond3A_139 : i32
    scf.if %cond3A_140 {
      %dma_start3A = arith.constant 0 : i32
      %dma_start3A_433 = tpu.memref_slice %arg5[%dma_start3A] : memref<16384xf32, #tpu.memory_space<vmem>> -> memref<8192xf32, #tpu.memory_space<vmem>>
      %dma_start3A_434 = tpu.memref_slice %arg2[%add3A_135] : memref<786432xf32, #tpu.memory_space<hbm>> -> memref<8192xf32, #tpu.memory_space<hbm>>
      %dma_start3A_435 = arith.constant 0 : i32
      %dma_start3A_436 = tpu.memref_slice %arg5[%dma_start3A_435] : memref<16384xf32, #tpu.memory_space<vmem>> -> memref<8192xf32, #tpu.memory_space<vmem>>
      %dma_start3A_437 = tpu.memref_slice %arg2[%add3A_135] : memref<786432xf32, #tpu.memory_space<hbm>> -> memref<8192xf32, #tpu.memory_space<hbm>>
      tpu.enqueue_dma source(%dma_start3A_437 : memref<8192xf32, #tpu.memory_space<hbm>>) target(%dma_start3A_436 : memref<8192xf32, #tpu.memory_space<vmem>>) target_semaphore(%arg8 : memref<!tpu.dma_semaphore, #tpu.memory_space<semaphore_mem>>)
    } else {
    }
    %eq3A_141 = arith.constant 1 : i32
    %eq3A_142 = arith.cmpi eq, %arg0, %eq3A_141 : i32
    %convert_element_type3A_143 = arith.extui %eq3A_142 : i1 to i32
    %cond3A_144 = arith.constant 0 : i32
    %cond3A_145 = arith.cmpi ne, %convert_element_type3A_143, %cond3A_144 : i32
    scf.if %cond3A_145 {
      %dma_start3A = arith.constant 0 : i32
      %dma_start3A_433 = tpu.memref_slice %arg5[%dma_start3A] : memref<16384xf32, #tpu.memory_space<vmem>> -> memref<8192xf32, #tpu.memory_space<vmem>>
      %dma_start3A_434 = tpu.memref_slice %arg3[%add3A_135] : memref<786432xf32, #tpu.memory_space<hbm>> -> memref<8192xf32, #tpu.memory_space<hbm>>
      %dma_start3A_435 = arith.constant 0 : i32
      %dma_start3A_436 = tpu.memref_slice %arg5[%dma_start3A_435] : memref<16384xf32, #tpu.memory_space<vmem>> -> memref<8192xf32, #tpu.memory_space<vmem>>
      %dma_start3A_437 = tpu.memref_slice %arg3[%add3A_135] : memref<786432xf32, #tpu.memory_space<hbm>> -> memref<8192xf32, #tpu.memory_space<hbm>>
      tpu.enqueue_dma source(%dma_start3A_437 : memref<8192xf32, #tpu.memory_space<hbm>>) target(%dma_start3A_436 : memref<8192xf32, #tpu.memory_space<vmem>>) target_semaphore(%arg8 : memref<!tpu.dma_semaphore, #tpu.memory_space<semaphore_mem>>)
    } else {
    }
    %dma_wait3A_146 = arith.constant 8192 : i32
    %dma_wait3A_147 = tpu.memref_slice %arg5[%dma_wait3A_146] : memref<16384xf32, #tpu.memory_space<vmem>> -> memref<8192xf32, #tpu.memory_space<vmem>>
    %dma_wait3A_148 = arith.constant 0 : i32
    %dma_wait3A_149 = tpu.memref_slice %arg2[%dma_wait3A_148] : memref<786432xf32, #tpu.memory_space<hbm>> -> memref<8192xf32, #tpu.memory_space<hbm>>
    %dma_wait3A_150 = arith.constant 8192 : i32
    %dma_wait3A_151 = tpu.memref_slice %arg5[%dma_wait3A_150] : memref<16384xf32, #tpu.memory_space<vmem>> -> memref<8192xf32, #tpu.memory_space<vmem>>
    %dma_wait3A_152 = arith.constant 0 : i32
    %dma_wait3A_153 = tpu.memref_slice %arg2[%dma_wait3A_152] : memref<786432xf32, #tpu.memory_space<hbm>> -> memref<8192xf32, #tpu.memory_space<hbm>>
    tpu.wait_dma2 semaphore(%arg9 : memref<!tpu.dma_semaphore, #tpu.memory_space<semaphore_mem>>) src(%dma_wait3A_153 : memref<8192xf32, #tpu.memory_space<hbm>>) dst(%dma_wait3A_151 : memref<8192xf32, #tpu.memory_space<vmem>>)
    %parallel_loop3A_154 = arith.constant 8192 : i32
    %parallel_loop3A_155 = arith.constant 16384 : i32
    %parallel_loop3A_156 = arith.constant 16 : i32
    scf.for %parallel_loop3A_433 = %parallel_loop3A_154 to %parallel_loop3A_155 step %parallel_loop3A_156  : i32 {
      %parallel_loop3A_434 = arith.index_cast %parallel_loop3A_433 : i32 to index
      %parallel_loop3A_435 = tpu.vector_load %arg5[%parallel_loop3A_434] {strides = array<i32>} : memref<16384xf32, #tpu.memory_space<vmem>>, vector<16xf32>,
      %parallel_loop3A_436 = arith.constant 8.000000e+00 : f32
      %parallel_loop3A_437 = vector.broadcast %parallel_loop3A_436 : f32 to vector<16xf32>
      %parallel_loop3A_438 = arith.mulf %parallel_loop3A_435, %parallel_loop3A_437 : vector<16xf32>
      %parallel_loop3A_439 = arith.constant 3.200000e+01 : f32
      %parallel_loop3A_440 = vector.broadcast %parallel_loop3A_439 : f32 to vector<16xf32>
      %parallel_loop3A_441 = arith.addf %parallel_loop3A_438, %parallel_loop3A_440 : vector<16xf32>
      %parallel_loop3A_442 = arith.constant 0.000000e+00 : f32
      %parallel_loop3A_443 = vector.broadcast %parallel_loop3A_442 : f32 to vector<16xf32>
      %parallel_loop3A_444 = arith.maximumf %parallel_loop3A_441, %parallel_loop3A_443 : vector<16xf32>
      %parallel_loop3A_445 = arith.constant 6.300000e+01 : f32
      %parallel_loop3A_446 = vector.broadcast %parallel_loop3A_445 : f32 to vector<16xf32>
      %parallel_loop3A_447 = arith.minimumf %parallel_loop3A_444, %parallel_loop3A_446 : vector<16xf32>
      %parallel_loop3A_448 = arith.fptosi %parallel_loop3A_447 : vector<16xf32> to vector<16xi32>
      %parallel_loop3A_449 = arith.sitofp %parallel_loop3A_448 : vector<16xi32> to vector<16xf32>
      %parallel_loop3A_450 = arith.subf %parallel_loop3A_449, %parallel_loop3A_441 : vector<16xf32>
      %parallel_loop3A_451 = arith.constant 1.250000e+01 : f32
      %parallel_loop3A_452 = vector.broadcast %parallel_loop3A_451 : f32 to vector<16xf32>
      %parallel_loop3A_453 = arith.mulf %parallel_loop3A_450, %parallel_loop3A_452 : vector<16xf32>
      %parallel_loop3A_454 = math.exp %parallel_loop3A_453 : vector<16xf32>
      %parallel_loop3A_455 = arith.constant 1.000000e+00 : f32
      %parallel_loop3A_456 = vector.broadcast %parallel_loop3A_455 : f32 to vector<16xf32>
      %parallel_loop3A_457 = arith.addf %parallel_loop3A_456, %parallel_loop3A_454 : vector<16xf32>
      %parallel_loop3A_458 = arith.constant 1.000000e+00 : f32
      %parallel_loop3A_459 = vector.broadcast %parallel_loop3A_458 : f32 to vector<16xf32>
      %parallel_loop3A_460 = arith.divf %parallel_loop3A_459, %parallel_loop3A_457 : vector<16xf32>
      %parallel_loop3A_461 = arith.constant 268337.281 : f32
      %parallel_loop3A_462 = vector.broadcast %parallel_loop3A_461 : f32 to vector<16xf32>
      %parallel_loop3A_463 = arith.mulf %parallel_loop3A_454, %parallel_loop3A_462 : vector<16xf32>
      %parallel_loop3A_464 = arith.constant 1.000000e+00 : f32
      %parallel_loop3A_465 = vector.broadcast %parallel_loop3A_464 : f32 to vector<16xf32>
      %parallel_loop3A_466 = arith.addf %parallel_loop3A_465, %parallel_loop3A_463 : vector<16xf32>
      %parallel_loop3A_467 = arith.constant 1.000000e+00 : f32
      %parallel_loop3A_468 = vector.broadcast %parallel_loop3A_467 : f32 to vector<16xf32>
      %parallel_loop3A_469 = arith.divf %parallel_loop3A_468, %parallel_loop3A_466 : vector<16xf32>
      %parallel_loop3A_470 = arith.constant 1.000000e+00 : f32
      %parallel_loop3A_471 = vector.broadcast %parallel_loop3A_470 : f32 to vector<16xf32>
      %parallel_loop3A_472 = arith.subf %parallel_loop3A_471, %parallel_loop3A_460 : vector<16xf32>
      %parallel_loop3A_473 = arith.subf %parallel_loop3A_460, %parallel_loop3A_469 : vector<16xf32>
      %parallel_loop3A_474 = arith.addi %add3A_54, %parallel_loop3A_448 : vector<16xi32>
      tpu.vector_store_idx %arg6[%parallel_loop3A_474], %parallel_loop3A_472 {add = true} : memref<1152xf32, #tpu.memory_space<vmem>>[vector<16xi32>], vector<16xf32>,
      %parallel_loop3A_475 = arith.addi %add3A_60, %parallel_loop3A_448 : vector<16xi32>
      tpu.vector_store_idx %arg6[%parallel_loop3A_475], %parallel_loop3A_473 {add = true} : memref<1152xf32, #tpu.memory_space<vmem>>[vector<16xi32>], vector<16xf32>,
      %parallel_loop3A_476 = arith.addi %add3A_66, %parallel_loop3A_448 : vector<16xi32>
      tpu.vector_store_idx %arg6[%parallel_loop3A_476], %parallel_loop3A_469 {add = true} : memref<1152xf32, #tpu.memory_space<vmem>>[vector<16xi32>], vector<16xf32>,
    } {sc.loop_unroll_factor = 4 : i64, sc.parallel_access}
    %add3A_157 = arith.constant 40960 : i32
    %add3A_158 = arith.addi %add3A_32, %add3A_157 : i32
    %eq3A_159 = arith.constant 0 : i32
    %eq3A_160 = arith.cmpi eq, %arg0, %eq3A_159 : i32
    %convert_element_type3A_161 = arith.extui %eq3A_160 : i1 to i32
    %cond3A_162 = arith.constant 0 : i32
    %cond3A_163 = arith.cmpi ne, %convert_element_type3A_161, %cond3A_162 : i32
    scf.if %cond3A_163 {
      %dma_start3A = arith.constant 8192 : i32
      %dma_start3A_433 = tpu.memref_slice %arg5[%dma_start3A] : memref<16384xf32, #tpu.memory_space<vmem>> -> memref<8192xf32, #tpu.memory_space<vmem>>
      %dma_start3A_434 = tpu.memref_slice %arg2[%add3A_158] : memref<786432xf32, #tpu.memory_space<hbm>> -> memref<8192xf32, #tpu.memory_space<hbm>>
      %dma_start3A_435 = arith.constant 8192 : i32
      %dma_start3A_436 = tpu.memref_slice %arg5[%dma_start3A_435] : memref<16384xf32, #tpu.memory_space<vmem>> -> memref<8192xf32, #tpu.memory_space<vmem>>
      %dma_start3A_437 = tpu.memref_slice %arg2[%add3A_158] : memref<786432xf32, #tpu.memory_space<hbm>> -> memref<8192xf32, #tpu.memory_space<hbm>>
      tpu.enqueue_dma source(%dma_start3A_437 : memref<8192xf32, #tpu.memory_space<hbm>>) target(%dma_start3A_436 : memref<8192xf32, #tpu.memory_space<vmem>>) target_semaphore(%arg9 : memref<!tpu.dma_semaphore, #tpu.memory_space<semaphore_mem>>)
    } else {
    }
    %eq3A_164 = arith.constant 1 : i32
    %eq3A_165 = arith.cmpi eq, %arg0, %eq3A_164 : i32
    %convert_element_type3A_166 = arith.extui %eq3A_165 : i1 to i32
    %cond3A_167 = arith.constant 0 : i32
    %cond3A_168 = arith.cmpi ne, %convert_element_type3A_166, %cond3A_167 : i32
    scf.if %cond3A_168 {
      %dma_start3A = arith.constant 8192 : i32
      %dma_start3A_433 = tpu.memref_slice %arg5[%dma_start3A] : memref<16384xf32, #tpu.memory_space<vmem>> -> memref<8192xf32, #tpu.memory_space<vmem>>
      %dma_start3A_434 = tpu.memref_slice %arg3[%add3A_158] : memref<786432xf32, #tpu.memory_space<hbm>> -> memref<8192xf32, #tpu.memory_space<hbm>>
      %dma_start3A_435 = arith.constant 8192 : i32
      %dma_start3A_436 = tpu.memref_slice %arg5[%dma_start3A_435] : memref<16384xf32, #tpu.memory_space<vmem>> -> memref<8192xf32, #tpu.memory_space<vmem>>
      %dma_start3A_437 = tpu.memref_slice %arg3[%add3A_158] : memref<786432xf32, #tpu.memory_space<hbm>> -> memref<8192xf32, #tpu.memory_space<hbm>>
      tpu.enqueue_dma source(%dma_start3A_437 : memref<8192xf32, #tpu.memory_space<hbm>>) target(%dma_start3A_436 : memref<8192xf32, #tpu.memory_space<vmem>>) target_semaphore(%arg9 : memref<!tpu.dma_semaphore, #tpu.memory_space<semaphore_mem>>)
    } else {
    }
    %dma_wait3A_169 = arith.constant 0 : i32
    %dma_wait3A_170 = tpu.memref_slice %arg5[%dma_wait3A_169] : memref<16384xf32, #tpu.memory_space<vmem>> -> memref<8192xf32, #tpu.memory_space<vmem>>
    %dma_wait3A_171 = arith.constant 0 : i32
    %dma_wait3A_172 = tpu.memref_slice %arg2[%dma_wait3A_171] : memref<786432xf32, #tpu.memory_space<hbm>> -> memref<8192xf32, #tpu.memory_space<hbm>>
    %dma_wait3A_173 = arith.constant 0 : i32
    %dma_wait3A_174 = tpu.memref_slice %arg5[%dma_wait3A_173] : memref<16384xf32, #tpu.memory_space<vmem>> -> memref<8192xf32, #tpu.memory_space<vmem>>
    %dma_wait3A_175 = arith.constant 0 : i32
    %dma_wait3A_176 = tpu.memref_slice %arg2[%dma_wait3A_175] : memref<786432xf32, #tpu.memory_space<hbm>> -> memref<8192xf32, #tpu.memory_space<hbm>>
    tpu.wait_dma2 semaphore(%arg8 : memref<!tpu.dma_semaphore, #tpu.memory_space<semaphore_mem>>) src(%dma_wait3A_176 : memref<8192xf32, #tpu.memory_space<hbm>>) dst(%dma_wait3A_174 : memref<8192xf32, #tpu.memory_space<vmem>>)
    %parallel_loop3A_177 = arith.constant 0 : i32
    %parallel_loop3A_178 = arith.constant 8192 : i32
    %parallel_loop3A_179 = arith.constant 16 : i32
    scf.for %parallel_loop3A_433 = %parallel_loop3A_177 to %parallel_loop3A_178 step %parallel_loop3A_179  : i32 {
      %parallel_loop3A_434 = arith.index_cast %parallel_loop3A_433 : i32 to index
      %parallel_loop3A_435 = tpu.vector_load %arg5[%parallel_loop3A_434] {strides = array<i32>} : memref<16384xf32, #tpu.memory_space<vmem>>, vector<16xf32>,
      %parallel_loop3A_436 = arith.constant 8.000000e+00 : f32
      %parallel_loop3A_437 = vector.broadcast %parallel_loop3A_436 : f32 to vector<16xf32>
      %parallel_loop3A_438 = arith.mulf %parallel_loop3A_435, %parallel_loop3A_437 : vector<16xf32>
      %parallel_loop3A_439 = arith.constant 3.200000e+01 : f32
      %parallel_loop3A_440 = vector.broadcast %parallel_loop3A_439 : f32 to vector<16xf32>
      %parallel_loop3A_441 = arith.addf %parallel_loop3A_438, %parallel_loop3A_440 : vector<16xf32>
      %parallel_loop3A_442 = arith.constant 0.000000e+00 : f32
      %parallel_loop3A_443 = vector.broadcast %parallel_loop3A_442 : f32 to vector<16xf32>
      %parallel_loop3A_444 = arith.maximumf %parallel_loop3A_441, %parallel_loop3A_443 : vector<16xf32>
      %parallel_loop3A_445 = arith.constant 6.300000e+01 : f32
      %parallel_loop3A_446 = vector.broadcast %parallel_loop3A_445 : f32 to vector<16xf32>
      %parallel_loop3A_447 = arith.minimumf %parallel_loop3A_444, %parallel_loop3A_446 : vector<16xf32>
      %parallel_loop3A_448 = arith.fptosi %parallel_loop3A_447 : vector<16xf32> to vector<16xi32>
      %parallel_loop3A_449 = arith.sitofp %parallel_loop3A_448 : vector<16xi32> to vector<16xf32>
      %parallel_loop3A_450 = arith.subf %parallel_loop3A_449, %parallel_loop3A_441 : vector<16xf32>
      %parallel_loop3A_451 = arith.constant 1.250000e+01 : f32
      %parallel_loop3A_452 = vector.broadcast %parallel_loop3A_451 : f32 to vector<16xf32>
      %parallel_loop3A_453 = arith.mulf %parallel_loop3A_450, %parallel_loop3A_452 : vector<16xf32>
      %parallel_loop3A_454 = math.exp %parallel_loop3A_453 : vector<16xf32>
      %parallel_loop3A_455 = arith.constant 1.000000e+00 : f32
      %parallel_loop3A_456 = vector.broadcast %parallel_loop3A_455 : f32 to vector<16xf32>
      %parallel_loop3A_457 = arith.addf %parallel_loop3A_456, %parallel_loop3A_454 : vector<16xf32>
      %parallel_loop3A_458 = arith.constant 1.000000e+00 : f32
      %parallel_loop3A_459 = vector.broadcast %parallel_loop3A_458 : f32 to vector<16xf32>
      %parallel_loop3A_460 = arith.divf %parallel_loop3A_459, %parallel_loop3A_457 : vector<16xf32>
      %parallel_loop3A_461 = arith.constant 268337.281 : f32
      %parallel_loop3A_462 = vector.broadcast %parallel_loop3A_461 : f32 to vector<16xf32>
      %parallel_loop3A_463 = arith.mulf %parallel_loop3A_454, %parallel_loop3A_462 : vector<16xf32>
      %parallel_loop3A_464 = arith.constant 1.000000e+00 : f32
      %parallel_loop3A_465 = vector.broadcast %parallel_loop3A_464 : f32 to vector<16xf32>
      %parallel_loop3A_466 = arith.addf %parallel_loop3A_465, %parallel_loop3A_463 : vector<16xf32>
      %parallel_loop3A_467 = arith.constant 1.000000e+00 : f32
      %parallel_loop3A_468 = vector.broadcast %parallel_loop3A_467 : f32 to vector<16xf32>
      %parallel_loop3A_469 = arith.divf %parallel_loop3A_468, %parallel_loop3A_466 : vector<16xf32>
      %parallel_loop3A_470 = arith.constant 1.000000e+00 : f32
      %parallel_loop3A_471 = vector.broadcast %parallel_loop3A_470 : f32 to vector<16xf32>
      %parallel_loop3A_472 = arith.subf %parallel_loop3A_471, %parallel_loop3A_460 : vector<16xf32>
      %parallel_loop3A_473 = arith.subf %parallel_loop3A_460, %parallel_loop3A_469 : vector<16xf32>
      %parallel_loop3A_474 = arith.addi %add3A_54, %parallel_loop3A_448 : vector<16xi32>
      tpu.vector_store_idx %arg6[%parallel_loop3A_474], %parallel_loop3A_472 {add = true} : memref<1152xf32, #tpu.memory_space<vmem>>[vector<16xi32>], vector<16xf32>,
      %parallel_loop3A_475 = arith.addi %add3A_60, %parallel_loop3A_448 : vector<16xi32>
      tpu.vector_store_idx %arg6[%parallel_loop3A_475], %parallel_loop3A_473 {add = true} : memref<1152xf32, #tpu.memory_space<vmem>>[vector<16xi32>], vector<16xf32>,
      %parallel_loop3A_476 = arith.addi %add3A_66, %parallel_loop3A_448 : vector<16xi32>
      tpu.vector_store_idx %arg6[%parallel_loop3A_476], %parallel_loop3A_469 {add = true} : memref<1152xf32, #tpu.memory_space<vmem>>[vector<16xi32>], vector<16xf32>,
    } {sc.loop_unroll_factor = 4 : i64, sc.parallel_access}
    %dma_wait3A_180 = arith.constant 8192 : i32
    %dma_wait3A_181 = tpu.memref_slice %arg5[%dma_wait3A_180] : memref<16384xf32, #tpu.memory_space<vmem>> -> memref<8192xf32, #tpu.memory_space<vmem>>
    %dma_wait3A_182 = arith.constant 0 : i32
    %dma_wait3A_183 = tpu.memref_slice %arg2[%dma_wait3A_182] : memref<786432xf32, #tpu.memory_space<hbm>> -> memref<8192xf32, #tpu.memory_space<hbm>>
    %dma_wait3A_184 = arith.constant 8192 : i32
    %dma_wait3A_185 = tpu.memref_slice %arg5[%dma_wait3A_184] : memref<16384xf32, #tpu.memory_space<vmem>> -> memref<8192xf32, #tpu.memory_space<vmem>>
    %dma_wait3A_186 = arith.constant 0 : i32
    %dma_wait3A_187 = tpu.memref_slice %arg2[%dma_wait3A_186] : memref<786432xf32, #tpu.memory_space<hbm>> -> memref<8192xf32, #tpu.memory_space<hbm>>
    tpu.wait_dma2 semaphore(%arg9 : memref<!tpu.dma_semaphore, #tpu.memory_space<semaphore_mem>>) src(%dma_wait3A_187 : memref<8192xf32, #tpu.memory_space<hbm>>) dst(%dma_wait3A_185 : memref<8192xf32, #tpu.memory_space<vmem>>)
    %parallel_loop3A_188 = arith.constant 8192 : i32
    %parallel_loop3A_189 = arith.constant 16384 : i32
    %parallel_loop3A_190 = arith.constant 16 : i32
    scf.for %parallel_loop3A_433 = %parallel_loop3A_188 to %parallel_loop3A_189 step %parallel_loop3A_190  : i32 {
      %parallel_loop3A_434 = arith.index_cast %parallel_loop3A_433 : i32 to index
      %parallel_loop3A_435 = tpu.vector_load %arg5[%parallel_loop3A_434] {strides = array<i32>} : memref<16384xf32, #tpu.memory_space<vmem>>, vector<16xf32>,
      %parallel_loop3A_436 = arith.constant 8.000000e+00 : f32
      %parallel_loop3A_437 = vector.broadcast %parallel_loop3A_436 : f32 to vector<16xf32>
      %parallel_loop3A_438 = arith.mulf %parallel_loop3A_435, %parallel_loop3A_437 : vector<16xf32>
      %parallel_loop3A_439 = arith.constant 3.200000e+01 : f32
      %parallel_loop3A_440 = vector.broadcast %parallel_loop3A_439 : f32 to vector<16xf32>
      %parallel_loop3A_441 = arith.addf %parallel_loop3A_438, %parallel_loop3A_440 : vector<16xf32>
      %parallel_loop3A_442 = arith.constant 0.000000e+00 : f32
      %parallel_loop3A_443 = vector.broadcast %parallel_loop3A_442 : f32 to vector<16xf32>
      %parallel_loop3A_444 = arith.maximumf %parallel_loop3A_441, %parallel_loop3A_443 : vector<16xf32>
      %parallel_loop3A_445 = arith.constant 6.300000e+01 : f32
      %parallel_loop3A_446 = vector.broadcast %parallel_loop3A_445 : f32 to vector<16xf32>
      %parallel_loop3A_447 = arith.minimumf %parallel_loop3A_444, %parallel_loop3A_446 : vector<16xf32>
      %parallel_loop3A_448 = arith.fptosi %parallel_loop3A_447 : vector<16xf32> to vector<16xi32>
      %parallel_loop3A_449 = arith.sitofp %parallel_loop3A_448 : vector<16xi32> to vector<16xf32>
      %parallel_loop3A_450 = arith.subf %parallel_loop3A_449, %parallel_loop3A_441 : vector<16xf32>
      %parallel_loop3A_451 = arith.constant 1.250000e+01 : f32
      %parallel_loop3A_452 = vector.broadcast %parallel_loop3A_451 : f32 to vector<16xf32>
      %parallel_loop3A_453 = arith.mulf %parallel_loop3A_450, %parallel_loop3A_452 : vector<16xf32>
      %parallel_loop3A_454 = math.exp %parallel_loop3A_453 : vector<16xf32>
      %parallel_loop3A_455 = arith.constant 1.000000e+00 : f32
      %parallel_loop3A_456 = vector.broadcast %parallel_loop3A_455 : f32 to vector<16xf32>
      %parallel_loop3A_457 = arith.addf %parallel_loop3A_456, %parallel_loop3A_454 : vector<16xf32>
      %parallel_loop3A_458 = arith.constant 1.000000e+00 : f32
      %parallel_loop3A_459 = vector.broadcast %parallel_loop3A_458 : f32 to vector<16xf32>
      %parallel_loop3A_460 = arith.divf %parallel_loop3A_459, %parallel_loop3A_457 : vector<16xf32>
      %parallel_loop3A_461 = arith.constant 268337.281 : f32
      %parallel_loop3A_462 = vector.broadcast %parallel_loop3A_461 : f32 to vector<16xf32>
      %parallel_loop3A_463 = arith.mulf %parallel_loop3A_454, %parallel_loop3A_462 : vector<16xf32>
      %parallel_loop3A_464 = arith.constant 1.000000e+00 : f32
      %parallel_loop3A_465 = vector.broadcast %parallel_loop3A_464 : f32 to vector<16xf32>
      %parallel_loop3A_466 = arith.addf %parallel_loop3A_465, %parallel_loop3A_463 : vector<16xf32>
      %parallel_loop3A_467 = arith.constant 1.000000e+00 : f32
      %parallel_loop3A_468 = vector.broadcast %parallel_loop3A_467 : f32 to vector<16xf32>
      %parallel_loop3A_469 = arith.divf %parallel_loop3A_468, %parallel_loop3A_466 : vector<16xf32>
      %parallel_loop3A_470 = arith.constant 1.000000e+00 : f32
      %parallel_loop3A_471 = vector.broadcast %parallel_loop3A_470 : f32 to vector<16xf32>
      %parallel_loop3A_472 = arith.subf %parallel_loop3A_471, %parallel_loop3A_460 : vector<16xf32>
      %parallel_loop3A_473 = arith.subf %parallel_loop3A_460, %parallel_loop3A_469 : vector<16xf32>
      %parallel_loop3A_474 = arith.addi %add3A_54, %parallel_loop3A_448 : vector<16xi32>
      tpu.vector_store_idx %arg6[%parallel_loop3A_474], %parallel_loop3A_472 {add = true} : memref<1152xf32, #tpu.memory_space<vmem>>[vector<16xi32>], vector<16xf32>,
      %parallel_loop3A_475 = arith.addi %add3A_60, %parallel_loop3A_448 : vector<16xi32>
      tpu.vector_store_idx %arg6[%parallel_loop3A_475], %parallel_loop3A_473 {add = true} : memref<1152xf32, #tpu.memory_space<vmem>>[vector<16xi32>], vector<16xf32>,
      %parallel_loop3A_476 = arith.addi %add3A_66, %parallel_loop3A_448 : vector<16xi32>
      tpu.vector_store_idx %arg6[%parallel_loop3A_476], %parallel_loop3A_469 {add = true} : memref<1152xf32, #tpu.memory_space<vmem>>[vector<16xi32>], vector<16xf32>,
    } {sc.loop_unroll_factor = 4 : i64, sc.parallel_access}
    %get3A = arith.constant 1 : index
    %get3A_191 = tpu.vector_load %arg6[%get3A] {strides = array<i32>} : memref<1152xf32, #tpu.memory_space<vmem>>, vector<16xf32>,
    %get3A_192 = arith.constant 73 : index
    %get3A_193 = tpu.vector_load %arg6[%get3A_192] {strides = array<i32>} : memref<1152xf32, #tpu.memory_space<vmem>>, vector<16xf32>,
    %add3A_194 = arith.addf %get3A_191, %get3A_193 : vector<16xf32>
    %get3A_195 = arith.constant 145 : index
    %get3A_196 = tpu.vector_load %arg6[%get3A_195] {strides = array<i32>} : memref<1152xf32, #tpu.memory_space<vmem>>, vector<16xf32>,
    %add3A_197 = arith.addf %add3A_194, %get3A_196 : vector<16xf32>
    %get3A_198 = arith.constant 217 : index
    %get3A_199 = tpu.vector_load %arg6[%get3A_198] {strides = array<i32>} : memref<1152xf32, #tpu.memory_space<vmem>>, vector<16xf32>,
    %add3A_200 = arith.addf %add3A_197, %get3A_199 : vector<16xf32>
    %get3A_201 = arith.constant 289 : index
    %get3A_202 = tpu.vector_load %arg6[%get3A_201] {strides = array<i32>} : memref<1152xf32, #tpu.memory_space<vmem>>, vector<16xf32>,
    %add3A_203 = arith.addf %add3A_200, %get3A_202 : vector<16xf32>
    %get3A_204 = arith.constant 361 : index
    %get3A_205 = tpu.vector_load %arg6[%get3A_204] {strides = array<i32>} : memref<1152xf32, #tpu.memory_space<vmem>>, vector<16xf32>,
    %add3A_206 = arith.addf %add3A_203, %get3A_205 : vector<16xf32>
    %get3A_207 = arith.constant 433 : index
    %get3A_208 = tpu.vector_load %arg6[%get3A_207] {strides = array<i32>} : memref<1152xf32, #tpu.memory_space<vmem>>, vector<16xf32>,
    %add3A_209 = arith.addf %add3A_206, %get3A_208 : vector<16xf32>
    %get3A_210 = arith.constant 505 : index
    %get3A_211 = tpu.vector_load %arg6[%get3A_210] {strides = array<i32>} : memref<1152xf32, #tpu.memory_space<vmem>>, vector<16xf32>,
    %add3A_212 = arith.addf %add3A_209, %get3A_211 : vector<16xf32>
    %get3A_213 = arith.constant 577 : index
    %get3A_214 = tpu.vector_load %arg6[%get3A_213] {strides = array<i32>} : memref<1152xf32, #tpu.memory_space<vmem>>, vector<16xf32>,
    %add3A_215 = arith.addf %add3A_212, %get3A_214 : vector<16xf32>
    %get3A_216 = arith.constant 649 : index
    %get3A_217 = tpu.vector_load %arg6[%get3A_216] {strides = array<i32>} : memref<1152xf32, #tpu.memory_space<vmem>>, vector<16xf32>,
    %add3A_218 = arith.addf %add3A_215, %get3A_217 : vector<16xf32>
    %get3A_219 = arith.constant 721 : index
    %get3A_220 = tpu.vector_load %arg6[%get3A_219] {strides = array<i32>} : memref<1152xf32, #tpu.memory_space<vmem>>, vector<16xf32>,
    %add3A_221 = arith.addf %add3A_218, %get3A_220 : vector<16xf32>
    %get3A_222 = arith.constant 793 : index
    %get3A_223 = tpu.vector_load %arg6[%get3A_222] {strides = array<i32>} : memref<1152xf32, #tpu.memory_space<vmem>>, vector<16xf32>,
    %add3A_224 = arith.addf %add3A_221, %get3A_223 : vector<16xf32>
    %get3A_225 = arith.constant 865 : index
    %get3A_226 = tpu.vector_load %arg6[%get3A_225] {strides = array<i32>} : memref<1152xf32, #tpu.memory_space<vmem>>, vector<16xf32>,
    %add3A_227 = arith.addf %add3A_224, %get3A_226 : vector<16xf32>
    %get3A_228 = arith.constant 937 : index
    %get3A_229 = tpu.vector_load %arg6[%get3A_228] {strides = array<i32>} : memref<1152xf32, #tpu.memory_space<vmem>>, vector<16xf32>,
    %add3A_230 = arith.addf %add3A_227, %get3A_229 : vector<16xf32>
    %get3A_231 = arith.constant 1009 : index
    %get3A_232 = tpu.vector_load %arg6[%get3A_231] {strides = array<i32>} : memref<1152xf32, #tpu.memory_space<vmem>>, vector<16xf32>,
    %add3A_233 = arith.addf %add3A_230, %get3A_232 : vector<16xf32>
    %get3A_234 = arith.constant 1081 : index
    %get3A_235 = tpu.vector_load %arg6[%get3A_234] {strides = array<i32>} : memref<1152xf32, #tpu.memory_space<vmem>>, vector<16xf32>,
    %add3A_236 = arith.addf %add3A_233, %get3A_235 : vector<16xf32>
    %swap3A = arith.constant 0 : index
    %swap3A_237 = tpu.vector_load %arg7[%swap3A] {strides = array<i32>} : memref<64xf32, #tpu.memory_space<vmem>>, vector<16xf32>,
    tpu.vector_store %arg7[%swap3A], %add3A_236 {strides = array<i32>} : memref<64xf32, #tpu.memory_space<vmem>>, vector<16xf32>,
    %get3A_238 = arith.constant 17 : index
    %get3A_239 = tpu.vector_load %arg6[%get3A_238] {strides = array<i32>} : memref<1152xf32, #tpu.memory_space<vmem>>, vector<16xf32>,
    %get3A_240 = arith.constant 89 : index
    %get3A_241 = tpu.vector_load %arg6[%get3A_240] {strides = array<i32>} : memref<1152xf32, #tpu.memory_space<vmem>>, vector<16xf32>,
    %add3A_242 = arith.addf %get3A_239, %get3A_241 : vector<16xf32>
    %get3A_243 = arith.constant 161 : index
    %get3A_244 = tpu.vector_load %arg6[%get3A_243] {strides = array<i32>} : memref<1152xf32, #tpu.memory_space<vmem>>, vector<16xf32>,
    %add3A_245 = arith.addf %add3A_242, %get3A_244 : vector<16xf32>
    %get3A_246 = arith.constant 233 : index
    %get3A_247 = tpu.vector_load %arg6[%get3A_246] {strides = array<i32>} : memref<1152xf32, #tpu.memory_space<vmem>>, vector<16xf32>,
    %add3A_248 = arith.addf %add3A_245, %get3A_247 : vector<16xf32>
    %get3A_249 = arith.constant 305 : index
    %get3A_250 = tpu.vector_load %arg6[%get3A_249] {strides = array<i32>} : memref<1152xf32, #tpu.memory_space<vmem>>, vector<16xf32>,
    %add3A_251 = arith.addf %add3A_248, %get3A_250 : vector<16xf32>
    %get3A_252 = arith.constant 377 : index
    %get3A_253 = tpu.vector_load %arg6[%get3A_252] {strides = array<i32>} : memref<1152xf32, #tpu.memory_space<vmem>>, vector<16xf32>,
    %add3A_254 = arith.addf %add3A_251, %get3A_253 : vector<16xf32>
    %get3A_255 = arith.constant 449 : index
    %get3A_256 = tpu.vector_load %arg6[%get3A_255] {strides = array<i32>} : memref<1152xf32, #tpu.memory_space<vmem>>, vector<16xf32>,
    %add3A_257 = arith.addf %add3A_254, %get3A_256 : vector<16xf32>
    %get3A_258 = arith.constant 521 : index
    %get3A_259 = tpu.vector_load %arg6[%get3A_258] {strides = array<i32>} : memref<1152xf32, #tpu.memory_space<vmem>>, vector<16xf32>,
    %add3A_260 = arith.addf %add3A_257, %get3A_259 : vector<16xf32>
    %get3A_261 = arith.constant 593 : index
    %get3A_262 = tpu.vector_load %arg6[%get3A_261] {strides = array<i32>} : memref<1152xf32, #tpu.memory_space<vmem>>, vector<16xf32>,
    %add3A_263 = arith.addf %add3A_260, %get3A_262 : vector<16xf32>
    %get3A_264 = arith.constant 665 : index
    %get3A_265 = tpu.vector_load %arg6[%get3A_264] {strides = array<i32>} : memref<1152xf32, #tpu.memory_space<vmem>>, vector<16xf32>,
    %add3A_266 = arith.addf %add3A_263, %get3A_265 : vector<16xf32>
    %get3A_267 = arith.constant 737 : index
    %get3A_268 = tpu.vector_load %arg6[%get3A_267] {strides = array<i32>} : memref<1152xf32, #tpu.memory_space<vmem>>, vector<16xf32>,
    %add3A_269 = arith.addf %add3A_266, %get3A_268 : vector<16xf32>
    %get3A_270 = arith.constant 809 : index
    %get3A_271 = tpu.vector_load %arg6[%get3A_270] {strides = array<i32>} : memref<1152xf32, #tpu.memory_space<vmem>>, vector<16xf32>,
    %add3A_272 = arith.addf %add3A_269, %get3A_271 : vector<16xf32>
    %get3A_273 = arith.constant 881 : index
    %get3A_274 = tpu.vector_load %arg6[%get3A_273] {strides = array<i32>} : memref<1152xf32, #tpu.memory_space<vmem>>, vector<16xf32>,
    %add3A_275 = arith.addf %add3A_272, %get3A_274 : vector<16xf32>
    %get3A_276 = arith.constant 953 : index
    %get3A_277 = tpu.vector_load %arg6[%get3A_276] {strides = array<i32>} : memref<1152xf32, #tpu.memory_space<vmem>>, vector<16xf32>,
    %add3A_278 = arith.addf %add3A_275, %get3A_277 : vector<16xf32>
    %get3A_279 = arith.constant 1025 : index
    %get3A_280 = tpu.vector_load %arg6[%get3A_279] {strides = array<i32>} : memref<1152xf32, #tpu.memory_space<vmem>>, vector<16xf32>,
    %add3A_281 = arith.addf %add3A_278, %get3A_280 : vector<16xf32>
    %get3A_282 = arith.constant 1097 : index
    %get3A_283 = tpu.vector_load %arg6[%get3A_282] {strides = array<i32>} : memref<1152xf32, #tpu.memory_space<vmem>>, vector<16xf32>,
    %add3A_284 = arith.addf %add3A_281, %get3A_283 : vector<16xf32>
    %swap3A_285 = arith.constant 16 : index
    %swap3A_286 = tpu.vector_load %arg7[%swap3A_285] {strides = array<i32>} : memref<64xf32, #tpu.memory_space<vmem>>, vector<16xf32>,
    tpu.vector_store %arg7[%swap3A_285], %add3A_284 {strides = array<i32>} : memref<64xf32, #tpu.memory_space<vmem>>, vector<16xf32>,
    %get3A_287 = arith.constant 33 : index
    %get3A_288 = tpu.vector_load %arg6[%get3A_287] {strides = array<i32>} : memref<1152xf32, #tpu.memory_space<vmem>>, vector<16xf32>,
    %get3A_289 = arith.constant 105 : index
    %get3A_290 = tpu.vector_load %arg6[%get3A_289] {strides = array<i32>} : memref<1152xf32, #tpu.memory_space<vmem>>, vector<16xf32>,
    %add3A_291 = arith.addf %get3A_288, %get3A_290 : vector<16xf32>
    %get3A_292 = arith.constant 177 : index
    %get3A_293 = tpu.vector_load %arg6[%get3A_292] {strides = array<i32>} : memref<1152xf32, #tpu.memory_space<vmem>>, vector<16xf32>,
    %add3A_294 = arith.addf %add3A_291, %get3A_293 : vector<16xf32>
    %get3A_295 = arith.constant 249 : index
    %get3A_296 = tpu.vector_load %arg6[%get3A_295] {strides = array<i32>} : memref<1152xf32, #tpu.memory_space<vmem>>, vector<16xf32>,
    %add3A_297 = arith.addf %add3A_294, %get3A_296 : vector<16xf32>
    %get3A_298 = arith.constant 321 : index
    %get3A_299 = tpu.vector_load %arg6[%get3A_298] {strides = array<i32>} : memref<1152xf32, #tpu.memory_space<vmem>>, vector<16xf32>,
    %add3A_300 = arith.addf %add3A_297, %get3A_299 : vector<16xf32>
    %get3A_301 = arith.constant 393 : index
    %get3A_302 = tpu.vector_load %arg6[%get3A_301] {strides = array<i32>} : memref<1152xf32, #tpu.memory_space<vmem>>, vector<16xf32>,
    %add3A_303 = arith.addf %add3A_300, %get3A_302 : vector<16xf32>
    %get3A_304 = arith.constant 465 : index
    %get3A_305 = tpu.vector_load %arg6[%get3A_304] {strides = array<i32>} : memref<1152xf32, #tpu.memory_space<vmem>>, vector<16xf32>,
    %add3A_306 = arith.addf %add3A_303, %get3A_305 : vector<16xf32>
    %get3A_307 = arith.constant 537 : index
    %get3A_308 = tpu.vector_load %arg6[%get3A_307] {strides = array<i32>} : memref<1152xf32, #tpu.memory_space<vmem>>, vector<16xf32>,
    %add3A_309 = arith.addf %add3A_306, %get3A_308 : vector<16xf32>
    %get3A_310 = arith.constant 609 : index
    %get3A_311 = tpu.vector_load %arg6[%get3A_310] {strides = array<i32>} : memref<1152xf32, #tpu.memory_space<vmem>>, vector<16xf32>,
    %add3A_312 = arith.addf %add3A_309, %get3A_311 : vector<16xf32>
    %get3A_313 = arith.constant 681 : index
    %get3A_314 = tpu.vector_load %arg6[%get3A_313] {strides = array<i32>} : memref<1152xf32, #tpu.memory_space<vmem>>, vector<16xf32>,
    %add3A_315 = arith.addf %add3A_312, %get3A_314 : vector<16xf32>
    %get3A_316 = arith.constant 753 : index
    %get3A_317 = tpu.vector_load %arg6[%get3A_316] {strides = array<i32>} : memref<1152xf32, #tpu.memory_space<vmem>>, vector<16xf32>,
    %add3A_318 = arith.addf %add3A_315, %get3A_317 : vector<16xf32>
    %get3A_319 = arith.constant 825 : index
    %get3A_320 = tpu.vector_load %arg6[%get3A_319] {strides = array<i32>} : memref<1152xf32, #tpu.memory_space<vmem>>, vector<16xf32>,
    %add3A_321 = arith.addf %add3A_318, %get3A_320 : vector<16xf32>
    %get3A_322 = arith.constant 897 : index
    %get3A_323 = tpu.vector_load %arg6[%get3A_322] {strides = array<i32>} : memref<1152xf32, #tpu.memory_space<vmem>>, vector<16xf32>,
    %add3A_324 = arith.addf %add3A_321, %get3A_323 : vector<16xf32>
    %get3A_325 = arith.constant 969 : index
    %get3A_326 = tpu.vector_load %arg6[%get3A_325] {strides = array<i32>} : memref<1152xf32, #tpu.memory_space<vmem>>, vector<16xf32>,
    %add3A_327 = arith.addf %add3A_324, %get3A_326 : vector<16xf32>
    %get3A_328 = arith.constant 1041 : index
    %get3A_329 = tpu.vector_load %arg6[%get3A_328] {strides = array<i32>} : memref<1152xf32, #tpu.memory_space<vmem>>, vector<16xf32>,
    %add3A_330 = arith.addf %add3A_327, %get3A_329 : vector<16xf32>
    %get3A_331 = arith.constant 1113 : index
    %get3A_332 = tpu.vector_load %arg6[%get3A_331] {strides = array<i32>} : memref<1152xf32, #tpu.memory_space<vmem>>, vector<16xf32>,
    %add3A_333 = arith.addf %add3A_330, %get3A_332 : vector<16xf32>
    %swap3A_334 = arith.constant 32 : index
    %swap3A_335 = tpu.vector_load %arg7[%swap3A_334] {strides = array<i32>} : memref<64xf32, #tpu.memory_space<vmem>>, vector<16xf32>,
    tpu.vector_store %arg7[%swap3A_334], %add3A_333 {strides = array<i32>} : memref<64xf32, #tpu.memory_space<vmem>>, vector<16xf32>,
    %get3A_336 = arith.constant 49 : index
    %get3A_337 = tpu.vector_load %arg6[%get3A_336] {strides = array<i32>} : memref<1152xf32, #tpu.memory_space<vmem>>, vector<16xf32>,
    %get3A_338 = arith.constant 121 : index
    %get3A_339 = tpu.vector_load %arg6[%get3A_338] {strides = array<i32>} : memref<1152xf32, #tpu.memory_space<vmem>>, vector<16xf32>,
    %add3A_340 = arith.addf %get3A_337, %get3A_339 : vector<16xf32>
    %get3A_341 = arith.constant 193 : index
    %get3A_342 = tpu.vector_load %arg6[%get3A_341] {strides = array<i32>} : memref<1152xf32, #tpu.memory_space<vmem>>, vector<16xf32>,
    %add3A_343 = arith.addf %add3A_340, %get3A_342 : vector<16xf32>
    %get3A_344 = arith.constant 265 : index
    %get3A_345 = tpu.vector_load %arg6[%get3A_344] {strides = array<i32>} : memref<1152xf32, #tpu.memory_space<vmem>>, vector<16xf32>,
    %add3A_346 = arith.addf %add3A_343, %get3A_345 : vector<16xf32>
    %get3A_347 = arith.constant 337 : index
    %get3A_348 = tpu.vector_load %arg6[%get3A_347] {strides = array<i32>} : memref<1152xf32, #tpu.memory_space<vmem>>, vector<16xf32>,
    %add3A_349 = arith.addf %add3A_346, %get3A_348 : vector<16xf32>
    %get3A_350 = arith.constant 409 : index
    %get3A_351 = tpu.vector_load %arg6[%get3A_350] {strides = array<i32>} : memref<1152xf32, #tpu.memory_space<vmem>>, vector<16xf32>,
    %add3A_352 = arith.addf %add3A_349, %get3A_351 : vector<16xf32>
    %get3A_353 = arith.constant 481 : index
    %get3A_354 = tpu.vector_load %arg6[%get3A_353] {strides = array<i32>} : memref<1152xf32, #tpu.memory_space<vmem>>, vector<16xf32>,
    %add3A_355 = arith.addf %add3A_352, %get3A_354 : vector<16xf32>
    %get3A_356 = arith.constant 553 : index
    %get3A_357 = tpu.vector_load %arg6[%get3A_356] {strides = array<i32>} : memref<1152xf32, #tpu.memory_space<vmem>>, vector<16xf32>,
    %add3A_358 = arith.addf %add3A_355, %get3A_357 : vector<16xf32>
    %get3A_359 = arith.constant 625 : index
    %get3A_360 = tpu.vector_load %arg6[%get3A_359] {strides = array<i32>} : memref<1152xf32, #tpu.memory_space<vmem>>, vector<16xf32>,
    %add3A_361 = arith.addf %add3A_358, %get3A_360 : vector<16xf32>
    %get3A_362 = arith.constant 697 : index
    %get3A_363 = tpu.vector_load %arg6[%get3A_362] {strides = array<i32>} : memref<1152xf32, #tpu.memory_space<vmem>>, vector<16xf32>,
    %add3A_364 = arith.addf %add3A_361, %get3A_363 : vector<16xf32>
    %get3A_365 = arith.constant 769 : index
    %get3A_366 = tpu.vector_load %arg6[%get3A_365] {strides = array<i32>} : memref<1152xf32, #tpu.memory_space<vmem>>, vector<16xf32>,
    %add3A_367 = arith.addf %add3A_364, %get3A_366 : vector<16xf32>
    %get3A_368 = arith.constant 841 : index
    %get3A_369 = tpu.vector_load %arg6[%get3A_368] {strides = array<i32>} : memref<1152xf32, #tpu.memory_space<vmem>>, vector<16xf32>,
    %add3A_370 = arith.addf %add3A_367, %get3A_369 : vector<16xf32>
    %get3A_371 = arith.constant 913 : index
    %get3A_372 = tpu.vector_load %arg6[%get3A_371] {strides = array<i32>} : memref<1152xf32, #tpu.memory_space<vmem>>, vector<16xf32>,
    %add3A_373 = arith.addf %add3A_370, %get3A_372 : vector<16xf32>
    %get3A_374 = arith.constant 985 : index
    %get3A_375 = tpu.vector_load %arg6[%get3A_374] {strides = array<i32>} : memref<1152xf32, #tpu.memory_space<vmem>>, vector<16xf32>,
    %add3A_376 = arith.addf %add3A_373, %get3A_375 : vector<16xf32>
    %get3A_377 = arith.constant 1057 : index
    %get3A_378 = tpu.vector_load %arg6[%get3A_377] {strides = array<i32>} : memref<1152xf32, #tpu.memory_space<vmem>>, vector<16xf32>,
    %add3A_379 = arith.addf %add3A_376, %get3A_378 : vector<16xf32>
    %get3A_380 = arith.constant 1129 : index
    %get3A_381 = tpu.vector_load %arg6[%get3A_380] {strides = array<i32>} : memref<1152xf32, #tpu.memory_space<vmem>>, vector<16xf32>,
    %add3A_382 = arith.addf %add3A_379, %get3A_381 : vector<16xf32>
    %swap3A_383 = arith.constant 48 : index
    %swap3A_384 = tpu.vector_load %arg7[%swap3A_383] {strides = array<i32>} : memref<64xf32, #tpu.memory_space<vmem>>, vector<16xf32>,
    tpu.vector_store %arg7[%swap3A_383], %add3A_382 {strides = array<i32>} : memref<64xf32, #tpu.memory_space<vmem>>, vector<16xf32>,
    %mul3A_385 = arith.constant 16 : i32
    %mul3A_386 = arith.muli %arg0, %mul3A_385 : i32
    %jit3A_387 = arith.constant 2 : i32
    %eq3A_388 = arith.constant 0 : i32
    %eq3A_389 = arith.cmpi eq, %jit3A_387, %eq3A_388 : i32
    %jit3A_390 = arith.constant 1 : i32
    %select_n3A_391 = arith.select %eq3A_389, %jit3A_390, %jit3A_387 : i32
    %rem3A_392 = arith.remsi %arg1, %select_n3A_391 : i32
    %ne3A_393 = arith.constant 0 : i32
    %ne3A_394 = arith.cmpi ne, %rem3A_392, %ne3A_393 : i32
    %lt3A_395 = arith.constant 0 : i32
    %lt3A_396 = arith.cmpi slt, %rem3A_392, %lt3A_395 : i32
    %lt3A_397 = arith.constant 0 : i32
    %lt3A_398 = arith.cmpi slt, %select_n3A_391, %lt3A_397 : i32
    %ne3A_399 = arith.xori %lt3A_396, %lt3A_398 : i1
    %and3A_400 = arith.andi %ne3A_399, %ne3A_394 : i1
    %add3A_401 = arith.addi %rem3A_392, %select_n3A_391 : i32
    %select_n3A_402 = arith.select %and3A_400, %add3A_401, %rem3A_392 : i32
    %mul3A_403 = arith.constant 8 : i32
    %mul3A_404 = arith.muli %select_n3A_402, %mul3A_403 : i32
    %add3A_405 = arith.addi %mul3A_386, %mul3A_404 : i32
    %jit3A_406 = arith.constant 2 : i32
    %div3A_407 = arith.divsi %arg1, %jit3A_406 : i32
    %sign3A_408 = arith.constant 0 : i32
    %sign3A_409 = arith.cmpi sgt, %arg1, %sign3A_408 : i32
    %sign3A_410 = arith.extui %sign3A_409 : i1 to i32
    %sign3A_411 = arith.constant 0 : i32
    %sign3A_412 = arith.cmpi slt, %arg1, %sign3A_411 : i32
    %sign3A_413 = arith.extui %sign3A_412 : i1 to i32
    %sign3A_414 = arith.subi %sign3A_410, %sign3A_413 : i32
    %sign3A_415 = arith.constant 0 : i32
    %sign3A_416 = arith.cmpi sgt, %jit3A_406, %sign3A_415 : i32
    %sign3A_417 = arith.extui %sign3A_416 : i1 to i32
    %sign3A_418 = arith.constant 0 : i32
    %sign3A_419 = arith.cmpi slt, %jit3A_406, %sign3A_418 : i32
    %sign3A_420 = arith.extui %sign3A_419 : i1 to i32
    %sign3A_421 = arith.subi %sign3A_417, %sign3A_420 : i32
    %ne3A_422 = arith.cmpi ne, %sign3A_414, %sign3A_421 : i32
    %rem3A_423 = arith.remsi %arg1, %jit3A_406 : i32
    %ne3A_424 = arith.constant 0 : i32
    %ne3A_425 = arith.cmpi ne, %rem3A_423, %ne3A_424 : i32
    %and3A_426 = arith.andi %ne3A_422, %ne3A_425 : i1
    %sub3A_427 = arith.constant 1 : i32
    %sub3A_428 = arith.subi %div3A_407, %sub3A_427 : i32
    %select_n3A_429 = arith.select %and3A_426, %sub3A_428, %div3A_407 : i32
    %add3A_430 = arith.addi %add3A_405, %select_n3A_429 : i32
    %mul3A_431 = arith.constant 64 : i32
    %mul3A_432 = arith.muli %add3A_430, %mul3A_431 : i32
    "tpu.region"() ({
      %run_scoped3A = tpu.sem_alloc : memref<!tpu.dma_semaphore, #tpu.memory_space<semaphore_mem>>
      %dma_start3A = tpu.memref_slice %arg4[%mul3A_432] : memref<2048xf32, #tpu.memory_space<hbm>> -> memref<64xf32, #tpu.memory_space<hbm>>
      %dma_start3A_433 = tpu.memref_slice %arg4[%mul3A_432] : memref<2048xf32, #tpu.memory_space<hbm>> -> memref<64xf32, #tpu.memory_space<hbm>>
      tpu.enqueue_dma source(%arg7 : memref<64xf32, #tpu.memory_space<vmem>>) target(%dma_start3A_433 : memref<64xf32, #tpu.memory_space<hbm>>) target_semaphore(%run_scoped3A : memref<!tpu.dma_semaphore, #tpu.memory_space<semaphore_mem>>)
      %dma_wait3A_434 = tpu.memref_slice %arg4[%mul3A_432] : memref<2048xf32, #tpu.memory_space<hbm>> -> memref<64xf32, #tpu.memory_space<hbm>>
      %dma_wait3A_435 = tpu.memref_slice %arg4[%mul3A_432] : memref<2048xf32, #tpu.memory_space<hbm>> -> memref<64xf32, #tpu.memory_space<hbm>>
      tpu.wait_dma2 semaphore(%run_scoped3A : memref<!tpu.dma_semaphore, #tpu.memory_space<semaphore_mem>>) src(%arg7 : memref<64xf32, #tpu.memory_space<vmem>>) dst(%dma_wait3A_435 : memref<64xf32, #tpu.memory_space<hbm>>)
      tpu.yield
    }) : () -> ()
    return
  }
}

module attributes {stable_mosaic.version = 14 : i64} {
  func.func @_tc_tail_body(%arg0: i32, %arg1: memref<8x32768xf32, #tpu.memory_space<vmem>>, %arg2: memref<8x32768xf32, #tpu.memory_space<vmem>>, %arg3: memref<16x64xf32, #tpu.memory_space<vmem>>) attributes {dimension_semantics = [#tpu.dimension_semantics<arbitrary>], iteration_bounds = array<i64: 1>, scalar_prefetch = 0 : i64, scratch_operands = 0 : i64, tpu.core_type = #tpu.core_type<tc>, window_params = [{transform_indices = @transform_0, window_bounds = array<i64: 8, 32768>}, {transform_indices = @transform_1, window_bounds = array<i64: 8, 32768>}, {pipeline_mode = #tpu.pipeline_mode<synchronous>, transform_indices = @transform_2, window_bounds = array<i64: 16, 64>}]} {
    %get3A = arith.constant 0 : index
    %get3A_0 = arith.constant 0 : index
    %get3A_1 = vector.load %arg1[%get3A, %get3A_0] : memref<8x32768xf32, #tpu.memory_space<vmem>>, vector<8x32768xf32>
    %mul3A = arith.constant 5.000000e+01 : f32
    %mul3A_2 = vector.broadcast %mul3A : f32 to vector<8x32768xf32>
    %mul3A_3 = arith.mulf %get3A_1, %mul3A_2 : vector<8x32768xf32>
    %add3A = arith.constant 2.000000e+02 : f32
    %add3A_4 = vector.broadcast %add3A : f32 to vector<8x32768xf32>
    %add3A_5 = arith.addf %mul3A_3, %add3A_4 : vector<8x32768xf32>
    %sub3A = arith.constant 0.000000e+00 : f32
    %sub3A_6 = vector.broadcast %sub3A : f32 to vector<8x32768xf32>
    %sub3A_7 = arith.subf %add3A_5, %sub3A_6 : vector<8x32768xf32>
    %tanh3A = math.tanh %sub3A_7 : vector<8x32768xf32>
    %reduce_sum3A = arith.constant dense<0.000000e+00> : vector<8xf32>
    %reduce_sum3A_8 = vector.multi_reduction <add>, %tanh3A, %reduce_sum3A [1] : vector<8x32768xf32> to vector<8xf32>
    %broadcast_in_dim3A = vector.shape_cast %reduce_sum3A_8 : vector<8xf32> to vector<8x1xf32>
    %sub3A_9 = arith.constant 6.250000e+00 : f32
    %sub3A_10 = vector.broadcast %sub3A_9 : f32 to vector<8x32768xf32>
    %sub3A_11 = arith.subf %add3A_5, %sub3A_10 : vector<8x32768xf32>
    %tanh3A_12 = math.tanh %sub3A_11 : vector<8x32768xf32>
    %reduce_sum3A_13 = arith.constant dense<0.000000e+00> : vector<8xf32>
    %reduce_sum3A_14 = vector.multi_reduction <add>, %tanh3A_12, %reduce_sum3A_13 [1] : vector<8x32768xf32> to vector<8xf32>
    %broadcast_in_dim3A_15 = vector.shape_cast %reduce_sum3A_14 : vector<8xf32> to vector<8x1xf32>
    %sub3A_16 = arith.constant 1.250000e+01 : f32
    %sub3A_17 = vector.broadcast %sub3A_16 : f32 to vector<8x32768xf32>
    %sub3A_18 = arith.subf %add3A_5, %sub3A_17 : vector<8x32768xf32>
    %tanh3A_19 = math.tanh %sub3A_18 : vector<8x32768xf32>
    %reduce_sum3A_20 = arith.constant dense<0.000000e+00> : vector<8xf32>
    %reduce_sum3A_21 = vector.multi_reduction <add>, %tanh3A_19, %reduce_sum3A_20 [1] : vector<8x32768xf32> to vector<8xf32>
    %broadcast_in_dim3A_22 = vector.shape_cast %reduce_sum3A_21 : vector<8xf32> to vector<8x1xf32>
    %sub3A_23 = arith.constant 1.875000e+01 : f32
    %sub3A_24 = vector.broadcast %sub3A_23 : f32 to vector<8x32768xf32>
    %sub3A_25 = arith.subf %add3A_5, %sub3A_24 : vector<8x32768xf32>
    %tanh3A_26 = math.tanh %sub3A_25 : vector<8x32768xf32>
    %reduce_sum3A_27 = arith.constant dense<0.000000e+00> : vector<8xf32>
    %reduce_sum3A_28 = vector.multi_reduction <add>, %tanh3A_26, %reduce_sum3A_27 [1] : vector<8x32768xf32> to vector<8xf32>
    %broadcast_in_dim3A_29 = vector.shape_cast %reduce_sum3A_28 : vector<8xf32> to vector<8x1xf32>
    %sub3A_30 = arith.constant 2.500000e+01 : f32
    %sub3A_31 = vector.broadcast %sub3A_30 : f32 to vector<8x32768xf32>
    %sub3A_32 = arith.subf %add3A_5, %sub3A_31 : vector<8x32768xf32>
    %tanh3A_33 = math.tanh %sub3A_32 : vector<8x32768xf32>
    %reduce_sum3A_34 = arith.constant dense<0.000000e+00> : vector<8xf32>
    %reduce_sum3A_35 = vector.multi_reduction <add>, %tanh3A_33, %reduce_sum3A_34 [1] : vector<8x32768xf32> to vector<8xf32>
    %broadcast_in_dim3A_36 = vector.shape_cast %reduce_sum3A_35 : vector<8xf32> to vector<8x1xf32>
    %sub3A_37 = arith.constant 3.125000e+01 : f32
    %sub3A_38 = vector.broadcast %sub3A_37 : f32 to vector<8x32768xf32>
    %sub3A_39 = arith.subf %add3A_5, %sub3A_38 : vector<8x32768xf32>
    %tanh3A_40 = math.tanh %sub3A_39 : vector<8x32768xf32>
    %reduce_sum3A_41 = arith.constant dense<0.000000e+00> : vector<8xf32>
    %reduce_sum3A_42 = vector.multi_reduction <add>, %tanh3A_40, %reduce_sum3A_41 [1] : vector<8x32768xf32> to vector<8xf32>
    %broadcast_in_dim3A_43 = vector.shape_cast %reduce_sum3A_42 : vector<8xf32> to vector<8x1xf32>
    %sub3A_44 = arith.constant 3.750000e+01 : f32
    %sub3A_45 = vector.broadcast %sub3A_44 : f32 to vector<8x32768xf32>
    %sub3A_46 = arith.subf %add3A_5, %sub3A_45 : vector<8x32768xf32>
    %tanh3A_47 = math.tanh %sub3A_46 : vector<8x32768xf32>
    %reduce_sum3A_48 = arith.constant dense<0.000000e+00> : vector<8xf32>
    %reduce_sum3A_49 = vector.multi_reduction <add>, %tanh3A_47, %reduce_sum3A_48 [1] : vector<8x32768xf32> to vector<8xf32>
    %broadcast_in_dim3A_50 = vector.shape_cast %reduce_sum3A_49 : vector<8xf32> to vector<8x1xf32>
    %sub3A_51 = arith.constant 4.375000e+01 : f32
    %sub3A_52 = vector.broadcast %sub3A_51 : f32 to vector<8x32768xf32>
    %sub3A_53 = arith.subf %add3A_5, %sub3A_52 : vector<8x32768xf32>
    %tanh3A_54 = math.tanh %sub3A_53 : vector<8x32768xf32>
    %reduce_sum3A_55 = arith.constant dense<0.000000e+00> : vector<8xf32>
    %reduce_sum3A_56 = vector.multi_reduction <add>, %tanh3A_54, %reduce_sum3A_55 [1] : vector<8x32768xf32> to vector<8xf32>
    %broadcast_in_dim3A_57 = vector.shape_cast %reduce_sum3A_56 : vector<8xf32> to vector<8x1xf32>
    %sub3A_58 = arith.constant 5.000000e+01 : f32
    %sub3A_59 = vector.broadcast %sub3A_58 : f32 to vector<8x32768xf32>
    %sub3A_60 = arith.subf %add3A_5, %sub3A_59 : vector<8x32768xf32>
    %tanh3A_61 = math.tanh %sub3A_60 : vector<8x32768xf32>
    %reduce_sum3A_62 = arith.constant dense<0.000000e+00> : vector<8xf32>
    %reduce_sum3A_63 = vector.multi_reduction <add>, %tanh3A_61, %reduce_sum3A_62 [1] : vector<8x32768xf32> to vector<8xf32>
    %broadcast_in_dim3A_64 = vector.shape_cast %reduce_sum3A_63 : vector<8xf32> to vector<8x1xf32>
    %sub3A_65 = arith.constant 5.625000e+01 : f32
    %sub3A_66 = vector.broadcast %sub3A_65 : f32 to vector<8x32768xf32>
    %sub3A_67 = arith.subf %add3A_5, %sub3A_66 : vector<8x32768xf32>
    %tanh3A_68 = math.tanh %sub3A_67 : vector<8x32768xf32>
    %reduce_sum3A_69 = arith.constant dense<0.000000e+00> : vector<8xf32>
    %reduce_sum3A_70 = vector.multi_reduction <add>, %tanh3A_68, %reduce_sum3A_69 [1] : vector<8x32768xf32> to vector<8xf32>
    %broadcast_in_dim3A_71 = vector.shape_cast %reduce_sum3A_70 : vector<8xf32> to vector<8x1xf32>
    %sub3A_72 = arith.constant 6.250000e+01 : f32
    %sub3A_73 = vector.broadcast %sub3A_72 : f32 to vector<8x32768xf32>
    %sub3A_74 = arith.subf %add3A_5, %sub3A_73 : vector<8x32768xf32>
    %tanh3A_75 = math.tanh %sub3A_74 : vector<8x32768xf32>
    %reduce_sum3A_76 = arith.constant dense<0.000000e+00> : vector<8xf32>
    %reduce_sum3A_77 = vector.multi_reduction <add>, %tanh3A_75, %reduce_sum3A_76 [1] : vector<8x32768xf32> to vector<8xf32>
    %broadcast_in_dim3A_78 = vector.shape_cast %reduce_sum3A_77 : vector<8xf32> to vector<8x1xf32>
    %sub3A_79 = arith.constant 6.875000e+01 : f32
    %sub3A_80 = vector.broadcast %sub3A_79 : f32 to vector<8x32768xf32>
    %sub3A_81 = arith.subf %add3A_5, %sub3A_80 : vector<8x32768xf32>
    %tanh3A_82 = math.tanh %sub3A_81 : vector<8x32768xf32>
    %reduce_sum3A_83 = arith.constant dense<0.000000e+00> : vector<8xf32>
    %reduce_sum3A_84 = vector.multi_reduction <add>, %tanh3A_82, %reduce_sum3A_83 [1] : vector<8x32768xf32> to vector<8xf32>
    %broadcast_in_dim3A_85 = vector.shape_cast %reduce_sum3A_84 : vector<8xf32> to vector<8x1xf32>
    %sub3A_86 = arith.constant 7.500000e+01 : f32
    %sub3A_87 = vector.broadcast %sub3A_86 : f32 to vector<8x32768xf32>
    %sub3A_88 = arith.subf %add3A_5, %sub3A_87 : vector<8x32768xf32>
    %tanh3A_89 = math.tanh %sub3A_88 : vector<8x32768xf32>
    %reduce_sum3A_90 = arith.constant dense<0.000000e+00> : vector<8xf32>
    %reduce_sum3A_91 = vector.multi_reduction <add>, %tanh3A_89, %reduce_sum3A_90 [1] : vector<8x32768xf32> to vector<8xf32>
    %broadcast_in_dim3A_92 = vector.shape_cast %reduce_sum3A_91 : vector<8xf32> to vector<8x1xf32>
    %sub3A_93 = arith.constant 8.125000e+01 : f32
    %sub3A_94 = vector.broadcast %sub3A_93 : f32 to vector<8x32768xf32>
    %sub3A_95 = arith.subf %add3A_5, %sub3A_94 : vector<8x32768xf32>
    %tanh3A_96 = math.tanh %sub3A_95 : vector<8x32768xf32>
    %reduce_sum3A_97 = arith.constant dense<0.000000e+00> : vector<8xf32>
    %reduce_sum3A_98 = vector.multi_reduction <add>, %tanh3A_96, %reduce_sum3A_97 [1] : vector<8x32768xf32> to vector<8xf32>
    %broadcast_in_dim3A_99 = vector.shape_cast %reduce_sum3A_98 : vector<8xf32> to vector<8x1xf32>
    %sub3A_100 = arith.constant 8.750000e+01 : f32
    %sub3A_101 = vector.broadcast %sub3A_100 : f32 to vector<8x32768xf32>
    %sub3A_102 = arith.subf %add3A_5, %sub3A_101 : vector<8x32768xf32>
    %tanh3A_103 = math.tanh %sub3A_102 : vector<8x32768xf32>
    %reduce_sum3A_104 = arith.constant dense<0.000000e+00> : vector<8xf32>
    %reduce_sum3A_105 = vector.multi_reduction <add>, %tanh3A_103, %reduce_sum3A_104 [1] : vector<8x32768xf32> to vector<8xf32>
    %broadcast_in_dim3A_106 = vector.shape_cast %reduce_sum3A_105 : vector<8xf32> to vector<8x1xf32>
    %sub3A_107 = arith.constant 9.375000e+01 : f32
    %sub3A_108 = vector.broadcast %sub3A_107 : f32 to vector<8x32768xf32>
    %sub3A_109 = arith.subf %add3A_5, %sub3A_108 : vector<8x32768xf32>
    %tanh3A_110 = math.tanh %sub3A_109 : vector<8x32768xf32>
    %reduce_sum3A_111 = arith.constant dense<0.000000e+00> : vector<8xf32>
    %reduce_sum3A_112 = vector.multi_reduction <add>, %tanh3A_110, %reduce_sum3A_111 [1] : vector<8x32768xf32> to vector<8xf32>
    %broadcast_in_dim3A_113 = vector.shape_cast %reduce_sum3A_112 : vector<8xf32> to vector<8x1xf32>
    %sub3A_114 = arith.constant 1.000000e+02 : f32
    %sub3A_115 = vector.broadcast %sub3A_114 : f32 to vector<8x32768xf32>
    %sub3A_116 = arith.subf %add3A_5, %sub3A_115 : vector<8x32768xf32>
    %tanh3A_117 = math.tanh %sub3A_116 : vector<8x32768xf32>
    %reduce_sum3A_118 = arith.constant dense<0.000000e+00> : vector<8xf32>
    %reduce_sum3A_119 = vector.multi_reduction <add>, %tanh3A_117, %reduce_sum3A_118 [1] : vector<8x32768xf32> to vector<8xf32>
    %broadcast_in_dim3A_120 = vector.shape_cast %reduce_sum3A_119 : vector<8xf32> to vector<8x1xf32>
    %sub3A_121 = arith.constant 1.062500e+02 : f32
    %sub3A_122 = vector.broadcast %sub3A_121 : f32 to vector<8x32768xf32>
    %sub3A_123 = arith.subf %add3A_5, %sub3A_122 : vector<8x32768xf32>
    %tanh3A_124 = math.tanh %sub3A_123 : vector<8x32768xf32>
    %reduce_sum3A_125 = arith.constant dense<0.000000e+00> : vector<8xf32>
    %reduce_sum3A_126 = vector.multi_reduction <add>, %tanh3A_124, %reduce_sum3A_125 [1] : vector<8x32768xf32> to vector<8xf32>
    %broadcast_in_dim3A_127 = vector.shape_cast %reduce_sum3A_126 : vector<8xf32> to vector<8x1xf32>
    %sub3A_128 = arith.constant 1.125000e+02 : f32
    %sub3A_129 = vector.broadcast %sub3A_128 : f32 to vector<8x32768xf32>
    %sub3A_130 = arith.subf %add3A_5, %sub3A_129 : vector<8x32768xf32>
    %tanh3A_131 = math.tanh %sub3A_130 : vector<8x32768xf32>
    %reduce_sum3A_132 = arith.constant dense<0.000000e+00> : vector<8xf32>
    %reduce_sum3A_133 = vector.multi_reduction <add>, %tanh3A_131, %reduce_sum3A_132 [1] : vector<8x32768xf32> to vector<8xf32>
    %broadcast_in_dim3A_134 = vector.shape_cast %reduce_sum3A_133 : vector<8xf32> to vector<8x1xf32>
    %sub3A_135 = arith.constant 1.187500e+02 : f32
    %sub3A_136 = vector.broadcast %sub3A_135 : f32 to vector<8x32768xf32>
    %sub3A_137 = arith.subf %add3A_5, %sub3A_136 : vector<8x32768xf32>
    %tanh3A_138 = math.tanh %sub3A_137 : vector<8x32768xf32>
    %reduce_sum3A_139 = arith.constant dense<0.000000e+00> : vector<8xf32>
    %reduce_sum3A_140 = vector.multi_reduction <add>, %tanh3A_138, %reduce_sum3A_139 [1] : vector<8x32768xf32> to vector<8xf32>
    %broadcast_in_dim3A_141 = vector.shape_cast %reduce_sum3A_140 : vector<8xf32> to vector<8x1xf32>
    %sub3A_142 = arith.constant 1.250000e+02 : f32
    %sub3A_143 = vector.broadcast %sub3A_142 : f32 to vector<8x32768xf32>
    %sub3A_144 = arith.subf %add3A_5, %sub3A_143 : vector<8x32768xf32>
    %tanh3A_145 = math.tanh %sub3A_144 : vector<8x32768xf32>
    %reduce_sum3A_146 = arith.constant dense<0.000000e+00> : vector<8xf32>
    %reduce_sum3A_147 = vector.multi_reduction <add>, %tanh3A_145, %reduce_sum3A_146 [1] : vector<8x32768xf32> to vector<8xf32>
    %broadcast_in_dim3A_148 = vector.shape_cast %reduce_sum3A_147 : vector<8xf32> to vector<8x1xf32>
    %sub3A_149 = arith.constant 1.312500e+02 : f32
    %sub3A_150 = vector.broadcast %sub3A_149 : f32 to vector<8x32768xf32>
    %sub3A_151 = arith.subf %add3A_5, %sub3A_150 : vector<8x32768xf32>
    %tanh3A_152 = math.tanh %sub3A_151 : vector<8x32768xf32>
    %reduce_sum3A_153 = arith.constant dense<0.000000e+00> : vector<8xf32>
    %reduce_sum3A_154 = vector.multi_reduction <add>, %tanh3A_152, %reduce_sum3A_153 [1] : vector<8x32768xf32> to vector<8xf32>
    %broadcast_in_dim3A_155 = vector.shape_cast %reduce_sum3A_154 : vector<8xf32> to vector<8x1xf32>
    %sub3A_156 = arith.constant 1.375000e+02 : f32
    %sub3A_157 = vector.broadcast %sub3A_156 : f32 to vector<8x32768xf32>
    %sub3A_158 = arith.subf %add3A_5, %sub3A_157 : vector<8x32768xf32>
    %tanh3A_159 = math.tanh %sub3A_158 : vector<8x32768xf32>
    %reduce_sum3A_160 = arith.constant dense<0.000000e+00> : vector<8xf32>
    %reduce_sum3A_161 = vector.multi_reduction <add>, %tanh3A_159, %reduce_sum3A_160 [1] : vector<8x32768xf32> to vector<8xf32>
    %broadcast_in_dim3A_162 = vector.shape_cast %reduce_sum3A_161 : vector<8xf32> to vector<8x1xf32>
    %sub3A_163 = arith.constant 1.437500e+02 : f32
    %sub3A_164 = vector.broadcast %sub3A_163 : f32 to vector<8x32768xf32>
    %sub3A_165 = arith.subf %add3A_5, %sub3A_164 : vector<8x32768xf32>
    %tanh3A_166 = math.tanh %sub3A_165 : vector<8x32768xf32>
    %reduce_sum3A_167 = arith.constant dense<0.000000e+00> : vector<8xf32>
    %reduce_sum3A_168 = vector.multi_reduction <add>, %tanh3A_166, %reduce_sum3A_167 [1] : vector<8x32768xf32> to vector<8xf32>
    %broadcast_in_dim3A_169 = vector.shape_cast %reduce_sum3A_168 : vector<8xf32> to vector<8x1xf32>
    %sub3A_170 = arith.constant 1.500000e+02 : f32
    %sub3A_171 = vector.broadcast %sub3A_170 : f32 to vector<8x32768xf32>
    %sub3A_172 = arith.subf %add3A_5, %sub3A_171 : vector<8x32768xf32>
    %tanh3A_173 = math.tanh %sub3A_172 : vector<8x32768xf32>
    %reduce_sum3A_174 = arith.constant dense<0.000000e+00> : vector<8xf32>
    %reduce_sum3A_175 = vector.multi_reduction <add>, %tanh3A_173, %reduce_sum3A_174 [1] : vector<8x32768xf32> to vector<8xf32>
    %broadcast_in_dim3A_176 = vector.shape_cast %reduce_sum3A_175 : vector<8xf32> to vector<8x1xf32>
    %sub3A_177 = arith.constant 1.562500e+02 : f32
    %sub3A_178 = vector.broadcast %sub3A_177 : f32 to vector<8x32768xf32>
    %sub3A_179 = arith.subf %add3A_5, %sub3A_178 : vector<8x32768xf32>
    %tanh3A_180 = math.tanh %sub3A_179 : vector<8x32768xf32>
    %reduce_sum3A_181 = arith.constant dense<0.000000e+00> : vector<8xf32>
    %reduce_sum3A_182 = vector.multi_reduction <add>, %tanh3A_180, %reduce_sum3A_181 [1] : vector<8x32768xf32> to vector<8xf32>
    %broadcast_in_dim3A_183 = vector.shape_cast %reduce_sum3A_182 : vector<8xf32> to vector<8x1xf32>
    %sub3A_184 = arith.constant 1.625000e+02 : f32
    %sub3A_185 = vector.broadcast %sub3A_184 : f32 to vector<8x32768xf32>
    %sub3A_186 = arith.subf %add3A_5, %sub3A_185 : vector<8x32768xf32>
    %tanh3A_187 = math.tanh %sub3A_186 : vector<8x32768xf32>
    %reduce_sum3A_188 = arith.constant dense<0.000000e+00> : vector<8xf32>
    %reduce_sum3A_189 = vector.multi_reduction <add>, %tanh3A_187, %reduce_sum3A_188 [1] : vector<8x32768xf32> to vector<8xf32>
    %broadcast_in_dim3A_190 = vector.shape_cast %reduce_sum3A_189 : vector<8xf32> to vector<8x1xf32>
    %sub3A_191 = arith.constant 1.687500e+02 : f32
    %sub3A_192 = vector.broadcast %sub3A_191 : f32 to vector<8x32768xf32>
    %sub3A_193 = arith.subf %add3A_5, %sub3A_192 : vector<8x32768xf32>
    %tanh3A_194 = math.tanh %sub3A_193 : vector<8x32768xf32>
    %reduce_sum3A_195 = arith.constant dense<0.000000e+00> : vector<8xf32>
    %reduce_sum3A_196 = vector.multi_reduction <add>, %tanh3A_194, %reduce_sum3A_195 [1] : vector<8x32768xf32> to vector<8xf32>
    %broadcast_in_dim3A_197 = vector.shape_cast %reduce_sum3A_196 : vector<8xf32> to vector<8x1xf32>
    %sub3A_198 = arith.constant 1.750000e+02 : f32
    %sub3A_199 = vector.broadcast %sub3A_198 : f32 to vector<8x32768xf32>
    %sub3A_200 = arith.subf %add3A_5, %sub3A_199 : vector<8x32768xf32>
    %tanh3A_201 = math.tanh %sub3A_200 : vector<8x32768xf32>
    %reduce_sum3A_202 = arith.constant dense<0.000000e+00> : vector<8xf32>
    %reduce_sum3A_203 = vector.multi_reduction <add>, %tanh3A_201, %reduce_sum3A_202 [1] : vector<8x32768xf32> to vector<8xf32>
    %broadcast_in_dim3A_204 = vector.shape_cast %reduce_sum3A_203 : vector<8xf32> to vector<8x1xf32>
    %sub3A_205 = arith.constant 1.812500e+02 : f32
    %sub3A_206 = vector.broadcast %sub3A_205 : f32 to vector<8x32768xf32>
    %sub3A_207 = arith.subf %add3A_5, %sub3A_206 : vector<8x32768xf32>
    %tanh3A_208 = math.tanh %sub3A_207 : vector<8x32768xf32>
    %reduce_sum3A_209 = arith.constant dense<0.000000e+00> : vector<8xf32>
    %reduce_sum3A_210 = vector.multi_reduction <add>, %tanh3A_208, %reduce_sum3A_209 [1] : vector<8x32768xf32> to vector<8xf32>
    %broadcast_in_dim3A_211 = vector.shape_cast %reduce_sum3A_210 : vector<8xf32> to vector<8x1xf32>
    %sub3A_212 = arith.constant 1.875000e+02 : f32
    %sub3A_213 = vector.broadcast %sub3A_212 : f32 to vector<8x32768xf32>
    %sub3A_214 = arith.subf %add3A_5, %sub3A_213 : vector<8x32768xf32>
    %tanh3A_215 = math.tanh %sub3A_214 : vector<8x32768xf32>
    %reduce_sum3A_216 = arith.constant dense<0.000000e+00> : vector<8xf32>
    %reduce_sum3A_217 = vector.multi_reduction <add>, %tanh3A_215, %reduce_sum3A_216 [1] : vector<8x32768xf32> to vector<8xf32>
    %broadcast_in_dim3A_218 = vector.shape_cast %reduce_sum3A_217 : vector<8xf32> to vector<8x1xf32>
    %sub3A_219 = arith.constant 1.937500e+02 : f32
    %sub3A_220 = vector.broadcast %sub3A_219 : f32 to vector<8x32768xf32>
    %sub3A_221 = arith.subf %add3A_5, %sub3A_220 : vector<8x32768xf32>
    %tanh3A_222 = math.tanh %sub3A_221 : vector<8x32768xf32>
    %reduce_sum3A_223 = arith.constant dense<0.000000e+00> : vector<8xf32>
    %reduce_sum3A_224 = vector.multi_reduction <add>, %tanh3A_222, %reduce_sum3A_223 [1] : vector<8x32768xf32> to vector<8xf32>
    %broadcast_in_dim3A_225 = vector.shape_cast %reduce_sum3A_224 : vector<8xf32> to vector<8x1xf32>
    %sub3A_226 = arith.constant 2.000000e+02 : f32
    %sub3A_227 = vector.broadcast %sub3A_226 : f32 to vector<8x32768xf32>
    %sub3A_228 = arith.subf %add3A_5, %sub3A_227 : vector<8x32768xf32>
    %tanh3A_229 = math.tanh %sub3A_228 : vector<8x32768xf32>
    %reduce_sum3A_230 = arith.constant dense<0.000000e+00> : vector<8xf32>
    %reduce_sum3A_231 = vector.multi_reduction <add>, %tanh3A_229, %reduce_sum3A_230 [1] : vector<8x32768xf32> to vector<8xf32>
    %broadcast_in_dim3A_232 = vector.shape_cast %reduce_sum3A_231 : vector<8xf32> to vector<8x1xf32>
    %sub3A_233 = arith.constant 2.062500e+02 : f32
    %sub3A_234 = vector.broadcast %sub3A_233 : f32 to vector<8x32768xf32>
    %sub3A_235 = arith.subf %add3A_5, %sub3A_234 : vector<8x32768xf32>
    %tanh3A_236 = math.tanh %sub3A_235 : vector<8x32768xf32>
    %reduce_sum3A_237 = arith.constant dense<0.000000e+00> : vector<8xf32>
    %reduce_sum3A_238 = vector.multi_reduction <add>, %tanh3A_236, %reduce_sum3A_237 [1] : vector<8x32768xf32> to vector<8xf32>
    %broadcast_in_dim3A_239 = vector.shape_cast %reduce_sum3A_238 : vector<8xf32> to vector<8x1xf32>
    %sub3A_240 = arith.constant 2.125000e+02 : f32
    %sub3A_241 = vector.broadcast %sub3A_240 : f32 to vector<8x32768xf32>
    %sub3A_242 = arith.subf %add3A_5, %sub3A_241 : vector<8x32768xf32>
    %tanh3A_243 = math.tanh %sub3A_242 : vector<8x32768xf32>
    %reduce_sum3A_244 = arith.constant dense<0.000000e+00> : vector<8xf32>
    %reduce_sum3A_245 = vector.multi_reduction <add>, %tanh3A_243, %reduce_sum3A_244 [1] : vector<8x32768xf32> to vector<8xf32>
    %broadcast_in_dim3A_246 = vector.shape_cast %reduce_sum3A_245 : vector<8xf32> to vector<8x1xf32>
    %sub3A_247 = arith.constant 2.187500e+02 : f32
    %sub3A_248 = vector.broadcast %sub3A_247 : f32 to vector<8x32768xf32>
    %sub3A_249 = arith.subf %add3A_5, %sub3A_248 : vector<8x32768xf32>
    %tanh3A_250 = math.tanh %sub3A_249 : vector<8x32768xf32>
    %reduce_sum3A_251 = arith.constant dense<0.000000e+00> : vector<8xf32>
    %reduce_sum3A_252 = vector.multi_reduction <add>, %tanh3A_250, %reduce_sum3A_251 [1] : vector<8x32768xf32> to vector<8xf32>
    %broadcast_in_dim3A_253 = vector.shape_cast %reduce_sum3A_252 : vector<8xf32> to vector<8x1xf32>
    %sub3A_254 = arith.constant 2.250000e+02 : f32
    %sub3A_255 = vector.broadcast %sub3A_254 : f32 to vector<8x32768xf32>
    %sub3A_256 = arith.subf %add3A_5, %sub3A_255 : vector<8x32768xf32>
    %tanh3A_257 = math.tanh %sub3A_256 : vector<8x32768xf32>
    %reduce_sum3A_258 = arith.constant dense<0.000000e+00> : vector<8xf32>
    %reduce_sum3A_259 = vector.multi_reduction <add>, %tanh3A_257, %reduce_sum3A_258 [1] : vector<8x32768xf32> to vector<8xf32>
    %broadcast_in_dim3A_260 = vector.shape_cast %reduce_sum3A_259 : vector<8xf32> to vector<8x1xf32>
    %sub3A_261 = arith.constant 2.312500e+02 : f32
    %sub3A_262 = vector.broadcast %sub3A_261 : f32 to vector<8x32768xf32>
    %sub3A_263 = arith.subf %add3A_5, %sub3A_262 : vector<8x32768xf32>
    %tanh3A_264 = math.tanh %sub3A_263 : vector<8x32768xf32>
    %reduce_sum3A_265 = arith.constant dense<0.000000e+00> : vector<8xf32>
    %reduce_sum3A_266 = vector.multi_reduction <add>, %tanh3A_264, %reduce_sum3A_265 [1] : vector<8x32768xf32> to vector<8xf32>
    %broadcast_in_dim3A_267 = vector.shape_cast %reduce_sum3A_266 : vector<8xf32> to vector<8x1xf32>
    %sub3A_268 = arith.constant 2.375000e+02 : f32
    %sub3A_269 = vector.broadcast %sub3A_268 : f32 to vector<8x32768xf32>
    %sub3A_270 = arith.subf %add3A_5, %sub3A_269 : vector<8x32768xf32>
    %tanh3A_271 = math.tanh %sub3A_270 : vector<8x32768xf32>
    %reduce_sum3A_272 = arith.constant dense<0.000000e+00> : vector<8xf32>
    %reduce_sum3A_273 = vector.multi_reduction <add>, %tanh3A_271, %reduce_sum3A_272 [1] : vector<8x32768xf32> to vector<8xf32>
    %broadcast_in_dim3A_274 = vector.shape_cast %reduce_sum3A_273 : vector<8xf32> to vector<8x1xf32>
    %sub3A_275 = arith.constant 2.437500e+02 : f32
    %sub3A_276 = vector.broadcast %sub3A_275 : f32 to vector<8x32768xf32>
    %sub3A_277 = arith.subf %add3A_5, %sub3A_276 : vector<8x32768xf32>
    %tanh3A_278 = math.tanh %sub3A_277 : vector<8x32768xf32>
    %reduce_sum3A_279 = arith.constant dense<0.000000e+00> : vector<8xf32>
    %reduce_sum3A_280 = vector.multi_reduction <add>, %tanh3A_278, %reduce_sum3A_279 [1] : vector<8x32768xf32> to vector<8xf32>
    %broadcast_in_dim3A_281 = vector.shape_cast %reduce_sum3A_280 : vector<8xf32> to vector<8x1xf32>
    %sub3A_282 = arith.constant 2.500000e+02 : f32
    %sub3A_283 = vector.broadcast %sub3A_282 : f32 to vector<8x32768xf32>
    %sub3A_284 = arith.subf %add3A_5, %sub3A_283 : vector<8x32768xf32>
    %tanh3A_285 = math.tanh %sub3A_284 : vector<8x32768xf32>
    %reduce_sum3A_286 = arith.constant dense<0.000000e+00> : vector<8xf32>
    %reduce_sum3A_287 = vector.multi_reduction <add>, %tanh3A_285, %reduce_sum3A_286 [1] : vector<8x32768xf32> to vector<8xf32>
    %broadcast_in_dim3A_288 = vector.shape_cast %reduce_sum3A_287 : vector<8xf32> to vector<8x1xf32>
    %sub3A_289 = arith.constant 2.562500e+02 : f32
    %sub3A_290 = vector.broadcast %sub3A_289 : f32 to vector<8x32768xf32>
    %sub3A_291 = arith.subf %add3A_5, %sub3A_290 : vector<8x32768xf32>
    %tanh3A_292 = math.tanh %sub3A_291 : vector<8x32768xf32>
    %reduce_sum3A_293 = arith.constant dense<0.000000e+00> : vector<8xf32>
    %reduce_sum3A_294 = vector.multi_reduction <add>, %tanh3A_292, %reduce_sum3A_293 [1] : vector<8x32768xf32> to vector<8xf32>
    %broadcast_in_dim3A_295 = vector.shape_cast %reduce_sum3A_294 : vector<8xf32> to vector<8x1xf32>
    %sub3A_296 = arith.constant 2.625000e+02 : f32
    %sub3A_297 = vector.broadcast %sub3A_296 : f32 to vector<8x32768xf32>
    %sub3A_298 = arith.subf %add3A_5, %sub3A_297 : vector<8x32768xf32>
    %tanh3A_299 = math.tanh %sub3A_298 : vector<8x32768xf32>
    %reduce_sum3A_300 = arith.constant dense<0.000000e+00> : vector<8xf32>
    %reduce_sum3A_301 = vector.multi_reduction <add>, %tanh3A_299, %reduce_sum3A_300 [1] : vector<8x32768xf32> to vector<8xf32>
    %broadcast_in_dim3A_302 = vector.shape_cast %reduce_sum3A_301 : vector<8xf32> to vector<8x1xf32>
    %sub3A_303 = arith.constant 2.687500e+02 : f32
    %sub3A_304 = vector.broadcast %sub3A_303 : f32 to vector<8x32768xf32>
    %sub3A_305 = arith.subf %add3A_5, %sub3A_304 : vector<8x32768xf32>
    %tanh3A_306 = math.tanh %sub3A_305 : vector<8x32768xf32>
    %reduce_sum3A_307 = arith.constant dense<0.000000e+00> : vector<8xf32>
    %reduce_sum3A_308 = vector.multi_reduction <add>, %tanh3A_306, %reduce_sum3A_307 [1] : vector<8x32768xf32> to vector<8xf32>
    %broadcast_in_dim3A_309 = vector.shape_cast %reduce_sum3A_308 : vector<8xf32> to vector<8x1xf32>
    %sub3A_310 = arith.constant 2.750000e+02 : f32
    %sub3A_311 = vector.broadcast %sub3A_310 : f32 to vector<8x32768xf32>
    %sub3A_312 = arith.subf %add3A_5, %sub3A_311 : vector<8x32768xf32>
    %tanh3A_313 = math.tanh %sub3A_312 : vector<8x32768xf32>
    %reduce_sum3A_314 = arith.constant dense<0.000000e+00> : vector<8xf32>
    %reduce_sum3A_315 = vector.multi_reduction <add>, %tanh3A_313, %reduce_sum3A_314 [1] : vector<8x32768xf32> to vector<8xf32>
    %broadcast_in_dim3A_316 = vector.shape_cast %reduce_sum3A_315 : vector<8xf32> to vector<8x1xf32>
    %sub3A_317 = arith.constant 2.812500e+02 : f32
    %sub3A_318 = vector.broadcast %sub3A_317 : f32 to vector<8x32768xf32>
    %sub3A_319 = arith.subf %add3A_5, %sub3A_318 : vector<8x32768xf32>
    %tanh3A_320 = math.tanh %sub3A_319 : vector<8x32768xf32>
    %reduce_sum3A_321 = arith.constant dense<0.000000e+00> : vector<8xf32>
    %reduce_sum3A_322 = vector.multi_reduction <add>, %tanh3A_320, %reduce_sum3A_321 [1] : vector<8x32768xf32> to vector<8xf32>
    %broadcast_in_dim3A_323 = vector.shape_cast %reduce_sum3A_322 : vector<8xf32> to vector<8x1xf32>
    %sub3A_324 = arith.constant 2.875000e+02 : f32
    %sub3A_325 = vector.broadcast %sub3A_324 : f32 to vector<8x32768xf32>
    %sub3A_326 = arith.subf %add3A_5, %sub3A_325 : vector<8x32768xf32>
    %tanh3A_327 = math.tanh %sub3A_326 : vector<8x32768xf32>
    %reduce_sum3A_328 = arith.constant dense<0.000000e+00> : vector<8xf32>
    %reduce_sum3A_329 = vector.multi_reduction <add>, %tanh3A_327, %reduce_sum3A_328 [1] : vector<8x32768xf32> to vector<8xf32>
    %broadcast_in_dim3A_330 = vector.shape_cast %reduce_sum3A_329 : vector<8xf32> to vector<8x1xf32>
    %sub3A_331 = arith.constant 2.937500e+02 : f32
    %sub3A_332 = vector.broadcast %sub3A_331 : f32 to vector<8x32768xf32>
    %sub3A_333 = arith.subf %add3A_5, %sub3A_332 : vector<8x32768xf32>
    %tanh3A_334 = math.tanh %sub3A_333 : vector<8x32768xf32>
    %reduce_sum3A_335 = arith.constant dense<0.000000e+00> : vector<8xf32>
    %reduce_sum3A_336 = vector.multi_reduction <add>, %tanh3A_334, %reduce_sum3A_335 [1] : vector<8x32768xf32> to vector<8xf32>
    %broadcast_in_dim3A_337 = vector.shape_cast %reduce_sum3A_336 : vector<8xf32> to vector<8x1xf32>
    %sub3A_338 = arith.constant 3.000000e+02 : f32
    %sub3A_339 = vector.broadcast %sub3A_338 : f32 to vector<8x32768xf32>
    %sub3A_340 = arith.subf %add3A_5, %sub3A_339 : vector<8x32768xf32>
    %tanh3A_341 = math.tanh %sub3A_340 : vector<8x32768xf32>
    %reduce_sum3A_342 = arith.constant dense<0.000000e+00> : vector<8xf32>
    %reduce_sum3A_343 = vector.multi_reduction <add>, %tanh3A_341, %reduce_sum3A_342 [1] : vector<8x32768xf32> to vector<8xf32>
    %broadcast_in_dim3A_344 = vector.shape_cast %reduce_sum3A_343 : vector<8xf32> to vector<8x1xf32>
    %sub3A_345 = arith.constant 3.062500e+02 : f32
    %sub3A_346 = vector.broadcast %sub3A_345 : f32 to vector<8x32768xf32>
    %sub3A_347 = arith.subf %add3A_5, %sub3A_346 : vector<8x32768xf32>
    %tanh3A_348 = math.tanh %sub3A_347 : vector<8x32768xf32>
    %reduce_sum3A_349 = arith.constant dense<0.000000e+00> : vector<8xf32>
    %reduce_sum3A_350 = vector.multi_reduction <add>, %tanh3A_348, %reduce_sum3A_349 [1] : vector<8x32768xf32> to vector<8xf32>
    %broadcast_in_dim3A_351 = vector.shape_cast %reduce_sum3A_350 : vector<8xf32> to vector<8x1xf32>
    %sub3A_352 = arith.constant 3.125000e+02 : f32
    %sub3A_353 = vector.broadcast %sub3A_352 : f32 to vector<8x32768xf32>
    %sub3A_354 = arith.subf %add3A_5, %sub3A_353 : vector<8x32768xf32>
    %tanh3A_355 = math.tanh %sub3A_354 : vector<8x32768xf32>
    %reduce_sum3A_356 = arith.constant dense<0.000000e+00> : vector<8xf32>
    %reduce_sum3A_357 = vector.multi_reduction <add>, %tanh3A_355, %reduce_sum3A_356 [1] : vector<8x32768xf32> to vector<8xf32>
    %broadcast_in_dim3A_358 = vector.shape_cast %reduce_sum3A_357 : vector<8xf32> to vector<8x1xf32>
    %sub3A_359 = arith.constant 3.187500e+02 : f32
    %sub3A_360 = vector.broadcast %sub3A_359 : f32 to vector<8x32768xf32>
    %sub3A_361 = arith.subf %add3A_5, %sub3A_360 : vector<8x32768xf32>
    %tanh3A_362 = math.tanh %sub3A_361 : vector<8x32768xf32>
    %reduce_sum3A_363 = arith.constant dense<0.000000e+00> : vector<8xf32>
    %reduce_sum3A_364 = vector.multi_reduction <add>, %tanh3A_362, %reduce_sum3A_363 [1] : vector<8x32768xf32> to vector<8xf32>
    %broadcast_in_dim3A_365 = vector.shape_cast %reduce_sum3A_364 : vector<8xf32> to vector<8x1xf32>
    %sub3A_366 = arith.constant 3.250000e+02 : f32
    %sub3A_367 = vector.broadcast %sub3A_366 : f32 to vector<8x32768xf32>
    %sub3A_368 = arith.subf %add3A_5, %sub3A_367 : vector<8x32768xf32>
    %tanh3A_369 = math.tanh %sub3A_368 : vector<8x32768xf32>
    %reduce_sum3A_370 = arith.constant dense<0.000000e+00> : vector<8xf32>
    %reduce_sum3A_371 = vector.multi_reduction <add>, %tanh3A_369, %reduce_sum3A_370 [1] : vector<8x32768xf32> to vector<8xf32>
    %broadcast_in_dim3A_372 = vector.shape_cast %reduce_sum3A_371 : vector<8xf32> to vector<8x1xf32>
    %sub3A_373 = arith.constant 3.312500e+02 : f32
    %sub3A_374 = vector.broadcast %sub3A_373 : f32 to vector<8x32768xf32>
    %sub3A_375 = arith.subf %add3A_5, %sub3A_374 : vector<8x32768xf32>
    %tanh3A_376 = math.tanh %sub3A_375 : vector<8x32768xf32>
    %reduce_sum3A_377 = arith.constant dense<0.000000e+00> : vector<8xf32>
    %reduce_sum3A_378 = vector.multi_reduction <add>, %tanh3A_376, %reduce_sum3A_377 [1] : vector<8x32768xf32> to vector<8xf32>
    %broadcast_in_dim3A_379 = vector.shape_cast %reduce_sum3A_378 : vector<8xf32> to vector<8x1xf32>
    %sub3A_380 = arith.constant 3.375000e+02 : f32
    %sub3A_381 = vector.broadcast %sub3A_380 : f32 to vector<8x32768xf32>
    %sub3A_382 = arith.subf %add3A_5, %sub3A_381 : vector<8x32768xf32>
    %tanh3A_383 = math.tanh %sub3A_382 : vector<8x32768xf32>
    %reduce_sum3A_384 = arith.constant dense<0.000000e+00> : vector<8xf32>
    %reduce_sum3A_385 = vector.multi_reduction <add>, %tanh3A_383, %reduce_sum3A_384 [1] : vector<8x32768xf32> to vector<8xf32>
    %broadcast_in_dim3A_386 = vector.shape_cast %reduce_sum3A_385 : vector<8xf32> to vector<8x1xf32>
    %sub3A_387 = arith.constant 3.437500e+02 : f32
    %sub3A_388 = vector.broadcast %sub3A_387 : f32 to vector<8x32768xf32>
    %sub3A_389 = arith.subf %add3A_5, %sub3A_388 : vector<8x32768xf32>
    %tanh3A_390 = math.tanh %sub3A_389 : vector<8x32768xf32>
    %reduce_sum3A_391 = arith.constant dense<0.000000e+00> : vector<8xf32>
    %reduce_sum3A_392 = vector.multi_reduction <add>, %tanh3A_390, %reduce_sum3A_391 [1] : vector<8x32768xf32> to vector<8xf32>
    %broadcast_in_dim3A_393 = vector.shape_cast %reduce_sum3A_392 : vector<8xf32> to vector<8x1xf32>
    %sub3A_394 = arith.constant 3.500000e+02 : f32
    %sub3A_395 = vector.broadcast %sub3A_394 : f32 to vector<8x32768xf32>
    %sub3A_396 = arith.subf %add3A_5, %sub3A_395 : vector<8x32768xf32>
    %tanh3A_397 = math.tanh %sub3A_396 : vector<8x32768xf32>
    %reduce_sum3A_398 = arith.constant dense<0.000000e+00> : vector<8xf32>
    %reduce_sum3A_399 = vector.multi_reduction <add>, %tanh3A_397, %reduce_sum3A_398 [1] : vector<8x32768xf32> to vector<8xf32>
    %broadcast_in_dim3A_400 = vector.shape_cast %reduce_sum3A_399 : vector<8xf32> to vector<8x1xf32>
    %sub3A_401 = arith.constant 3.562500e+02 : f32
    %sub3A_402 = vector.broadcast %sub3A_401 : f32 to vector<8x32768xf32>
    %sub3A_403 = arith.subf %add3A_5, %sub3A_402 : vector<8x32768xf32>
    %tanh3A_404 = math.tanh %sub3A_403 : vector<8x32768xf32>
    %reduce_sum3A_405 = arith.constant dense<0.000000e+00> : vector<8xf32>
    %reduce_sum3A_406 = vector.multi_reduction <add>, %tanh3A_404, %reduce_sum3A_405 [1] : vector<8x32768xf32> to vector<8xf32>
    %broadcast_in_dim3A_407 = vector.shape_cast %reduce_sum3A_406 : vector<8xf32> to vector<8x1xf32>
    %sub3A_408 = arith.constant 3.625000e+02 : f32
    %sub3A_409 = vector.broadcast %sub3A_408 : f32 to vector<8x32768xf32>
    %sub3A_410 = arith.subf %add3A_5, %sub3A_409 : vector<8x32768xf32>
    %tanh3A_411 = math.tanh %sub3A_410 : vector<8x32768xf32>
    %reduce_sum3A_412 = arith.constant dense<0.000000e+00> : vector<8xf32>
    %reduce_sum3A_413 = vector.multi_reduction <add>, %tanh3A_411, %reduce_sum3A_412 [1] : vector<8x32768xf32> to vector<8xf32>
    %broadcast_in_dim3A_414 = vector.shape_cast %reduce_sum3A_413 : vector<8xf32> to vector<8x1xf32>
    %sub3A_415 = arith.constant 3.687500e+02 : f32
    %sub3A_416 = vector.broadcast %sub3A_415 : f32 to vector<8x32768xf32>
    %sub3A_417 = arith.subf %add3A_5, %sub3A_416 : vector<8x32768xf32>
    %tanh3A_418 = math.tanh %sub3A_417 : vector<8x32768xf32>
    %reduce_sum3A_419 = arith.constant dense<0.000000e+00> : vector<8xf32>
    %reduce_sum3A_420 = vector.multi_reduction <add>, %tanh3A_418, %reduce_sum3A_419 [1] : vector<8x32768xf32> to vector<8xf32>
    %broadcast_in_dim3A_421 = vector.shape_cast %reduce_sum3A_420 : vector<8xf32> to vector<8x1xf32>
    %sub3A_422 = arith.constant 3.750000e+02 : f32
    %sub3A_423 = vector.broadcast %sub3A_422 : f32 to vector<8x32768xf32>
    %sub3A_424 = arith.subf %add3A_5, %sub3A_423 : vector<8x32768xf32>
    %tanh3A_425 = math.tanh %sub3A_424 : vector<8x32768xf32>
    %reduce_sum3A_426 = arith.constant dense<0.000000e+00> : vector<8xf32>
    %reduce_sum3A_427 = vector.multi_reduction <add>, %tanh3A_425, %reduce_sum3A_426 [1] : vector<8x32768xf32> to vector<8xf32>
    %broadcast_in_dim3A_428 = vector.shape_cast %reduce_sum3A_427 : vector<8xf32> to vector<8x1xf32>
    %sub3A_429 = arith.constant 3.812500e+02 : f32
    %sub3A_430 = vector.broadcast %sub3A_429 : f32 to vector<8x32768xf32>
    %sub3A_431 = arith.subf %add3A_5, %sub3A_430 : vector<8x32768xf32>
    %tanh3A_432 = math.tanh %sub3A_431 : vector<8x32768xf32>
    %reduce_sum3A_433 = arith.constant dense<0.000000e+00> : vector<8xf32>
    %reduce_sum3A_434 = vector.multi_reduction <add>, %tanh3A_432, %reduce_sum3A_433 [1] : vector<8x32768xf32> to vector<8xf32>
    %broadcast_in_dim3A_435 = vector.shape_cast %reduce_sum3A_434 : vector<8xf32> to vector<8x1xf32>
    %sub3A_436 = arith.constant 3.875000e+02 : f32
    %sub3A_437 = vector.broadcast %sub3A_436 : f32 to vector<8x32768xf32>
    %sub3A_438 = arith.subf %add3A_5, %sub3A_437 : vector<8x32768xf32>
    %tanh3A_439 = math.tanh %sub3A_438 : vector<8x32768xf32>
    %reduce_sum3A_440 = arith.constant dense<0.000000e+00> : vector<8xf32>
    %reduce_sum3A_441 = vector.multi_reduction <add>, %tanh3A_439, %reduce_sum3A_440 [1] : vector<8x32768xf32> to vector<8xf32>
    %broadcast_in_dim3A_442 = vector.shape_cast %reduce_sum3A_441 : vector<8xf32> to vector<8x1xf32>
    %sub3A_443 = arith.constant 3.937500e+02 : f32
    %sub3A_444 = vector.broadcast %sub3A_443 : f32 to vector<8x32768xf32>
    %sub3A_445 = arith.subf %add3A_5, %sub3A_444 : vector<8x32768xf32>
    %tanh3A_446 = math.tanh %sub3A_445 : vector<8x32768xf32>
    %reduce_sum3A_447 = arith.constant dense<0.000000e+00> : vector<8xf32>
    %reduce_sum3A_448 = vector.multi_reduction <add>, %tanh3A_446, %reduce_sum3A_447 [1] : vector<8x32768xf32> to vector<8xf32>
    %broadcast_in_dim3A_449 = vector.shape_cast %reduce_sum3A_448 : vector<8xf32> to vector<8x1xf32>
    %sub3A_450 = arith.constant 4.000000e+02 : f32
    %sub3A_451 = vector.broadcast %sub3A_450 : f32 to vector<8x32768xf32>
    %sub3A_452 = arith.subf %add3A_5, %sub3A_451 : vector<8x32768xf32>
    %tanh3A_453 = math.tanh %sub3A_452 : vector<8x32768xf32>
    %reduce_sum3A_454 = arith.constant dense<0.000000e+00> : vector<8xf32>
    %reduce_sum3A_455 = vector.multi_reduction <add>, %tanh3A_453, %reduce_sum3A_454 [1] : vector<8x32768xf32> to vector<8xf32>
    %broadcast_in_dim3A_456 = vector.shape_cast %reduce_sum3A_455 : vector<8xf32> to vector<8x1xf32>
    %concatenate3A = tpu.concatenate %broadcast_in_dim3A, %broadcast_in_dim3A_15, %broadcast_in_dim3A_22, %broadcast_in_dim3A_29, %broadcast_in_dim3A_36, %broadcast_in_dim3A_43, %broadcast_in_dim3A_50, %broadcast_in_dim3A_57, %broadcast_in_dim3A_64, %broadcast_in_dim3A_71, %broadcast_in_dim3A_78, %broadcast_in_dim3A_85, %broadcast_in_dim3A_92, %broadcast_in_dim3A_99, %broadcast_in_dim3A_106, %broadcast_in_dim3A_113, %broadcast_in_dim3A_120, %broadcast_in_dim3A_127, %broadcast_in_dim3A_134, %broadcast_in_dim3A_141, %broadcast_in_dim3A_148, %broadcast_in_dim3A_155, %broadcast_in_dim3A_162, %broadcast_in_dim3A_169, %broadcast_in_dim3A_176, %broadcast_in_dim3A_183, %broadcast_in_dim3A_190, %broadcast_in_dim3A_197, %broadcast_in_dim3A_204, %broadcast_in_dim3A_211, %broadcast_in_dim3A_218, %broadcast_in_dim3A_225, %broadcast_in_dim3A_232, %broadcast_in_dim3A_239, %broadcast_in_dim3A_246, %broadcast_in_dim3A_253, %broadcast_in_dim3A_260, %broadcast_in_dim3A_267, %broadcast_in_dim3A_274, %broadcast_in_dim3A_281, %broadcast_in_dim3A_288, %broadcast_in_dim3A_295, %broadcast_in_dim3A_302, %broadcast_in_dim3A_309, %broadcast_in_dim3A_316, %broadcast_in_dim3A_323, %broadcast_in_dim3A_330, %broadcast_in_dim3A_337, %broadcast_in_dim3A_344, %broadcast_in_dim3A_351, %broadcast_in_dim3A_358, %broadcast_in_dim3A_365, %broadcast_in_dim3A_372, %broadcast_in_dim3A_379, %broadcast_in_dim3A_386, %broadcast_in_dim3A_393, %broadcast_in_dim3A_400, %broadcast_in_dim3A_407, %broadcast_in_dim3A_414, %broadcast_in_dim3A_421, %broadcast_in_dim3A_428, %broadcast_in_dim3A_435, %broadcast_in_dim3A_442, %broadcast_in_dim3A_449, %broadcast_in_dim3A_456 in 1 : vector<8x1xf32>, vector<8x1xf32>, vector<8x1xf32>, vector<8x1xf32>, vector<8x1xf32>, vector<8x1xf32>, vector<8x1xf32>, vector<8x1xf32>, vector<8x1xf32>, vector<8x1xf32>, vector<8x1xf32>, vector<8x1xf32>, vector<8x1xf32>, vector<8x1xf32>, vector<8x1xf32>, vector<8x1xf32>, vector<8x1xf32>, vector<8x1xf32>, vector<8x1xf32>, vector<8x1xf32>, vector<8x1xf32>, vector<8x1xf32>, vector<8x1xf32>, vector<8x1xf32>, vector<8x1xf32>, vector<8x1xf32>, vector<8x1xf32>, vector<8x1xf32>, vector<8x1xf32>, vector<8x1xf32>, vector<8x1xf32>, vector<8x1xf32>, vector<8x1xf32>, vector<8x1xf32>, vector<8x1xf32>, vector<8x1xf32>, vector<8x1xf32>, vector<8x1xf32>, vector<8x1xf32>, vector<8x1xf32>, vector<8x1xf32>, vector<8x1xf32>, vector<8x1xf32>, vector<8x1xf32>, vector<8x1xf32>, vector<8x1xf32>, vector<8x1xf32>, vector<8x1xf32>, vector<8x1xf32>, vector<8x1xf32>, vector<8x1xf32>, vector<8x1xf32>, vector<8x1xf32>, vector<8x1xf32>, vector<8x1xf32>, vector<8x1xf32>, vector<8x1xf32>, vector<8x1xf32>, vector<8x1xf32>, vector<8x1xf32>, vector<8x1xf32>, vector<8x1xf32>, vector<8x1xf32>, vector<8x1xf32>, vector<8x1xf32> -> vector<8x65xf32>
    %slice3A = vector.extract_strided_slice %concatenate3A {offsets = [0, 0], sizes = [8, 64], strides = [1, 1]} : vector<8x65xf32> to vector<8x64xf32>
    %slice3A_457 = vector.extract_strided_slice %concatenate3A {offsets = [0, 1], sizes = [8, 64], strides = [1, 1]} : vector<8x65xf32> to vector<8x64xf32>
    %sub3A_458 = arith.subf %slice3A, %slice3A_457 : vector<8x64xf32>
    %mul3A_459 = arith.constant 5.000000e-01 : f32
    %mul3A_460 = vector.broadcast %mul3A_459 : f32 to vector<8x64xf32>
    %mul3A_461 = arith.mulf %mul3A_460, %sub3A_458 : vector<8x64xf32>
    %swap3A = arith.constant 0 : index
    %swap3A_462 = arith.constant 0 : index
    %swap3A_463 = vector.load %arg3[%swap3A, %swap3A_462] : memref<16x64xf32, #tpu.memory_space<vmem>>, vector<8x64xf32>
    tpu.vector_store %arg3[%swap3A, %swap3A_462], %mul3A_461 {strides = array<i32>} : memref<16x64xf32, #tpu.memory_space<vmem>>, vector<8x64xf32>,
    %get3A_464 = arith.constant 0 : index
    %get3A_465 = arith.constant 0 : index
    %get3A_466 = vector.load %arg2[%get3A_464, %get3A_465] : memref<8x32768xf32, #tpu.memory_space<vmem>>, vector<8x32768xf32>
    %mul3A_467 = arith.constant 5.000000e+01 : f32
    %mul3A_468 = vector.broadcast %mul3A_467 : f32 to vector<8x32768xf32>
    %mul3A_469 = arith.mulf %get3A_466, %mul3A_468 : vector<8x32768xf32>
    %add3A_470 = arith.constant 2.000000e+02 : f32
    %add3A_471 = vector.broadcast %add3A_470 : f32 to vector<8x32768xf32>
    %add3A_472 = arith.addf %mul3A_469, %add3A_471 : vector<8x32768xf32>
    %sub3A_473 = arith.constant 0.000000e+00 : f32
    %sub3A_474 = vector.broadcast %sub3A_473 : f32 to vector<8x32768xf32>
    %sub3A_475 = arith.subf %add3A_472, %sub3A_474 : vector<8x32768xf32>
    %tanh3A_476 = math.tanh %sub3A_475 : vector<8x32768xf32>
    %reduce_sum3A_477 = arith.constant dense<0.000000e+00> : vector<8xf32>
    %reduce_sum3A_478 = vector.multi_reduction <add>, %tanh3A_476, %reduce_sum3A_477 [1] : vector<8x32768xf32> to vector<8xf32>
    %broadcast_in_dim3A_479 = vector.shape_cast %reduce_sum3A_478 : vector<8xf32> to vector<8x1xf32>
    %sub3A_480 = arith.constant 6.250000e+00 : f32
    %sub3A_481 = vector.broadcast %sub3A_480 : f32 to vector<8x32768xf32>
    %sub3A_482 = arith.subf %add3A_472, %sub3A_481 : vector<8x32768xf32>
    %tanh3A_483 = math.tanh %sub3A_482 : vector<8x32768xf32>
    %reduce_sum3A_484 = arith.constant dense<0.000000e+00> : vector<8xf32>
    %reduce_sum3A_485 = vector.multi_reduction <add>, %tanh3A_483, %reduce_sum3A_484 [1] : vector<8x32768xf32> to vector<8xf32>
    %broadcast_in_dim3A_486 = vector.shape_cast %reduce_sum3A_485 : vector<8xf32> to vector<8x1xf32>
    %sub3A_487 = arith.constant 1.250000e+01 : f32
    %sub3A_488 = vector.broadcast %sub3A_487 : f32 to vector<8x32768xf32>
    %sub3A_489 = arith.subf %add3A_472, %sub3A_488 : vector<8x32768xf32>
    %tanh3A_490 = math.tanh %sub3A_489 : vector<8x32768xf32>
    %reduce_sum3A_491 = arith.constant dense<0.000000e+00> : vector<8xf32>
    %reduce_sum3A_492 = vector.multi_reduction <add>, %tanh3A_490, %reduce_sum3A_491 [1] : vector<8x32768xf32> to vector<8xf32>
    %broadcast_in_dim3A_493 = vector.shape_cast %reduce_sum3A_492 : vector<8xf32> to vector<8x1xf32>
    %sub3A_494 = arith.constant 1.875000e+01 : f32
    %sub3A_495 = vector.broadcast %sub3A_494 : f32 to vector<8x32768xf32>
    %sub3A_496 = arith.subf %add3A_472, %sub3A_495 : vector<8x32768xf32>
    %tanh3A_497 = math.tanh %sub3A_496 : vector<8x32768xf32>
    %reduce_sum3A_498 = arith.constant dense<0.000000e+00> : vector<8xf32>
    %reduce_sum3A_499 = vector.multi_reduction <add>, %tanh3A_497, %reduce_sum3A_498 [1] : vector<8x32768xf32> to vector<8xf32>
    %broadcast_in_dim3A_500 = vector.shape_cast %reduce_sum3A_499 : vector<8xf32> to vector<8x1xf32>
    %sub3A_501 = arith.constant 2.500000e+01 : f32
    %sub3A_502 = vector.broadcast %sub3A_501 : f32 to vector<8x32768xf32>
    %sub3A_503 = arith.subf %add3A_472, %sub3A_502 : vector<8x32768xf32>
    %tanh3A_504 = math.tanh %sub3A_503 : vector<8x32768xf32>
    %reduce_sum3A_505 = arith.constant dense<0.000000e+00> : vector<8xf32>
    %reduce_sum3A_506 = vector.multi_reduction <add>, %tanh3A_504, %reduce_sum3A_505 [1] : vector<8x32768xf32> to vector<8xf32>
    %broadcast_in_dim3A_507 = vector.shape_cast %reduce_sum3A_506 : vector<8xf32> to vector<8x1xf32>
    %sub3A_508 = arith.constant 3.125000e+01 : f32
    %sub3A_509 = vector.broadcast %sub3A_508 : f32 to vector<8x32768xf32>
    %sub3A_510 = arith.subf %add3A_472, %sub3A_509 : vector<8x32768xf32>
    %tanh3A_511 = math.tanh %sub3A_510 : vector<8x32768xf32>
    %reduce_sum3A_512 = arith.constant dense<0.000000e+00> : vector<8xf32>
    %reduce_sum3A_513 = vector.multi_reduction <add>, %tanh3A_511, %reduce_sum3A_512 [1] : vector<8x32768xf32> to vector<8xf32>
    %broadcast_in_dim3A_514 = vector.shape_cast %reduce_sum3A_513 : vector<8xf32> to vector<8x1xf32>
    %sub3A_515 = arith.constant 3.750000e+01 : f32
    %sub3A_516 = vector.broadcast %sub3A_515 : f32 to vector<8x32768xf32>
    %sub3A_517 = arith.subf %add3A_472, %sub3A_516 : vector<8x32768xf32>
    %tanh3A_518 = math.tanh %sub3A_517 : vector<8x32768xf32>
    %reduce_sum3A_519 = arith.constant dense<0.000000e+00> : vector<8xf32>
    %reduce_sum3A_520 = vector.multi_reduction <add>, %tanh3A_518, %reduce_sum3A_519 [1] : vector<8x32768xf32> to vector<8xf32>
    %broadcast_in_dim3A_521 = vector.shape_cast %reduce_sum3A_520 : vector<8xf32> to vector<8x1xf32>
    %sub3A_522 = arith.constant 4.375000e+01 : f32
    %sub3A_523 = vector.broadcast %sub3A_522 : f32 to vector<8x32768xf32>
    %sub3A_524 = arith.subf %add3A_472, %sub3A_523 : vector<8x32768xf32>
    %tanh3A_525 = math.tanh %sub3A_524 : vector<8x32768xf32>
    %reduce_sum3A_526 = arith.constant dense<0.000000e+00> : vector<8xf32>
    %reduce_sum3A_527 = vector.multi_reduction <add>, %tanh3A_525, %reduce_sum3A_526 [1] : vector<8x32768xf32> to vector<8xf32>
    %broadcast_in_dim3A_528 = vector.shape_cast %reduce_sum3A_527 : vector<8xf32> to vector<8x1xf32>
    %sub3A_529 = arith.constant 5.000000e+01 : f32
    %sub3A_530 = vector.broadcast %sub3A_529 : f32 to vector<8x32768xf32>
    %sub3A_531 = arith.subf %add3A_472, %sub3A_530 : vector<8x32768xf32>
    %tanh3A_532 = math.tanh %sub3A_531 : vector<8x32768xf32>
    %reduce_sum3A_533 = arith.constant dense<0.000000e+00> : vector<8xf32>
    %reduce_sum3A_534 = vector.multi_reduction <add>, %tanh3A_532, %reduce_sum3A_533 [1] : vector<8x32768xf32> to vector<8xf32>
    %broadcast_in_dim3A_535 = vector.shape_cast %reduce_sum3A_534 : vector<8xf32> to vector<8x1xf32>
    %sub3A_536 = arith.constant 5.625000e+01 : f32
    %sub3A_537 = vector.broadcast %sub3A_536 : f32 to vector<8x32768xf32>
    %sub3A_538 = arith.subf %add3A_472, %sub3A_537 : vector<8x32768xf32>
    %tanh3A_539 = math.tanh %sub3A_538 : vector<8x32768xf32>
    %reduce_sum3A_540 = arith.constant dense<0.000000e+00> : vector<8xf32>
    %reduce_sum3A_541 = vector.multi_reduction <add>, %tanh3A_539, %reduce_sum3A_540 [1] : vector<8x32768xf32> to vector<8xf32>
    %broadcast_in_dim3A_542 = vector.shape_cast %reduce_sum3A_541 : vector<8xf32> to vector<8x1xf32>
    %sub3A_543 = arith.constant 6.250000e+01 : f32
    %sub3A_544 = vector.broadcast %sub3A_543 : f32 to vector<8x32768xf32>
    %sub3A_545 = arith.subf %add3A_472, %sub3A_544 : vector<8x32768xf32>
    %tanh3A_546 = math.tanh %sub3A_545 : vector<8x32768xf32>
    %reduce_sum3A_547 = arith.constant dense<0.000000e+00> : vector<8xf32>
    %reduce_sum3A_548 = vector.multi_reduction <add>, %tanh3A_546, %reduce_sum3A_547 [1] : vector<8x32768xf32> to vector<8xf32>
    %broadcast_in_dim3A_549 = vector.shape_cast %reduce_sum3A_548 : vector<8xf32> to vector<8x1xf32>
    %sub3A_550 = arith.constant 6.875000e+01 : f32
    %sub3A_551 = vector.broadcast %sub3A_550 : f32 to vector<8x32768xf32>
    %sub3A_552 = arith.subf %add3A_472, %sub3A_551 : vector<8x32768xf32>
    %tanh3A_553 = math.tanh %sub3A_552 : vector<8x32768xf32>
    %reduce_sum3A_554 = arith.constant dense<0.000000e+00> : vector<8xf32>
    %reduce_sum3A_555 = vector.multi_reduction <add>, %tanh3A_553, %reduce_sum3A_554 [1] : vector<8x32768xf32> to vector<8xf32>
    %broadcast_in_dim3A_556 = vector.shape_cast %reduce_sum3A_555 : vector<8xf32> to vector<8x1xf32>
    %sub3A_557 = arith.constant 7.500000e+01 : f32
    %sub3A_558 = vector.broadcast %sub3A_557 : f32 to vector<8x32768xf32>
    %sub3A_559 = arith.subf %add3A_472, %sub3A_558 : vector<8x32768xf32>
    %tanh3A_560 = math.tanh %sub3A_559 : vector<8x32768xf32>
    %reduce_sum3A_561 = arith.constant dense<0.000000e+00> : vector<8xf32>
    %reduce_sum3A_562 = vector.multi_reduction <add>, %tanh3A_560, %reduce_sum3A_561 [1] : vector<8x32768xf32> to vector<8xf32>
    %broadcast_in_dim3A_563 = vector.shape_cast %reduce_sum3A_562 : vector<8xf32> to vector<8x1xf32>
    %sub3A_564 = arith.constant 8.125000e+01 : f32
    %sub3A_565 = vector.broadcast %sub3A_564 : f32 to vector<8x32768xf32>
    %sub3A_566 = arith.subf %add3A_472, %sub3A_565 : vector<8x32768xf32>
    %tanh3A_567 = math.tanh %sub3A_566 : vector<8x32768xf32>
    %reduce_sum3A_568 = arith.constant dense<0.000000e+00> : vector<8xf32>
    %reduce_sum3A_569 = vector.multi_reduction <add>, %tanh3A_567, %reduce_sum3A_568 [1] : vector<8x32768xf32> to vector<8xf32>
    %broadcast_in_dim3A_570 = vector.shape_cast %reduce_sum3A_569 : vector<8xf32> to vector<8x1xf32>
    %sub3A_571 = arith.constant 8.750000e+01 : f32
    %sub3A_572 = vector.broadcast %sub3A_571 : f32 to vector<8x32768xf32>
    %sub3A_573 = arith.subf %add3A_472, %sub3A_572 : vector<8x32768xf32>
    %tanh3A_574 = math.tanh %sub3A_573 : vector<8x32768xf32>
    %reduce_sum3A_575 = arith.constant dense<0.000000e+00> : vector<8xf32>
    %reduce_sum3A_576 = vector.multi_reduction <add>, %tanh3A_574, %reduce_sum3A_575 [1] : vector<8x32768xf32> to vector<8xf32>
    %broadcast_in_dim3A_577 = vector.shape_cast %reduce_sum3A_576 : vector<8xf32> to vector<8x1xf32>
    %sub3A_578 = arith.constant 9.375000e+01 : f32
    %sub3A_579 = vector.broadcast %sub3A_578 : f32 to vector<8x32768xf32>
    %sub3A_580 = arith.subf %add3A_472, %sub3A_579 : vector<8x32768xf32>
    %tanh3A_581 = math.tanh %sub3A_580 : vector<8x32768xf32>
    %reduce_sum3A_582 = arith.constant dense<0.000000e+00> : vector<8xf32>
    %reduce_sum3A_583 = vector.multi_reduction <add>, %tanh3A_581, %reduce_sum3A_582 [1] : vector<8x32768xf32> to vector<8xf32>
    %broadcast_in_dim3A_584 = vector.shape_cast %reduce_sum3A_583 : vector<8xf32> to vector<8x1xf32>
    %sub3A_585 = arith.constant 1.000000e+02 : f32
    %sub3A_586 = vector.broadcast %sub3A_585 : f32 to vector<8x32768xf32>
    %sub3A_587 = arith.subf %add3A_472, %sub3A_586 : vector<8x32768xf32>
    %tanh3A_588 = math.tanh %sub3A_587 : vector<8x32768xf32>
    %reduce_sum3A_589 = arith.constant dense<0.000000e+00> : vector<8xf32>
    %reduce_sum3A_590 = vector.multi_reduction <add>, %tanh3A_588, %reduce_sum3A_589 [1] : vector<8x32768xf32> to vector<8xf32>
    %broadcast_in_dim3A_591 = vector.shape_cast %reduce_sum3A_590 : vector<8xf32> to vector<8x1xf32>
    %sub3A_592 = arith.constant 1.062500e+02 : f32
    %sub3A_593 = vector.broadcast %sub3A_592 : f32 to vector<8x32768xf32>
    %sub3A_594 = arith.subf %add3A_472, %sub3A_593 : vector<8x32768xf32>
    %tanh3A_595 = math.tanh %sub3A_594 : vector<8x32768xf32>
    %reduce_sum3A_596 = arith.constant dense<0.000000e+00> : vector<8xf32>
    %reduce_sum3A_597 = vector.multi_reduction <add>, %tanh3A_595, %reduce_sum3A_596 [1] : vector<8x32768xf32> to vector<8xf32>
    %broadcast_in_dim3A_598 = vector.shape_cast %reduce_sum3A_597 : vector<8xf32> to vector<8x1xf32>
    %sub3A_599 = arith.constant 1.125000e+02 : f32
    %sub3A_600 = vector.broadcast %sub3A_599 : f32 to vector<8x32768xf32>
    %sub3A_601 = arith.subf %add3A_472, %sub3A_600 : vector<8x32768xf32>
    %tanh3A_602 = math.tanh %sub3A_601 : vector<8x32768xf32>
    %reduce_sum3A_603 = arith.constant dense<0.000000e+00> : vector<8xf32>
    %reduce_sum3A_604 = vector.multi_reduction <add>, %tanh3A_602, %reduce_sum3A_603 [1] : vector<8x32768xf32> to vector<8xf32>
    %broadcast_in_dim3A_605 = vector.shape_cast %reduce_sum3A_604 : vector<8xf32> to vector<8x1xf32>
    %sub3A_606 = arith.constant 1.187500e+02 : f32
    %sub3A_607 = vector.broadcast %sub3A_606 : f32 to vector<8x32768xf32>
    %sub3A_608 = arith.subf %add3A_472, %sub3A_607 : vector<8x32768xf32>
    %tanh3A_609 = math.tanh %sub3A_608 : vector<8x32768xf32>
    %reduce_sum3A_610 = arith.constant dense<0.000000e+00> : vector<8xf32>
    %reduce_sum3A_611 = vector.multi_reduction <add>, %tanh3A_609, %reduce_sum3A_610 [1] : vector<8x32768xf32> to vector<8xf32>
    %broadcast_in_dim3A_612 = vector.shape_cast %reduce_sum3A_611 : vector<8xf32> to vector<8x1xf32>
    %sub3A_613 = arith.constant 1.250000e+02 : f32
    %sub3A_614 = vector.broadcast %sub3A_613 : f32 to vector<8x32768xf32>
    %sub3A_615 = arith.subf %add3A_472, %sub3A_614 : vector<8x32768xf32>
    %tanh3A_616 = math.tanh %sub3A_615 : vector<8x32768xf32>
    %reduce_sum3A_617 = arith.constant dense<0.000000e+00> : vector<8xf32>
    %reduce_sum3A_618 = vector.multi_reduction <add>, %tanh3A_616, %reduce_sum3A_617 [1] : vector<8x32768xf32> to vector<8xf32>
    %broadcast_in_dim3A_619 = vector.shape_cast %reduce_sum3A_618 : vector<8xf32> to vector<8x1xf32>
    %sub3A_620 = arith.constant 1.312500e+02 : f32
    %sub3A_621 = vector.broadcast %sub3A_620 : f32 to vector<8x32768xf32>
    %sub3A_622 = arith.subf %add3A_472, %sub3A_621 : vector<8x32768xf32>
    %tanh3A_623 = math.tanh %sub3A_622 : vector<8x32768xf32>
    %reduce_sum3A_624 = arith.constant dense<0.000000e+00> : vector<8xf32>
    %reduce_sum3A_625 = vector.multi_reduction <add>, %tanh3A_623, %reduce_sum3A_624 [1] : vector<8x32768xf32> to vector<8xf32>
    %broadcast_in_dim3A_626 = vector.shape_cast %reduce_sum3A_625 : vector<8xf32> to vector<8x1xf32>
    %sub3A_627 = arith.constant 1.375000e+02 : f32
    %sub3A_628 = vector.broadcast %sub3A_627 : f32 to vector<8x32768xf32>
    %sub3A_629 = arith.subf %add3A_472, %sub3A_628 : vector<8x32768xf32>
    %tanh3A_630 = math.tanh %sub3A_629 : vector<8x32768xf32>
    %reduce_sum3A_631 = arith.constant dense<0.000000e+00> : vector<8xf32>
    %reduce_sum3A_632 = vector.multi_reduction <add>, %tanh3A_630, %reduce_sum3A_631 [1] : vector<8x32768xf32> to vector<8xf32>
    %broadcast_in_dim3A_633 = vector.shape_cast %reduce_sum3A_632 : vector<8xf32> to vector<8x1xf32>
    %sub3A_634 = arith.constant 1.437500e+02 : f32
    %sub3A_635 = vector.broadcast %sub3A_634 : f32 to vector<8x32768xf32>
    %sub3A_636 = arith.subf %add3A_472, %sub3A_635 : vector<8x32768xf32>
    %tanh3A_637 = math.tanh %sub3A_636 : vector<8x32768xf32>
    %reduce_sum3A_638 = arith.constant dense<0.000000e+00> : vector<8xf32>
    %reduce_sum3A_639 = vector.multi_reduction <add>, %tanh3A_637, %reduce_sum3A_638 [1] : vector<8x32768xf32> to vector<8xf32>
    %broadcast_in_dim3A_640 = vector.shape_cast %reduce_sum3A_639 : vector<8xf32> to vector<8x1xf32>
    %sub3A_641 = arith.constant 1.500000e+02 : f32
    %sub3A_642 = vector.broadcast %sub3A_641 : f32 to vector<8x32768xf32>
    %sub3A_643 = arith.subf %add3A_472, %sub3A_642 : vector<8x32768xf32>
    %tanh3A_644 = math.tanh %sub3A_643 : vector<8x32768xf32>
    %reduce_sum3A_645 = arith.constant dense<0.000000e+00> : vector<8xf32>
    %reduce_sum3A_646 = vector.multi_reduction <add>, %tanh3A_644, %reduce_sum3A_645 [1] : vector<8x32768xf32> to vector<8xf32>
    %broadcast_in_dim3A_647 = vector.shape_cast %reduce_sum3A_646 : vector<8xf32> to vector<8x1xf32>
    %sub3A_648 = arith.constant 1.562500e+02 : f32
    %sub3A_649 = vector.broadcast %sub3A_648 : f32 to vector<8x32768xf32>
    %sub3A_650 = arith.subf %add3A_472, %sub3A_649 : vector<8x32768xf32>
    %tanh3A_651 = math.tanh %sub3A_650 : vector<8x32768xf32>
    %reduce_sum3A_652 = arith.constant dense<0.000000e+00> : vector<8xf32>
    %reduce_sum3A_653 = vector.multi_reduction <add>, %tanh3A_651, %reduce_sum3A_652 [1] : vector<8x32768xf32> to vector<8xf32>
    %broadcast_in_dim3A_654 = vector.shape_cast %reduce_sum3A_653 : vector<8xf32> to vector<8x1xf32>
    %sub3A_655 = arith.constant 1.625000e+02 : f32
    %sub3A_656 = vector.broadcast %sub3A_655 : f32 to vector<8x32768xf32>
    %sub3A_657 = arith.subf %add3A_472, %sub3A_656 : vector<8x32768xf32>
    %tanh3A_658 = math.tanh %sub3A_657 : vector<8x32768xf32>
    %reduce_sum3A_659 = arith.constant dense<0.000000e+00> : vector<8xf32>
    %reduce_sum3A_660 = vector.multi_reduction <add>, %tanh3A_658, %reduce_sum3A_659 [1] : vector<8x32768xf32> to vector<8xf32>
    %broadcast_in_dim3A_661 = vector.shape_cast %reduce_sum3A_660 : vector<8xf32> to vector<8x1xf32>
    %sub3A_662 = arith.constant 1.687500e+02 : f32
    %sub3A_663 = vector.broadcast %sub3A_662 : f32 to vector<8x32768xf32>
    %sub3A_664 = arith.subf %add3A_472, %sub3A_663 : vector<8x32768xf32>
    %tanh3A_665 = math.tanh %sub3A_664 : vector<8x32768xf32>
    %reduce_sum3A_666 = arith.constant dense<0.000000e+00> : vector<8xf32>
    %reduce_sum3A_667 = vector.multi_reduction <add>, %tanh3A_665, %reduce_sum3A_666 [1] : vector<8x32768xf32> to vector<8xf32>
    %broadcast_in_dim3A_668 = vector.shape_cast %reduce_sum3A_667 : vector<8xf32> to vector<8x1xf32>
    %sub3A_669 = arith.constant 1.750000e+02 : f32
    %sub3A_670 = vector.broadcast %sub3A_669 : f32 to vector<8x32768xf32>
    %sub3A_671 = arith.subf %add3A_472, %sub3A_670 : vector<8x32768xf32>
    %tanh3A_672 = math.tanh %sub3A_671 : vector<8x32768xf32>
    %reduce_sum3A_673 = arith.constant dense<0.000000e+00> : vector<8xf32>
    %reduce_sum3A_674 = vector.multi_reduction <add>, %tanh3A_672, %reduce_sum3A_673 [1] : vector<8x32768xf32> to vector<8xf32>
    %broadcast_in_dim3A_675 = vector.shape_cast %reduce_sum3A_674 : vector<8xf32> to vector<8x1xf32>
    %sub3A_676 = arith.constant 1.812500e+02 : f32
    %sub3A_677 = vector.broadcast %sub3A_676 : f32 to vector<8x32768xf32>
    %sub3A_678 = arith.subf %add3A_472, %sub3A_677 : vector<8x32768xf32>
    %tanh3A_679 = math.tanh %sub3A_678 : vector<8x32768xf32>
    %reduce_sum3A_680 = arith.constant dense<0.000000e+00> : vector<8xf32>
    %reduce_sum3A_681 = vector.multi_reduction <add>, %tanh3A_679, %reduce_sum3A_680 [1] : vector<8x32768xf32> to vector<8xf32>
    %broadcast_in_dim3A_682 = vector.shape_cast %reduce_sum3A_681 : vector<8xf32> to vector<8x1xf32>
    %sub3A_683 = arith.constant 1.875000e+02 : f32
    %sub3A_684 = vector.broadcast %sub3A_683 : f32 to vector<8x32768xf32>
    %sub3A_685 = arith.subf %add3A_472, %sub3A_684 : vector<8x32768xf32>
    %tanh3A_686 = math.tanh %sub3A_685 : vector<8x32768xf32>
    %reduce_sum3A_687 = arith.constant dense<0.000000e+00> : vector<8xf32>
    %reduce_sum3A_688 = vector.multi_reduction <add>, %tanh3A_686, %reduce_sum3A_687 [1] : vector<8x32768xf32> to vector<8xf32>
    %broadcast_in_dim3A_689 = vector.shape_cast %reduce_sum3A_688 : vector<8xf32> to vector<8x1xf32>
    %sub3A_690 = arith.constant 1.937500e+02 : f32
    %sub3A_691 = vector.broadcast %sub3A_690 : f32 to vector<8x32768xf32>
    %sub3A_692 = arith.subf %add3A_472, %sub3A_691 : vector<8x32768xf32>
    %tanh3A_693 = math.tanh %sub3A_692 : vector<8x32768xf32>
    %reduce_sum3A_694 = arith.constant dense<0.000000e+00> : vector<8xf32>
    %reduce_sum3A_695 = vector.multi_reduction <add>, %tanh3A_693, %reduce_sum3A_694 [1] : vector<8x32768xf32> to vector<8xf32>
    %broadcast_in_dim3A_696 = vector.shape_cast %reduce_sum3A_695 : vector<8xf32> to vector<8x1xf32>
    %sub3A_697 = arith.constant 2.000000e+02 : f32
    %sub3A_698 = vector.broadcast %sub3A_697 : f32 to vector<8x32768xf32>
    %sub3A_699 = arith.subf %add3A_472, %sub3A_698 : vector<8x32768xf32>
    %tanh3A_700 = math.tanh %sub3A_699 : vector<8x32768xf32>
    %reduce_sum3A_701 = arith.constant dense<0.000000e+00> : vector<8xf32>
    %reduce_sum3A_702 = vector.multi_reduction <add>, %tanh3A_700, %reduce_sum3A_701 [1] : vector<8x32768xf32> to vector<8xf32>
    %broadcast_in_dim3A_703 = vector.shape_cast %reduce_sum3A_702 : vector<8xf32> to vector<8x1xf32>
    %sub3A_704 = arith.constant 2.062500e+02 : f32
    %sub3A_705 = vector.broadcast %sub3A_704 : f32 to vector<8x32768xf32>
    %sub3A_706 = arith.subf %add3A_472, %sub3A_705 : vector<8x32768xf32>
    %tanh3A_707 = math.tanh %sub3A_706 : vector<8x32768xf32>
    %reduce_sum3A_708 = arith.constant dense<0.000000e+00> : vector<8xf32>
    %reduce_sum3A_709 = vector.multi_reduction <add>, %tanh3A_707, %reduce_sum3A_708 [1] : vector<8x32768xf32> to vector<8xf32>
    %broadcast_in_dim3A_710 = vector.shape_cast %reduce_sum3A_709 : vector<8xf32> to vector<8x1xf32>
    %sub3A_711 = arith.constant 2.125000e+02 : f32
    %sub3A_712 = vector.broadcast %sub3A_711 : f32 to vector<8x32768xf32>
    %sub3A_713 = arith.subf %add3A_472, %sub3A_712 : vector<8x32768xf32>
    %tanh3A_714 = math.tanh %sub3A_713 : vector<8x32768xf32>
    %reduce_sum3A_715 = arith.constant dense<0.000000e+00> : vector<8xf32>
    %reduce_sum3A_716 = vector.multi_reduction <add>, %tanh3A_714, %reduce_sum3A_715 [1] : vector<8x32768xf32> to vector<8xf32>
    %broadcast_in_dim3A_717 = vector.shape_cast %reduce_sum3A_716 : vector<8xf32> to vector<8x1xf32>
    %sub3A_718 = arith.constant 2.187500e+02 : f32
    %sub3A_719 = vector.broadcast %sub3A_718 : f32 to vector<8x32768xf32>
    %sub3A_720 = arith.subf %add3A_472, %sub3A_719 : vector<8x32768xf32>
    %tanh3A_721 = math.tanh %sub3A_720 : vector<8x32768xf32>
    %reduce_sum3A_722 = arith.constant dense<0.000000e+00> : vector<8xf32>
    %reduce_sum3A_723 = vector.multi_reduction <add>, %tanh3A_721, %reduce_sum3A_722 [1] : vector<8x32768xf32> to vector<8xf32>
    %broadcast_in_dim3A_724 = vector.shape_cast %reduce_sum3A_723 : vector<8xf32> to vector<8x1xf32>
    %sub3A_725 = arith.constant 2.250000e+02 : f32
    %sub3A_726 = vector.broadcast %sub3A_725 : f32 to vector<8x32768xf32>
    %sub3A_727 = arith.subf %add3A_472, %sub3A_726 : vector<8x32768xf32>
    %tanh3A_728 = math.tanh %sub3A_727 : vector<8x32768xf32>
    %reduce_sum3A_729 = arith.constant dense<0.000000e+00> : vector<8xf32>
    %reduce_sum3A_730 = vector.multi_reduction <add>, %tanh3A_728, %reduce_sum3A_729 [1] : vector<8x32768xf32> to vector<8xf32>
    %broadcast_in_dim3A_731 = vector.shape_cast %reduce_sum3A_730 : vector<8xf32> to vector<8x1xf32>
    %sub3A_732 = arith.constant 2.312500e+02 : f32
    %sub3A_733 = vector.broadcast %sub3A_732 : f32 to vector<8x32768xf32>
    %sub3A_734 = arith.subf %add3A_472, %sub3A_733 : vector<8x32768xf32>
    %tanh3A_735 = math.tanh %sub3A_734 : vector<8x32768xf32>
    %reduce_sum3A_736 = arith.constant dense<0.000000e+00> : vector<8xf32>
    %reduce_sum3A_737 = vector.multi_reduction <add>, %tanh3A_735, %reduce_sum3A_736 [1] : vector<8x32768xf32> to vector<8xf32>
    %broadcast_in_dim3A_738 = vector.shape_cast %reduce_sum3A_737 : vector<8xf32> to vector<8x1xf32>
    %sub3A_739 = arith.constant 2.375000e+02 : f32
    %sub3A_740 = vector.broadcast %sub3A_739 : f32 to vector<8x32768xf32>
    %sub3A_741 = arith.subf %add3A_472, %sub3A_740 : vector<8x32768xf32>
    %tanh3A_742 = math.tanh %sub3A_741 : vector<8x32768xf32>
    %reduce_sum3A_743 = arith.constant dense<0.000000e+00> : vector<8xf32>
    %reduce_sum3A_744 = vector.multi_reduction <add>, %tanh3A_742, %reduce_sum3A_743 [1] : vector<8x32768xf32> to vector<8xf32>
    %broadcast_in_dim3A_745 = vector.shape_cast %reduce_sum3A_744 : vector<8xf32> to vector<8x1xf32>
    %sub3A_746 = arith.constant 2.437500e+02 : f32
    %sub3A_747 = vector.broadcast %sub3A_746 : f32 to vector<8x32768xf32>
    %sub3A_748 = arith.subf %add3A_472, %sub3A_747 : vector<8x32768xf32>
    %tanh3A_749 = math.tanh %sub3A_748 : vector<8x32768xf32>
    %reduce_sum3A_750 = arith.constant dense<0.000000e+00> : vector<8xf32>
    %reduce_sum3A_751 = vector.multi_reduction <add>, %tanh3A_749, %reduce_sum3A_750 [1] : vector<8x32768xf32> to vector<8xf32>
    %broadcast_in_dim3A_752 = vector.shape_cast %reduce_sum3A_751 : vector<8xf32> to vector<8x1xf32>
    %sub3A_753 = arith.constant 2.500000e+02 : f32
    %sub3A_754 = vector.broadcast %sub3A_753 : f32 to vector<8x32768xf32>
    %sub3A_755 = arith.subf %add3A_472, %sub3A_754 : vector<8x32768xf32>
    %tanh3A_756 = math.tanh %sub3A_755 : vector<8x32768xf32>
    %reduce_sum3A_757 = arith.constant dense<0.000000e+00> : vector<8xf32>
    %reduce_sum3A_758 = vector.multi_reduction <add>, %tanh3A_756, %reduce_sum3A_757 [1] : vector<8x32768xf32> to vector<8xf32>
    %broadcast_in_dim3A_759 = vector.shape_cast %reduce_sum3A_758 : vector<8xf32> to vector<8x1xf32>
    %sub3A_760 = arith.constant 2.562500e+02 : f32
    %sub3A_761 = vector.broadcast %sub3A_760 : f32 to vector<8x32768xf32>
    %sub3A_762 = arith.subf %add3A_472, %sub3A_761 : vector<8x32768xf32>
    %tanh3A_763 = math.tanh %sub3A_762 : vector<8x32768xf32>
    %reduce_sum3A_764 = arith.constant dense<0.000000e+00> : vector<8xf32>
    %reduce_sum3A_765 = vector.multi_reduction <add>, %tanh3A_763, %reduce_sum3A_764 [1] : vector<8x32768xf32> to vector<8xf32>
    %broadcast_in_dim3A_766 = vector.shape_cast %reduce_sum3A_765 : vector<8xf32> to vector<8x1xf32>
    %sub3A_767 = arith.constant 2.625000e+02 : f32
    %sub3A_768 = vector.broadcast %sub3A_767 : f32 to vector<8x32768xf32>
    %sub3A_769 = arith.subf %add3A_472, %sub3A_768 : vector<8x32768xf32>
    %tanh3A_770 = math.tanh %sub3A_769 : vector<8x32768xf32>
    %reduce_sum3A_771 = arith.constant dense<0.000000e+00> : vector<8xf32>
    %reduce_sum3A_772 = vector.multi_reduction <add>, %tanh3A_770, %reduce_sum3A_771 [1] : vector<8x32768xf32> to vector<8xf32>
    %broadcast_in_dim3A_773 = vector.shape_cast %reduce_sum3A_772 : vector<8xf32> to vector<8x1xf32>
    %sub3A_774 = arith.constant 2.687500e+02 : f32
    %sub3A_775 = vector.broadcast %sub3A_774 : f32 to vector<8x32768xf32>
    %sub3A_776 = arith.subf %add3A_472, %sub3A_775 : vector<8x32768xf32>
    %tanh3A_777 = math.tanh %sub3A_776 : vector<8x32768xf32>
    %reduce_sum3A_778 = arith.constant dense<0.000000e+00> : vector<8xf32>
    %reduce_sum3A_779 = vector.multi_reduction <add>, %tanh3A_777, %reduce_sum3A_778 [1] : vector<8x32768xf32> to vector<8xf32>
    %broadcast_in_dim3A_780 = vector.shape_cast %reduce_sum3A_779 : vector<8xf32> to vector<8x1xf32>
    %sub3A_781 = arith.constant 2.750000e+02 : f32
    %sub3A_782 = vector.broadcast %sub3A_781 : f32 to vector<8x32768xf32>
    %sub3A_783 = arith.subf %add3A_472, %sub3A_782 : vector<8x32768xf32>
    %tanh3A_784 = math.tanh %sub3A_783 : vector<8x32768xf32>
    %reduce_sum3A_785 = arith.constant dense<0.000000e+00> : vector<8xf32>
    %reduce_sum3A_786 = vector.multi_reduction <add>, %tanh3A_784, %reduce_sum3A_785 [1] : vector<8x32768xf32> to vector<8xf32>
    %broadcast_in_dim3A_787 = vector.shape_cast %reduce_sum3A_786 : vector<8xf32> to vector<8x1xf32>
    %sub3A_788 = arith.constant 2.812500e+02 : f32
    %sub3A_789 = vector.broadcast %sub3A_788 : f32 to vector<8x32768xf32>
    %sub3A_790 = arith.subf %add3A_472, %sub3A_789 : vector<8x32768xf32>
    %tanh3A_791 = math.tanh %sub3A_790 : vector<8x32768xf32>
    %reduce_sum3A_792 = arith.constant dense<0.000000e+00> : vector<8xf32>
    %reduce_sum3A_793 = vector.multi_reduction <add>, %tanh3A_791, %reduce_sum3A_792 [1] : vector<8x32768xf32> to vector<8xf32>
    %broadcast_in_dim3A_794 = vector.shape_cast %reduce_sum3A_793 : vector<8xf32> to vector<8x1xf32>
    %sub3A_795 = arith.constant 2.875000e+02 : f32
    %sub3A_796 = vector.broadcast %sub3A_795 : f32 to vector<8x32768xf32>
    %sub3A_797 = arith.subf %add3A_472, %sub3A_796 : vector<8x32768xf32>
    %tanh3A_798 = math.tanh %sub3A_797 : vector<8x32768xf32>
    %reduce_sum3A_799 = arith.constant dense<0.000000e+00> : vector<8xf32>
    %reduce_sum3A_800 = vector.multi_reduction <add>, %tanh3A_798, %reduce_sum3A_799 [1] : vector<8x32768xf32> to vector<8xf32>
    %broadcast_in_dim3A_801 = vector.shape_cast %reduce_sum3A_800 : vector<8xf32> to vector<8x1xf32>
    %sub3A_802 = arith.constant 2.937500e+02 : f32
    %sub3A_803 = vector.broadcast %sub3A_802 : f32 to vector<8x32768xf32>
    %sub3A_804 = arith.subf %add3A_472, %sub3A_803 : vector<8x32768xf32>
    %tanh3A_805 = math.tanh %sub3A_804 : vector<8x32768xf32>
    %reduce_sum3A_806 = arith.constant dense<0.000000e+00> : vector<8xf32>
    %reduce_sum3A_807 = vector.multi_reduction <add>, %tanh3A_805, %reduce_sum3A_806 [1] : vector<8x32768xf32> to vector<8xf32>
    %broadcast_in_dim3A_808 = vector.shape_cast %reduce_sum3A_807 : vector<8xf32> to vector<8x1xf32>
    %sub3A_809 = arith.constant 3.000000e+02 : f32
    %sub3A_810 = vector.broadcast %sub3A_809 : f32 to vector<8x32768xf32>
    %sub3A_811 = arith.subf %add3A_472, %sub3A_810 : vector<8x32768xf32>
    %tanh3A_812 = math.tanh %sub3A_811 : vector<8x32768xf32>
    %reduce_sum3A_813 = arith.constant dense<0.000000e+00> : vector<8xf32>
    %reduce_sum3A_814 = vector.multi_reduction <add>, %tanh3A_812, %reduce_sum3A_813 [1] : vector<8x32768xf32> to vector<8xf32>
    %broadcast_in_dim3A_815 = vector.shape_cast %reduce_sum3A_814 : vector<8xf32> to vector<8x1xf32>
    %sub3A_816 = arith.constant 3.062500e+02 : f32
    %sub3A_817 = vector.broadcast %sub3A_816 : f32 to vector<8x32768xf32>
    %sub3A_818 = arith.subf %add3A_472, %sub3A_817 : vector<8x32768xf32>
    %tanh3A_819 = math.tanh %sub3A_818 : vector<8x32768xf32>
    %reduce_sum3A_820 = arith.constant dense<0.000000e+00> : vector<8xf32>
    %reduce_sum3A_821 = vector.multi_reduction <add>, %tanh3A_819, %reduce_sum3A_820 [1] : vector<8x32768xf32> to vector<8xf32>
    %broadcast_in_dim3A_822 = vector.shape_cast %reduce_sum3A_821 : vector<8xf32> to vector<8x1xf32>
    %sub3A_823 = arith.constant 3.125000e+02 : f32
    %sub3A_824 = vector.broadcast %sub3A_823 : f32 to vector<8x32768xf32>
    %sub3A_825 = arith.subf %add3A_472, %sub3A_824 : vector<8x32768xf32>
    %tanh3A_826 = math.tanh %sub3A_825 : vector<8x32768xf32>
    %reduce_sum3A_827 = arith.constant dense<0.000000e+00> : vector<8xf32>
    %reduce_sum3A_828 = vector.multi_reduction <add>, %tanh3A_826, %reduce_sum3A_827 [1] : vector<8x32768xf32> to vector<8xf32>
    %broadcast_in_dim3A_829 = vector.shape_cast %reduce_sum3A_828 : vector<8xf32> to vector<8x1xf32>
    %sub3A_830 = arith.constant 3.187500e+02 : f32
    %sub3A_831 = vector.broadcast %sub3A_830 : f32 to vector<8x32768xf32>
    %sub3A_832 = arith.subf %add3A_472, %sub3A_831 : vector<8x32768xf32>
    %tanh3A_833 = math.tanh %sub3A_832 : vector<8x32768xf32>
    %reduce_sum3A_834 = arith.constant dense<0.000000e+00> : vector<8xf32>
    %reduce_sum3A_835 = vector.multi_reduction <add>, %tanh3A_833, %reduce_sum3A_834 [1] : vector<8x32768xf32> to vector<8xf32>
    %broadcast_in_dim3A_836 = vector.shape_cast %reduce_sum3A_835 : vector<8xf32> to vector<8x1xf32>
    %sub3A_837 = arith.constant 3.250000e+02 : f32
    %sub3A_838 = vector.broadcast %sub3A_837 : f32 to vector<8x32768xf32>
    %sub3A_839 = arith.subf %add3A_472, %sub3A_838 : vector<8x32768xf32>
    %tanh3A_840 = math.tanh %sub3A_839 : vector<8x32768xf32>
    %reduce_sum3A_841 = arith.constant dense<0.000000e+00> : vector<8xf32>
    %reduce_sum3A_842 = vector.multi_reduction <add>, %tanh3A_840, %reduce_sum3A_841 [1] : vector<8x32768xf32> to vector<8xf32>
    %broadcast_in_dim3A_843 = vector.shape_cast %reduce_sum3A_842 : vector<8xf32> to vector<8x1xf32>
    %sub3A_844 = arith.constant 3.312500e+02 : f32
    %sub3A_845 = vector.broadcast %sub3A_844 : f32 to vector<8x32768xf32>
    %sub3A_846 = arith.subf %add3A_472, %sub3A_845 : vector<8x32768xf32>
    %tanh3A_847 = math.tanh %sub3A_846 : vector<8x32768xf32>
    %reduce_sum3A_848 = arith.constant dense<0.000000e+00> : vector<8xf32>
    %reduce_sum3A_849 = vector.multi_reduction <add>, %tanh3A_847, %reduce_sum3A_848 [1] : vector<8x32768xf32> to vector<8xf32>
    %broadcast_in_dim3A_850 = vector.shape_cast %reduce_sum3A_849 : vector<8xf32> to vector<8x1xf32>
    %sub3A_851 = arith.constant 3.375000e+02 : f32
    %sub3A_852 = vector.broadcast %sub3A_851 : f32 to vector<8x32768xf32>
    %sub3A_853 = arith.subf %add3A_472, %sub3A_852 : vector<8x32768xf32>
    %tanh3A_854 = math.tanh %sub3A_853 : vector<8x32768xf32>
    %reduce_sum3A_855 = arith.constant dense<0.000000e+00> : vector<8xf32>
    %reduce_sum3A_856 = vector.multi_reduction <add>, %tanh3A_854, %reduce_sum3A_855 [1] : vector<8x32768xf32> to vector<8xf32>
    %broadcast_in_dim3A_857 = vector.shape_cast %reduce_sum3A_856 : vector<8xf32> to vector<8x1xf32>
    %sub3A_858 = arith.constant 3.437500e+02 : f32
    %sub3A_859 = vector.broadcast %sub3A_858 : f32 to vector<8x32768xf32>
    %sub3A_860 = arith.subf %add3A_472, %sub3A_859 : vector<8x32768xf32>
    %tanh3A_861 = math.tanh %sub3A_860 : vector<8x32768xf32>
    %reduce_sum3A_862 = arith.constant dense<0.000000e+00> : vector<8xf32>
    %reduce_sum3A_863 = vector.multi_reduction <add>, %tanh3A_861, %reduce_sum3A_862 [1] : vector<8x32768xf32> to vector<8xf32>
    %broadcast_in_dim3A_864 = vector.shape_cast %reduce_sum3A_863 : vector<8xf32> to vector<8x1xf32>
    %sub3A_865 = arith.constant 3.500000e+02 : f32
    %sub3A_866 = vector.broadcast %sub3A_865 : f32 to vector<8x32768xf32>
    %sub3A_867 = arith.subf %add3A_472, %sub3A_866 : vector<8x32768xf32>
    %tanh3A_868 = math.tanh %sub3A_867 : vector<8x32768xf32>
    %reduce_sum3A_869 = arith.constant dense<0.000000e+00> : vector<8xf32>
    %reduce_sum3A_870 = vector.multi_reduction <add>, %tanh3A_868, %reduce_sum3A_869 [1] : vector<8x32768xf32> to vector<8xf32>
    %broadcast_in_dim3A_871 = vector.shape_cast %reduce_sum3A_870 : vector<8xf32> to vector<8x1xf32>
    %sub3A_872 = arith.constant 3.562500e+02 : f32
    %sub3A_873 = vector.broadcast %sub3A_872 : f32 to vector<8x32768xf32>
    %sub3A_874 = arith.subf %add3A_472, %sub3A_873 : vector<8x32768xf32>
    %tanh3A_875 = math.tanh %sub3A_874 : vector<8x32768xf32>
    %reduce_sum3A_876 = arith.constant dense<0.000000e+00> : vector<8xf32>
    %reduce_sum3A_877 = vector.multi_reduction <add>, %tanh3A_875, %reduce_sum3A_876 [1] : vector<8x32768xf32> to vector<8xf32>
    %broadcast_in_dim3A_878 = vector.shape_cast %reduce_sum3A_877 : vector<8xf32> to vector<8x1xf32>
    %sub3A_879 = arith.constant 3.625000e+02 : f32
    %sub3A_880 = vector.broadcast %sub3A_879 : f32 to vector<8x32768xf32>
    %sub3A_881 = arith.subf %add3A_472, %sub3A_880 : vector<8x32768xf32>
    %tanh3A_882 = math.tanh %sub3A_881 : vector<8x32768xf32>
    %reduce_sum3A_883 = arith.constant dense<0.000000e+00> : vector<8xf32>
    %reduce_sum3A_884 = vector.multi_reduction <add>, %tanh3A_882, %reduce_sum3A_883 [1] : vector<8x32768xf32> to vector<8xf32>
    %broadcast_in_dim3A_885 = vector.shape_cast %reduce_sum3A_884 : vector<8xf32> to vector<8x1xf32>
    %sub3A_886 = arith.constant 3.687500e+02 : f32
    %sub3A_887 = vector.broadcast %sub3A_886 : f32 to vector<8x32768xf32>
    %sub3A_888 = arith.subf %add3A_472, %sub3A_887 : vector<8x32768xf32>
    %tanh3A_889 = math.tanh %sub3A_888 : vector<8x32768xf32>
    %reduce_sum3A_890 = arith.constant dense<0.000000e+00> : vector<8xf32>
    %reduce_sum3A_891 = vector.multi_reduction <add>, %tanh3A_889, %reduce_sum3A_890 [1] : vector<8x32768xf32> to vector<8xf32>
    %broadcast_in_dim3A_892 = vector.shape_cast %reduce_sum3A_891 : vector<8xf32> to vector<8x1xf32>
    %sub3A_893 = arith.constant 3.750000e+02 : f32
    %sub3A_894 = vector.broadcast %sub3A_893 : f32 to vector<8x32768xf32>
    %sub3A_895 = arith.subf %add3A_472, %sub3A_894 : vector<8x32768xf32>
    %tanh3A_896 = math.tanh %sub3A_895 : vector<8x32768xf32>
    %reduce_sum3A_897 = arith.constant dense<0.000000e+00> : vector<8xf32>
    %reduce_sum3A_898 = vector.multi_reduction <add>, %tanh3A_896, %reduce_sum3A_897 [1] : vector<8x32768xf32> to vector<8xf32>
    %broadcast_in_dim3A_899 = vector.shape_cast %reduce_sum3A_898 : vector<8xf32> to vector<8x1xf32>
    %sub3A_900 = arith.constant 3.812500e+02 : f32
    %sub3A_901 = vector.broadcast %sub3A_900 : f32 to vector<8x32768xf32>
    %sub3A_902 = arith.subf %add3A_472, %sub3A_901 : vector<8x32768xf32>
    %tanh3A_903 = math.tanh %sub3A_902 : vector<8x32768xf32>
    %reduce_sum3A_904 = arith.constant dense<0.000000e+00> : vector<8xf32>
    %reduce_sum3A_905 = vector.multi_reduction <add>, %tanh3A_903, %reduce_sum3A_904 [1] : vector<8x32768xf32> to vector<8xf32>
    %broadcast_in_dim3A_906 = vector.shape_cast %reduce_sum3A_905 : vector<8xf32> to vector<8x1xf32>
    %sub3A_907 = arith.constant 3.875000e+02 : f32
    %sub3A_908 = vector.broadcast %sub3A_907 : f32 to vector<8x32768xf32>
    %sub3A_909 = arith.subf %add3A_472, %sub3A_908 : vector<8x32768xf32>
    %tanh3A_910 = math.tanh %sub3A_909 : vector<8x32768xf32>
    %reduce_sum3A_911 = arith.constant dense<0.000000e+00> : vector<8xf32>
    %reduce_sum3A_912 = vector.multi_reduction <add>, %tanh3A_910, %reduce_sum3A_911 [1] : vector<8x32768xf32> to vector<8xf32>
    %broadcast_in_dim3A_913 = vector.shape_cast %reduce_sum3A_912 : vector<8xf32> to vector<8x1xf32>
    %sub3A_914 = arith.constant 3.937500e+02 : f32
    %sub3A_915 = vector.broadcast %sub3A_914 : f32 to vector<8x32768xf32>
    %sub3A_916 = arith.subf %add3A_472, %sub3A_915 : vector<8x32768xf32>
    %tanh3A_917 = math.tanh %sub3A_916 : vector<8x32768xf32>
    %reduce_sum3A_918 = arith.constant dense<0.000000e+00> : vector<8xf32>
    %reduce_sum3A_919 = vector.multi_reduction <add>, %tanh3A_917, %reduce_sum3A_918 [1] : vector<8x32768xf32> to vector<8xf32>
    %broadcast_in_dim3A_920 = vector.shape_cast %reduce_sum3A_919 : vector<8xf32> to vector<8x1xf32>
    %sub3A_921 = arith.constant 4.000000e+02 : f32
    %sub3A_922 = vector.broadcast %sub3A_921 : f32 to vector<8x32768xf32>
    %sub3A_923 = arith.subf %add3A_472, %sub3A_922 : vector<8x32768xf32>
    %tanh3A_924 = math.tanh %sub3A_923 : vector<8x32768xf32>
    %reduce_sum3A_925 = arith.constant dense<0.000000e+00> : vector<8xf32>
    %reduce_sum3A_926 = vector.multi_reduction <add>, %tanh3A_924, %reduce_sum3A_925 [1] : vector<8x32768xf32> to vector<8xf32>
    %broadcast_in_dim3A_927 = vector.shape_cast %reduce_sum3A_926 : vector<8xf32> to vector<8x1xf32>
    %concatenate3A_928 = tpu.concatenate %broadcast_in_dim3A_479, %broadcast_in_dim3A_486, %broadcast_in_dim3A_493, %broadcast_in_dim3A_500, %broadcast_in_dim3A_507, %broadcast_in_dim3A_514, %broadcast_in_dim3A_521, %broadcast_in_dim3A_528, %broadcast_in_dim3A_535, %broadcast_in_dim3A_542, %broadcast_in_dim3A_549, %broadcast_in_dim3A_556, %broadcast_in_dim3A_563, %broadcast_in_dim3A_570, %broadcast_in_dim3A_577, %broadcast_in_dim3A_584, %broadcast_in_dim3A_591, %broadcast_in_dim3A_598, %broadcast_in_dim3A_605, %broadcast_in_dim3A_612, %broadcast_in_dim3A_619, %broadcast_in_dim3A_626, %broadcast_in_dim3A_633, %broadcast_in_dim3A_640, %broadcast_in_dim3A_647, %broadcast_in_dim3A_654, %broadcast_in_dim3A_661, %broadcast_in_dim3A_668, %broadcast_in_dim3A_675, %broadcast_in_dim3A_682, %broadcast_in_dim3A_689, %broadcast_in_dim3A_696, %broadcast_in_dim3A_703, %broadcast_in_dim3A_710, %broadcast_in_dim3A_717, %broadcast_in_dim3A_724, %broadcast_in_dim3A_731, %broadcast_in_dim3A_738, %broadcast_in_dim3A_745, %broadcast_in_dim3A_752, %broadcast_in_dim3A_759, %broadcast_in_dim3A_766, %broadcast_in_dim3A_773, %broadcast_in_dim3A_780, %broadcast_in_dim3A_787, %broadcast_in_dim3A_794, %broadcast_in_dim3A_801, %broadcast_in_dim3A_808, %broadcast_in_dim3A_815, %broadcast_in_dim3A_822, %broadcast_in_dim3A_829, %broadcast_in_dim3A_836, %broadcast_in_dim3A_843, %broadcast_in_dim3A_850, %broadcast_in_dim3A_857, %broadcast_in_dim3A_864, %broadcast_in_dim3A_871, %broadcast_in_dim3A_878, %broadcast_in_dim3A_885, %broadcast_in_dim3A_892, %broadcast_in_dim3A_899, %broadcast_in_dim3A_906, %broadcast_in_dim3A_913, %broadcast_in_dim3A_920, %broadcast_in_dim3A_927 in 1 : vector<8x1xf32>, vector<8x1xf32>, vector<8x1xf32>, vector<8x1xf32>, vector<8x1xf32>, vector<8x1xf32>, vector<8x1xf32>, vector<8x1xf32>, vector<8x1xf32>, vector<8x1xf32>, vector<8x1xf32>, vector<8x1xf32>, vector<8x1xf32>, vector<8x1xf32>, vector<8x1xf32>, vector<8x1xf32>, vector<8x1xf32>, vector<8x1xf32>, vector<8x1xf32>, vector<8x1xf32>, vector<8x1xf32>, vector<8x1xf32>, vector<8x1xf32>, vector<8x1xf32>, vector<8x1xf32>, vector<8x1xf32>, vector<8x1xf32>, vector<8x1xf32>, vector<8x1xf32>, vector<8x1xf32>, vector<8x1xf32>, vector<8x1xf32>, vector<8x1xf32>, vector<8x1xf32>, vector<8x1xf32>, vector<8x1xf32>, vector<8x1xf32>, vector<8x1xf32>, vector<8x1xf32>, vector<8x1xf32>, vector<8x1xf32>, vector<8x1xf32>, vector<8x1xf32>, vector<8x1xf32>, vector<8x1xf32>, vector<8x1xf32>, vector<8x1xf32>, vector<8x1xf32>, vector<8x1xf32>, vector<8x1xf32>, vector<8x1xf32>, vector<8x1xf32>, vector<8x1xf32>, vector<8x1xf32>, vector<8x1xf32>, vector<8x1xf32>, vector<8x1xf32>, vector<8x1xf32>, vector<8x1xf32>, vector<8x1xf32>, vector<8x1xf32>, vector<8x1xf32>, vector<8x1xf32>, vector<8x1xf32>, vector<8x1xf32> -> vector<8x65xf32>
    %slice3A_929 = vector.extract_strided_slice %concatenate3A_928 {offsets = [0, 0], sizes = [8, 64], strides = [1, 1]} : vector<8x65xf32> to vector<8x64xf32>
    %slice3A_930 = vector.extract_strided_slice %concatenate3A_928 {offsets = [0, 1], sizes = [8, 64], strides = [1, 1]} : vector<8x65xf32> to vector<8x64xf32>
    %sub3A_931 = arith.subf %slice3A_929, %slice3A_930 : vector<8x64xf32>
    %mul3A_932 = arith.constant 5.000000e-01 : f32
    %mul3A_933 = vector.broadcast %mul3A_932 : f32 to vector<8x64xf32>
    %mul3A_934 = arith.mulf %mul3A_933, %sub3A_931 : vector<8x64xf32>
    %swap3A_935 = arith.constant 8 : index
    %swap3A_936 = arith.constant 0 : index
    %swap3A_937 = vector.load %arg3[%swap3A_935, %swap3A_936] : memref<16x64xf32, #tpu.memory_space<vmem>>, vector<8x64xf32>
    tpu.vector_store %arg3[%swap3A_935, %swap3A_936], %mul3A_934 {strides = array<i32>} : memref<16x64xf32, #tpu.memory_space<vmem>>, vector<8x64xf32>,
    return
  }
  func.func @transform_0(%arg0: i32) -> (i32, i32) {
    %c0_i32 = arith.constant 0 : i32
    %c3_i32 = arith.constant 3 : i32
    %c0_i32_0 = arith.constant 0 : i32
    return %c0_i32, %c3_i32 : i32, i32
  }
  func.func @transform_1(%arg0: i32) -> (i32, i32) {
    %c0_i32 = arith.constant 0 : i32
    %c3_i32 = arith.constant 3 : i32
    %c0_i32_0 = arith.constant 0 : i32
    return %c0_i32, %c3_i32 : i32, i32
  }
  func.func @transform_2(%arg0: i32) -> (i32, i32) {
    %c0_i32 = arith.constant 0 : i32
    %c0_i32_0 = arith.constant 0 : i32
    %c0_i32_1 = arith.constant 0 : i32
    return %c0_i32, %c0_i32_0 : i32, i32
  }
}

module attributes {stable_mosaic.version = 14 : i64} {
  func.func @_tc_loss_body(%arg0: memref<32x64xf32, #tpu.memory_space<vmem>>, %arg1: memref<16x64xf32, #tpu.memory_space<vmem>>, %arg2: memref<1x1xf32, #tpu.memory_space<vmem>>) attributes {dimension_semantics = [], scalar_prefetch = 0 : i64, scratch_operands = 0 : i64, tpu.core_type = #tpu.core_type<tc>} {
    %get3A = arith.constant 0 : index
    %get3A_0 = arith.constant 0 : index
    %get3A_1 = vector.load %arg0[%get3A, %get3A_0] : memref<32x64xf32, #tpu.memory_space<vmem>>, vector<32x64xf32>
    %get3A_2 = arith.constant 0 : index
    %get3A_3 = arith.constant 0 : index
    %get3A_4 = vector.load %arg1[%get3A_2, %get3A_3] : memref<16x64xf32, #tpu.memory_space<vmem>>, vector<16x64xf32>
    %slice3A = vector.extract_strided_slice %get3A_1 {offsets = [0, 0], sizes = [8, 64], strides = [1, 1]} : vector<32x64xf32> to vector<8x64xf32>
    %slice3A_5 = vector.extract_strided_slice %get3A_1 {offsets = [8, 0], sizes = [8, 64], strides = [1, 1]} : vector<32x64xf32> to vector<8x64xf32>
    %add3A = arith.addf %slice3A, %slice3A_5 : vector<8x64xf32>
    %slice3A_6 = vector.extract_strided_slice %get3A_4 {offsets = [0, 0], sizes = [8, 64], strides = [1, 1]} : vector<16x64xf32> to vector<8x64xf32>
    %add3A_7 = arith.addf %add3A, %slice3A_6 : vector<8x64xf32>
    %slice3A_8 = vector.extract_strided_slice %get3A_1 {offsets = [16, 0], sizes = [8, 64], strides = [1, 1]} : vector<32x64xf32> to vector<8x64xf32>
    %slice3A_9 = vector.extract_strided_slice %get3A_1 {offsets = [24, 0], sizes = [8, 64], strides = [1, 1]} : vector<32x64xf32> to vector<8x64xf32>
    %add3A_10 = arith.addf %slice3A_8, %slice3A_9 : vector<8x64xf32>
    %slice3A_11 = vector.extract_strided_slice %get3A_4 {offsets = [8, 0], sizes = [8, 64], strides = [1, 1]} : vector<16x64xf32> to vector<8x64xf32>
    %add3A_12 = arith.addf %add3A_10, %slice3A_11 : vector<8x64xf32>
    %mul3A = arith.mulf %add3A_7, %add3A_7 : vector<8x64xf32>
    %reduce_sum3A = arith.constant dense<0.000000e+00> : vector<8xf32>
    %reduce_sum3A_13 = vector.multi_reduction <add>, %mul3A, %reduce_sum3A [1] : vector<8x64xf32> to vector<8xf32>
    %broadcast_in_dim3A = vector.shape_cast %reduce_sum3A_13 : vector<8xf32> to vector<8x1xf32>
    %sqrt3A = math.sqrt %broadcast_in_dim3A : vector<8x1xf32>
    %add3A_14 = arith.constant 1.000000e-07 : f32
    %add3A_15 = vector.broadcast %add3A_14 : f32 to vector<8x1xf32>
    %add3A_16 = arith.addf %add3A_15, %sqrt3A : vector<8x1xf32>
    %sub3A = arith.subf %add3A_7, %add3A_12 : vector<8x64xf32>
    %abs3A = math.absf %sub3A : vector<8x64xf32>
    %div3A = vector.broadcast %add3A_16 : vector<8x1xf32> to vector<8x64xf32>
    %div3A_17 = arith.divf %abs3A, %div3A : vector<8x64xf32>
    %reduce_sum3A_18 = vector.shape_cast %div3A_17 : vector<8x64xf32> to vector<1x8x64xf32>
    %reduce_sum3A_19 = arith.constant dense<0.000000e+00> : vector<1xf32>
    %reduce_sum3A_20 = vector.multi_reduction <add>, %reduce_sum3A_18, %reduce_sum3A_19 [1, 2] : vector<1x8x64xf32> to vector<1xf32>
    %reduce_sum3A_21 = vector.shape_cast %reduce_sum3A_20 : vector<1xf32> to vector<1x1x1xf32>
    %reduce_sum3A_22 = vector.extract %reduce_sum3A_21[0, 0, 0] : f32 from vector<1x1x1xf32>
    %div3A_23 = arith.constant 5.120000e+02 : f32
    %div3A_24 = arith.divf %reduce_sum3A_22, %div3A_23 : f32
    %reshape3A = vector.broadcast %div3A_24 : f32 to vector<1x1xf32>
    %swap3A = arith.constant 0 : index
    %swap3A_25 = arith.constant 0 : index
    %swap3A_26 = vector.load %arg2[%swap3A, %swap3A_25] : memref<1x1xf32, #tpu.memory_space<vmem>>, vector<1x1xf32>
    tpu.vector_store %arg2[%swap3A, %swap3A_25], %reshape3A {strides = array<i32>} : memref<1x1xf32, #tpu.memory_space<vmem>>, vector<1x1xf32>,
    return
  }
}

</mosaic_0001>

<sc_bundles>
// kernel: kernel.5.cloned.1.call-start
scs
__scs_entry_jumppad:
0x0: {  	(pc) =	sbr.rel $0x88, $3  }
0x1: {  	(tag) =	ssettag $0x0;
	lr =	simm.s32 $0x1  }
0x2: {  	[smem:$0x3F9F] =	sst lr;
	_ =	strace $0xD0000000  }
0x3: {  	_ = 	snop  }
0x4: {  	_ = 	snop  }
0x5: {  	_ = 	snop  }
0x6: {  	_ = 	snop  }
0x7: {  	_ = 	snop  }
__scs_overlays_trampoline_lowered:
0x8: {  	[smem:$0x3FAE] =	sst s0  }
0x9: {  	[smem:$0x3FAF] =	sst s1  }
0xa: {  	[smem:$0x3FB0] =	sst s2  }
0xb: {  	[smem:$0x3FB1] =	sst s3  }
0xc: {  	[smem:$0x3FB2] =	sst s4  }
0xd: {  	[smem:$0x3FB3] =	sst s5  }
0xe: {  	[smem:$0x3FB4] =	sst s6  }
0xf: {  	[smem:$0x3FB5] =	sst s7  }
0x10: {  	[smem:$0x3FB6] =	sst s8  }
0x11: {  	[smem:$0x3FB7] =	sst s9;
	s0 =	simm.s32 @!p0 $0x0  }
0x12: {  	s1 =	sld [smem:$0x3F9D];
	s0 =	simm.s32 @p0 $0x1  }
0x13: {  	[smem:$0x3FB8] =	sst s0;
	s0 =	simm.s32 @!p1 $0x0  }
0x14: {  	s2 =	sld [smem:$0x3F9C];
	s0 =	simm.s32 @p1 $0x1  }
0x15: {  	[smem:$0x3FB9] =	sst s0;
	s0 =	simm.s32 @!p2 $0x0  }
0x16: {  	s3 =	sld [smem:$0x3FDB];
	s0 =	simm.s32 @p2 $0x1  }
0x17: {  	s4 =	simm.s32 $0x1BF5;
	[smem:$0x3FBB] =	sst s0  }
0x18: {  	s0 =	sld [smem:$0x3F9E];
	_ =	swait.ge [sflag:s4], $0x0  }
0x19: {  	s7 =	sld [smem:$0x3F9F]  }
0x1a: {  	s8 =	sadd.s32 $0xFFFFE003, lr  }
0x1b: {  	s9 =	sadd.s32 $0xFFFFFEF7, lr;
	s5 =	simm.s32 $0xFFFFFFFF;
	p2 =	slt.u32 s8, $0xFFFFF086  }
0x1c: {  	p1 =	slt.u32 s9, $0xF7A;
	s5 =	simm.s32 @!p2 $0x0  }
0x1d: {  	s5 =	simm.s32 @p1 $0x1;
	p0 =	seq.s32 s7, s2  }
0x1e: {  	s7 =	smul.u32 @!p0 $0xF7A, s2;
	p2 =	seq.s32 @!p0 s5, $0x0  }
0x1f: {  	s9 =	smul.u32 $0xF7A, s1;
	s8 =	simm.s32 @!p0 $0x1BF5;
	p2 =	por !p2, p0  }
0x20: {  	[sflag:s8] =	ssyncset.s32 @!p0 $0xFFFFF086;
	s6 =	sadd.s32 @!p0 s3, s7;
	s7 =	simm.s32 @!p0 $0x108  }
0x21: {  	s3 =	sadd.s32 s3, s9;
	s6 =	sadd.s32 @!p0 $0x88, s6;
	s7 =	simm.s32 @p2 $0x1082  }
0x22: {  	[simem:s7], [sflag:s8] =	dma.local @!p0 [hbm:s6], $0xF7A  }
0x23: {  	s9 =	sor.u32 $0xD0000000, s2;
	s6 =	simm.s32 $0x108;
	_ =	swait.ge @!p0 [sflag:s8], $0x0  }
0x24: {  	s3 =	sadd.s32 $0x88, s3;
	s6 =	simm.s32 @!p1 $0x1082;
	[sflag:s4] =	ssyncset.s32 $0xFFFFF086  }
0x25: {  	[simem:s6], [sflag:s4] =	dma.local [hbm:s3], $0xF7A  }
0x26: {  	[smem:$0x3F9F] =	sst s1;
	(tag) =	ssettag s2;
	_ =	strace s9  }
0x27: {  	s1 =	sld [smem:$0x3FAF]  }
0x28: {  	s2 =	sld [smem:$0x3FB0]  }
0x29: {  	s4 =	sld [smem:$0x3FB2]  }
0x2a: {  	p0 =	seq.s32 s5, $0x0;
	s5 =	sld [smem:$0x3FB3]  }
0x2b: {  	s6 =	sld [smem:$0x3FB4]  }
0x2c: {  	s7 =	sld [smem:$0x3FB5]  }
0x2d: {  	s3 =	simm.s32 $0x108;
	s8 =	sld [smem:$0x3FB6]  }
0x2e: {  	s3 =	simm.s32 @!p0 $0x1082;
	s9 =	sld [smem:$0x3FB7]  }
0x2f: {  	lr =	sadd.s32 s0, s3;
	s0 =	sld [smem:$0x3FAE]  }
0x30: {  	s3 =	sld [smem:$0x3FB1]  }
0x31: {  	[smem:$0x3FBA] =	sst s10  }
0x32: {  	s10 =	sld [smem:$0x3FB8];
	_ =	sdelay $0x3  }
0x33: {  	p0 =	seq.s32 s10, $0x1;
	s10 =	sld [smem:$0x3FBA];
	_ =	sdelay $0x3  }
0x34: {  	[smem:$0x3FBA] =	sst s10  }
0x35: {  	s10 =	sld [smem:$0x3FB9];
	_ =	sdelay $0x3  }
0x36: {  	p1 =	seq.s32 s10, $0x1;
	s10 =	sld [smem:$0x3FBA];
	_ =	sdelay $0x3  }
0x37: {  	[smem:$0x3FBA] =	sst s10  }
0x38: {  	s10 =	sld [smem:$0x3FBB]  }
0x39: {  	_ = 	snop;
	(pc) =	sbr.ind lr, $3  }
0x3a: {  	_ = 	snop  }
0x3b: {  	_ = 	snop  }
0x3c: {  	p2 =	seq.s32 s10, $0x1;
	s10 =	sld [smem:$0x3FBA]  }
0x3d: {  	_ =	shalt  }
0x3e: {  	_ =	shalt  }
0x3f: {  	_ =	shalt  }
0x40: {  	_ =	shalt  }
0x41: {  	_ =	shalt  }
0x42: {  	_ =	shalt  }
0x43: {  	_ =	shalt  }
0x44: {  	_ =	shalt  }
0x45: {  	_ =	shalt  }
0x46: {  	_ =	shalt  }
0x47: {  	_ =	shalt  }
0x48: {  	_ =	shalt  }
0x49: {  	_ =	shalt  }
0x4a: {  	_ =	shalt  }
0x4b: {  	_ =	shalt  }
0x4c: {  	_ =	shalt  }
0x4d: {  	_ =	shalt  }
0x4e: {  	_ =	shalt  }
0x4f: {  	_ =	shalt  }
0x50: {  	_ =	shalt  }
0x51: {  	_ =	shalt  }
0x52: {  	_ =	shalt  }
0x53: {  	_ =	shalt  }
0x54: {  	_ =	shalt  }
0x55: {  	_ =	shalt  }
0x56: {  	_ =	shalt  }
0x57: {  	_ =	shalt  }
0x58: {  	_ =	shalt  }
0x59: {  	_ =	shalt  }
0x5a: {  	_ =	shalt  }
0x5b: {  	_ =	shalt  }
0x5c: {  	_ =	shalt  }
0x5d: {  	_ =	shalt  }
0x5e: {  	_ =	shalt  }
0x5f: {  	_ =	shalt  }
0x60: {  	_ =	shalt  }
0x61: {  	_ =	shalt  }
0x62: {  	_ =	shalt  }
0x63: {  	_ =	shalt  }
0x64: {  	_ =	shalt  }
0x65: {  	_ =	shalt  }
0x66: {  	_ =	shalt  }
0x67: {  	_ =	shalt  }
0x68: {  	_ =	shalt  }
0x69: {  	_ =	shalt  }
0x6a: {  	_ =	shalt  }
0x6b: {  	_ =	shalt  }
0x6c: {  	_ =	shalt  }
0x6d: {  	_ =	shalt  }
0x6e: {  	_ =	shalt  }
0x6f: {  	_ =	shalt  }
0x70: {  	_ =	shalt  }
0x71: {  	_ =	shalt  }
0x72: {  	_ =	shalt  }
0x73: {  	_ =	shalt  }
0x74: {  	_ =	shalt  }
0x75: {  	_ =	shalt  }
0x76: {  	_ =	shalt  }
0x77: {  	_ =	shalt  }
0x78: {  	_ =	shalt  }
0x79: {  	_ =	shalt  }
0x7a: {  	_ =	shalt  }
0x7b: {  	_ =	shalt  }
0x7c: {  	_ =	shalt  }
0x7d: {  	_ =	shalt  }
0x7e: {  	_ =	shalt  }
0x7f: {  	_ =	shalt  }
0x80: {  	_ =	shalt  }
0x81: {  	_ =	shalt  }
0x82: {  	_ =	shalt  }
0x83: {  	_ =	shalt  }
0x84: {  	_ =	shalt  }
0x85: {  	_ =	shalt  }
0x86: {  	_ =	shalt  }
0x87: {  	_ =	shalt  }
.Lfunc_end0:
.L_simem_size_0:
called_computation_lowered:
.L_overlay_start_0:
0x88: {  	s2 =	sld [smem:$0x3FD9]  }
0x89: {  	s3 =	sld [smem:$0x3FFE];
	_ =	sdelay $0x1  }
0x8a: {  	s1 =	srdreg.scid  }
0x8b: {  	s0 =	sand.u32 $0x1, s1  }
0x8c: {  	s16 =	sshll.u32 s0, $0xA;
	s2 =	sadd.s32 s3, s2  }
0x8d: {  	s2 =	sadd.s32 s2, s16  }
0x8e: {  	[smem:$0x3FC6] =	sst s2  }
0x8f: {  	_ = 	snop  }
0x90: {  	(tm) =	ssettm $0x1  }
0x91: {  	s17 =	sld [smem:$0x3FFB];
	_ =	sdelay $0x3  }
0x92: {  	_ =	strace s17  }
0x93: {  	s2 =	sld [smem:$0x3FFC];
	_ =	sdelay $0x3  }
0x94: {  	_ =	strace s2  }
0x95: {  	s2 =	sld [smem:$0x3FFD];
	_ =	sdelay $0x3  }
0x96: {  	_ =	strace s2  }
0x97: {  	_ =	strace $0x8FFFFFFF  }
0x98: {  	s18 =	sld [smem:$0x3FDB];
	_ =	sdelay $0x1  }
0x99: {  	s19 =	simm.s32 $_scs_section_size  }
0x9a: {  	s4 =	simm.s32 $_size__tile_overlayer_lowered;
	s5 =	simm.s32 $_tile_overlayer_lowered  }
0x9b: {  	s22 =	simm.s32 $0x1BFF;
	s21 =	sshll.u32 s5, $0x1;
	s2 =	sadd.s32 s19, s18  }
0x9c: {  	s6 =	simm.s32 $0x0;
	s20 =	sshll.u32 s4, $0x1;
	s4 =	sadd.s32 s21, s2  }
0x9d: {  	[timem:s6], [sflag:s22] =	dma.local [hbm:s4], s20  }
0x9e: {  	_ =	swait.ge [sflag:s22], s20  }
0x9f: {  	s3 =	ssub.s32 $0x0, s20;
	[sflag:s22] =	ssyncset.done $0x0  }
0xa0: {  	[sflag:s22] =	ssyncadd.s32 s3;
	_ =	sdelay $0x1  }
0xa1: {  	s23 =	simm.s32 $0x1B8B  }
0xa2: {  	_ =	swait.ge [sflag:s23], $0x1  }
0xa3: {  	[sflag:s23] =	ssyncset.done $0x0  }
0xa4: {  	s25 =	simm.s32 $0x1B8E;
	s24 =	sld [smem:$0x3FFE];
	[sflag:s23] =	ssyncadd.s32 $0xFFFFFFFF  }
0xa5: {  	s26 =	simm.s32 $execute0_lowered;
	[smem:$0x3FD2] =	sst s25  }
0xa6: {  	s4 =	sshll.u32 s26, $0x1;
	_ =	strace $0x80000046;
	[dreg:$0x1] =	wrdreg $0xFFFFFFFF  }
0xa7: {  	s28 =	simm.s32 $_size_execute0_lowered;
	s2 =	sadd.s32 s2, s4;
	[dreg:$0x0] =	wrdreg $0x0  }
0xa8: {  	s4 =	sshll.u32 s28, $0x1;
	[dreg:$0x2] =	wrdreg s2  }
0xa9: {  	[dreg:$0x3] =	wrdreg s4  }
0xaa: {  	[dreg:$0x4] =	wrdreg $0xC0  }
0xab: {  	_ =	task [dreg:s6], $0x5FFFF  }
0xac: {  	[dreg:$0x1] =	wrdreg $0xFFFFFFFF  }
0xad: {  	[dreg:$0x0] =	wrdreg $0x60  }
0xae: {  	[dreg:$0x2] =	wrdreg s24  }
0xaf: {  	[dreg:$0x3] =	wrdreg $0x9  }
0xb0: {  	_ =	task.clear_ibuf [dreg:s6], $0x4FFFF;
	_ =	strace $0x90000046  }
0xb1: {  	s29 =	simm.s32 $0x9;
	_ =	strace $0x80000048  }
0xb2: {  	_ =	swait.ge [sflag:s29], $0x1  }
0xb3: {  	[sflag:s29] =	ssyncadd.s32 $0xFFFFFFFF  }
0xb4: {  	_ =	strace $0x90000048  }
0xb5: {  	_ =	sfence  }
0xb6: {  	s30 =	sld [smem:$0x0];
	_ =	sdelay $0x2  }
0xb7: {  	s31 =	sshll.u32 s1, $0xD;
	s1 =	sshrl.u32 s1, $0x2  }
0xb8: {  	s3 =	sand.u32 $0x4000, s31;
	s1 =	sadd.s32 s1, s30  }
0xb9: {  	s0 =	sor.u32 s3, s0;
	s1 =	sshll.u32 s1, $0x11  }
0xba: {  	s0 =	sor.u32 s1, s0  }
0xbb: {  	s0 =	sadd.s32 $0x8F2B, s0  }
0xbc: {  	[sflag:s0] =	ssyncadd.remote.s32 $0x1  }
0xbd: {  	_ =	sfence.sel $0xFFFF  }
0xbe: {  	[dreg:$0x0] =	wrdreg $0xFFFFFFFF;
	(pc) =	sbr.abs _section_cstart, $3  }
0xbf: {  	[dreg:$0x1] =	wrdreg $0xFFFFFFFF  }
0xc0: {  	_ =	task.clear_ibuf [dreg:s6], $0x2FFFF;
	_ =	strace $0x9FFFFFFF  }
0xc1: {  	(tm) =	ssettm $0x7FFFFFFF  }
tec
execute0_lowered:
.L_overlay_start_1:
0x0: {  	(tag) =	ssettag $0x1  }
0x1: {  	s1 =	srdreg.scid  }
0x2: {  	s0 =	stileid.u32;
	s5 =	rddreg [dreg:$0x0]  }
0x3: {  	s11 =	simm.s32 $0x2000;
	s12 =	simm.s32 $0x1;
	s13 =	simm.s32 $0x4000  }
0x4: {  	s14 =	simm.s32 $0x2;
	s15 =	simm.s32 $0x4480;
	s16 =	simm.s32 $0x3  }
0x5: {  	s17 =	simm.s32 $0x0;
	s3 =	sand.u32 $0x1, s1;
	s4 =	sand.u32 $0x1, s0  }
0x6: {  	s6 =	sshrl.u32 s0, $0x1;
	s1 =	sshll.u32 s3, $0x4;
	s2 =	sshll.u32 s4, $0x3  }
0x7: {  	s4 =	smul.u32 $0xC000, s4;
	s8 =	ssub.s32 $0x2, s3;
	p0 =	seq.s32 s3, $0x0  }
0x8: {  	s3 =	simm.s32 $0x800;
	s7 =	sor.u32 s1, s2;
	s1 =	rddreg [dreg:$0x1]  }
0x9: {  	s2 =	simm.s32 $0x0;
	s7 =	sor.u32 s6, s7;
	s6 =	smul.u32 $0x18000, s6  }
0xa: {  	s9 =	sshrl.u32 s8, $0x1;
	s3 =	simm.s32 @!p0 $0x18800;
	[smem:$0x7FF] =	sst s2  }
0xb: {  	s30 =	ssub.s32 s8, s9;
	s7 =	sshll.u32 s7, $0x3;
	s4 =	sadd.s32 s4, s6  }
0xc: {  	v0 =	vlaneseq.u32;
	s7 =	sadd.s32 s7, s5;
	s5 =	sadd.s32 s3, s5;
	s31 =	sshrl.u32 s4, $0x3  }
0xd: {  	v0 =	vmul.u32 $0x48, v0;
	_ =	strace $0x80000047;
	s3 =	sadd.s32 $0x30800, s7;
	s5 =	sadd.s32 s5, s31  }
0xe: {  	s4 =	smax.u32 s30, $0x1;
	s6 =	sadd.s32 $0x400, s5;
	s7 =	sadd.s32 $0x800, s5  }
0xf: {  	v1 =	vimm.f32 $0.0e+00;
	v2 =	vor.u32 $0x1, v0;
	v3 =	vor.u32 $0x2, v0;
	s8 =	sadd.s32 $0xC00, s5;
	s9 =	sadd.s32 $0x1000, s5;
	s10 =	sadd.s32 $0x1400, s5  }
.LBB2_1:
0x10: {  	[tilespmem:s2], [sflag:$0x1] =	stream.linear.gather [hbm4b:s5+s2], $0x2000, $0x38;
	[tilespmem:$0x4500] =	vst v63  }
0x11: {  	s18 =	simm.s32 $0x40;
	s19 =	simm.s32 $0x0  }
.LBB2_2:
0x12: {  	p0 =	sne.s32 s18, $0x11C0;
	[tilespmem:s19+$0x4000] =	vst v1;
	s19 =	smov.u32 s18;
	s18 =	sadd.s32 $0x40, s18  }
.Ltmp0:
0x13: {  	(pc) =	sbr.rel @p0 .LBB2_2-.Ltmp0, $2  }
0x14: {  	_ =	sdelay $0x2  }
0x15: {  	s19 =	sshra.s32 s19, $0x2  }
0x16: {  	[tilespmem:s19+$0x4000] =	vst v1  }
0x17: {  	[tilespmem:s11], [sflag:$0x2] =	stream.linear.gather [hbm4b:s6+s2], $0x2000, $0x38;
	[tilespmem:$0x4500] =	vst v63  }
0x18: {  	_ =	swait.ge [sflag:s12], $0x2000  }
0x19: {  	[sflag:s12] =	ssyncset.done $0x0  }
0x1a: {  	s18 =	simm.s32 $0x20;
	[sflag:s12] =	ssyncadd.s32 $0xFFFFE000  }
0x1b: {  	v4 =	vld [tilespmem:s18+$0x10];
	_ =	sdelay $0x4  }
0x1c: {  	v4 =	vmul.f32 $8.000000000e+00, v4;
	_ =	sdelay $0x1  }
0x1d: {  	v5 =	vld [tilespmem:s18+$0x0];
	v6 =	vadd.f32 $3.200000000e+01, v4  }
0x1e: {  	v7 =	vld [tilespmem:s18+$0xFFFFFFF0]  }
0x1f: {  	v4 =	vmax.f32 v6, $0.0e+00  }
0x20: {  	v4 =	vmin.f32 v4, $6.300000000e+01  }
0x21: {  	v4 =	vtrunc.f32 v4  }
0x22: {  	v8 =	vld [tilespmem:s18+$0xFFFFFFE0];
	v5 =	vmul.f32 $8.000000000e+00, v5;
	v4 =	vcvt.f32.s32 v4  }
0x23: {  	v7 =	vmul.f32 $8.000000000e+00, v7  }
0x24: {  	v5 =	vadd.f32 $3.200000000e+01, v5;
	v9 =	vcvt.s32.f32 v4  }
0x25: {  	v10 =	vadd.f32 $3.200000000e+01, v7  }
0x26: {  	v7 =	vmax.f32 v5, $0.0e+00;
	v6 =	vsub.f32 v9, v6  }
0x27: {  	v8 =	vmul.f32 $8.000000000e+00, v8;
	v7 =	vmin.f32 v7, $6.300000000e+01;
	v9 =	vmax.f32 v10, $0.0e+00  }
0x28: {  	v7 =	vtrunc.f32 v7;
	v9 =	vmin.f32 v9, $6.300000000e+01;
	v6 =	vmul.f32 $1.250000000e+01, v6  }
0x29: {  	v7 =	vcvt.f32.s32 v7;
	v9 =	vtrunc.f32 v9  }
0x2a: {  	v8 =	vadd.f32 $3.200000000e+01, v8;
	v11 =	vmul.f32 $1.442695020e+00, v6;
	v6 =	vcvt.f32.s32 v9  }
0x2b: {  	v9 =	vcvt.s32.f32 v7  }
0x2c: {  	s31 =	simm.s32 $0x60;
	(erf) = vpow2.f32 v11;
	v11 =	vmax.f32 v8, $0.0e+00;
	v12 =	vcvt.s32.f32 v6  }
0x2d: {  	v13 =	vld [tilespmem:s31+$0x10];
	v9 =	vsub.f32 v9, v5;
	v11 =	vmin.f32 v11, $6.300000000e+01  }
0x2e: {  	v14 =	vld [tilespmem:s31+$0xFFFFFFF0];
	v5 =	vtrunc.f32 v11;
	v10 =	vsub.f32 v12, v10  }
0x2f: {  	v9 =	vmul.f32 $1.250000000e+01, v9;
	v11 =	vld [tilespmem:s31+$0x0];
	v5 =	vcvt.f32.s32 v5  }
0x30: {  	v15 =	vld [tilespmem:s31+$0xFFFFFFE0];
	v10 =	vmul.f32 $1.250000000e+01, v10  }
0x31: {  	v9 =	vmul.f32 $1.442695020e+00, v9;
	v12 =	vcvt.s32.f32 v5  }
0x32: {  	v13 =	vmul.f32 $8.000000000e+00, v13;
	v10 =	vmul.f32 $1.442695020e+00, v10  }
0x33: {  	(erf) = vpow2.f32 v9;
	v8 =	vsub.f32 v12, v8;
	v12 =	vmul.f32 $8.000000000e+00, v14  }
0x34: {  	(erf) = vpow2.f32 v10;
	v10 =	vmul.f32 $8.000000000e+00, v11;
	v11 =	vadd.f32 $3.200000000e+01, v13  }
0x35: {  	v15 =	vmul.f32 $8.000000000e+00, v15;
	v8 =	vmul.f32 $1.250000000e+01, v8  }
0x36: {  	v9 =	vpop (erf);
	v23 =	vadd.f32 $3.200000000e+01, v12;
	v14 =	vadd.f32 $3.200000000e+01, v10;
	v10 =	vmax.f32 v11, $0.0e+00  }
0x37: {  	v13 =	vadd.f32 $1.000000000e+00, v9;
	v9 =	vmul.f32 $2.683372810e+05, v9;
	v10 =	vmin.f32 v10, $6.300000000e+01  }
0x38: {  	v8 =	vmul.f32 $1.442695020e+00, v8;
	v12 =	vmax.f32 v14, $0.0e+00;
	v10 =	vtrunc.f32 v10  }
0x39: {  	v9 =	vadd.f32 $1.000000000e+00, v9;
	v16 =	vmin.f32 v12, $6.300000000e+01;
	v12 =	vcvt.f32.s32 v10  }
0x3a: {  	v10 =	vmax.f32 v23, $0.0e+00;
	(erf) = vpow2.f32 v8;
	v16 =	vtrunc.f32 v16  }
0x3b: {  	v8 =	vmin.f32 v10, $6.300000000e+01;
	(erf) = vrcp.f32 v13;
	v10 =	vcvt.s32.f32 v12  }
0x3c: {  	v13 =	vadd.f32 $3.200000000e+01, v15;
	v17 =	vpop (erf);
	v8 =	vtrunc.f32 v8;
	(erf) = vrcp.f32 v9  }
0x3d: {  	v8 =	vcvt.f32.s32 v8;
	v15 =	vmul.f32 $2.683372810e+05, v17;
	v11 =	vsub.f32 v10, v11  }
0x3e: {  	v18 =	vmax.f32 v13, $0.0e+00;
	v17 =	vadd.f32 $1.000000000e+00, v17;
	v9 =	vpop (erf);
	v10 =	vcvt.f32.s32 v16  }
0x3f: {  	v18 =	vmin.f32 v18, $6.300000000e+01;
	v19 =	vadd.f32 $1.000000000e+00, v9;
	v11 =	vmul.f32 $1.250000000e+01, v11  }
0x40: {  	v25 =	vadd.f32 $1.000000000e+00, v15;
	v15 =	vmul.f32 $2.683372810e+05, v9;
	v26 =	vcvt.s32.f32 v8  }
0x41: {  	v16 =	vadd.s32 v0, v4;
	(erf) = vrcp.f32 v19;
	v24 =	vmul.f32 $1.442695020e+00, v11  }
0x42: {  	v9 =	vadd.s32 v3, v6;
	v11 =	vtrunc.f32 v18;
	v18 =	vcvt.s32.f32 v10  }
0x43: {  	v19 =	vadd.f32 $1.000000000e+00, v15;
	(erf) = vrcp.f32 v17;
	v11 =	vcvt.f32.s32 v11;
	v22 =	vpop (erf)  }
0x44: {  	v15 =	vadd.s32 v2, v4;
	v23 =	vsub.f32 v26, v23;
	v27 =	vsub.f32 v18, v14;
	v21 =	vpop (erf)  }
0x45: {  	(erf) = vpow2.f32 v24;
	v17 =	vcvt.s32.f32 v11;
	v18 =	vsub.f32 $1.000000000e+00, v21  }
0x46: {  	s19 =	simm.s32 $0xA0;
	s18 =	simm.s32 $0x40;
	v20 =	vadd.f32 $1.000000000e+00, v22;
	v14 =	vpop (erf);
	(erf) = vrcp.f32 v25;
	v24 =	vmul.f32 $1.250000000e+01, v27  }
.LBB2_4:
0x47: {  	s18 =	sadd.s32 $0x40, s18;
	v22 =	vmul.f32 $2.683372810e+05, v22;
	v21 =	vsub.f32 v21, v14;
	[tilespmem:v16+s13+$0x0] =	vst.idx.add.f32.msk $0xffff, v18;
	(erf) = vrcp.f32 v19  }
0x48: {  	v16 =	vld [tilespmem:s19+$0x0];
	p0 =	slt.u32 s18, $0x1FC0;
	v18 =	vmul.f32 $1.250000000e+01, v23;
	v19 =	vmul.f32 $1.442695020e+00, v24;
	v23 =	vadd.s32 v0, v6  }
0x49: {  	v25 =	vadd.s32 v3, v4;
	v4 =	vmovc v12;
	v24 =	vld [tilespmem:s19+$0x10];
	v22 =	vadd.f32 $1.000000000e+00, v22;
	(erf) = vrcp.f32 v20  }
0x4a: {  	v12 =	vmul.f32 $1.442695020e+00, v18;
	(erf) = vpow2.f32 v19;
	v18 =	vadd.s32 v3, v7;
	[tilespmem:v15+s13+$0x0] =	vst.idx.add.f32.msk $0xffff, v21;
	v15 =	vpop (erf)  }
0x4b: {  	v21 =	vadd.s32 v2, v7;
	v19 =	vld [tilespmem:s19+$0xFFFFFFF0];
	v20 =	vsub.f32 $1.000000000e+00, v15;
	(erf) = vrcp.f32 v22  }
0x4c: {  	v29 =	vsub.f32 v17, v13;
	v17 =	vadd.s32 v3, v5;
	v26 =	vadd.s32 v0, v7;
	v22 =	vld [tilespmem:s19+$0xFFFFFFE0];
	v27 =	vpop (erf)  }
0x4d: {  	v28 =	vadd.s32 v2, v5;
	(erf) = vpow2.f32 v12;
	[tilespmem:v23+s13+$0x0] =	vst.idx.add.f32.msk $0xffff, v20;
	v12 =	vadd.s32 v2, v6  }
0x4e: {  	v31 =	vmul.f32 $1.250000000e+01, v29;
	v20 =	vsub.f32 $1.000000000e+00, v27;
	v30 =	vmul.f32 $8.000000000e+00, v24;
	v13 =	vpop (erf);
	[tilespmem:v25+s13+$0x0] =	vst.idx.add.f32.msk $0xffff, v14  }
0x4f: {  	v5 =	vadd.s32 v0, v5;
	v14 =	vadd.f32 $1.000000000e+00, v13;
	v32 =	vmul.f32 $2.683372810e+05, v13;
	v23 =	vpop (erf)  }
0x50: {  	v33 =	vmul.f32 $8.000000000e+00, v16;
	v25 =	vmul.f32 $1.442695020e+00, v31;
	v24 =	vadd.f32 $3.200000000e+01, v30;
	v29 =	vpop (erf)  }
0x51: {  	v7 =	vmovc v10;
	v6 =	vmovc v8;
	v19 =	vmul.f32 $8.000000000e+00, v19;
	v22 =	vmul.f32 $8.000000000e+00, v22;
	v15 =	vsub.f32 v15, v29  }
0x52: {  	v30 =	vadd.f32 $3.200000000e+01, v33;
	v10 =	vadd.f32 $1.000000000e+00, v32;
	v8 =	vmax.f32 v24, $0.0e+00;
	v13 =	vpop (erf)  }
0x53: {  	v31 =	vadd.f32 $3.200000000e+01, v19;
	v8 =	vmin.f32 v8, $6.300000000e+01;
	v16 =	vpop (erf);
	v19 =	vsub.f32 $1.000000000e+00, v13;
	[tilespmem:v12+s13+$0x0] =	vst.idx.add.f32.msk $0xffff, v15  }
0x54: {  	v12 =	vmax.f32 v30, $0.0e+00;
	v15 =	vsub.f32 v27, v23;
	v8 =	vtrunc.f32 v8;
	[tilespmem:v26+s13+$0x0] =	vst.idx.add.f32.msk $0xffff, v20;
	v20 =	vpop (erf)  }
0x55: {  	v26 =	vmin.f32 v12, $6.300000000e+01;
	v12 =	vcvt.f32.s32 v8;
	v8 =	vsub.f32 v13, v20;
	[tilespmem:v5+s13+$0x0] =	vst.idx.add.f32.msk $0xffff, v19;
	v5 =	vmovc v11  }
0x56: {  	v11 =	vmax.f32 v31, $0.0e+00;
	v19 =	vtrunc.f32 v26;
	(erf) = vpow2.f32 v25;
	v25 =	vpop (erf);
	[tilespmem:v21+s13+$0x0] =	vst.idx.add.f32.msk $0xffff, v15  }
0x57: {  	v11 =	vmin.f32 v11, $6.300000000e+01;
	v15 =	vcvt.s32.f32 v12;
	(erf) = vrcp.f32 v14;
	[tilespmem:v28+s13+$0x0] =	vst.idx.add.f32.msk $0xffff, v8  }
0x58: {  	v13 =	vadd.f32 $3.200000000e+01, v22;
	v8 =	vtrunc.f32 v11;
	(erf) = vrcp.f32 v10;
	[tilespmem:v18+s13+$0x0] =	vst.idx.add.f32.msk $0xffff, v23  }
0x59: {  	v14 =	vmul.f32 $2.683372810e+05, v16;
	v8 =	vcvt.f32.s32 v8;
	v11 =	vsub.f32 v15, v24;
	[tilespmem:v9+s13+$0x0] =	vst.idx.add.f32.msk $0xffff, v29  }
0x5a: {  	v10 =	vcvt.f32.s32 v19;
	v9 =	vmax.f32 v13, $0.0e+00;
	v15 =	vadd.f32 $1.000000000e+00, v25;
	[tilespmem:v17+s13+$0x0] =	vst.idx.add.f32.msk $0xffff, v20  }
0x5b: {  	v26 =	vadd.f32 $1.000000000e+00, v14;
	v17 =	vmin.f32 v9, $6.300000000e+01;
	v11 =	vmul.f32 $1.250000000e+01, v11  }
0x5c: {  	v18 =	vadd.f32 $1.000000000e+00, v16;
	v14 =	vmul.f32 $2.683372810e+05, v25;
	v9 =	vadd.s32 v3, v6  }
0x5d: {  	v16 =	vadd.s32 v0, v4;
	v23 =	vmul.f32 $1.442695020e+00, v11;
	(erf) = vrcp.f32 v15  }
.Ltmp1:
0x5e: {  	v19 =	vadd.f32 $1.000000000e+00, v14;
	v11 =	vtrunc.f32 v17;
	v17 =	vcvt.s32.f32 v10;
	(pc) =	sbr.rel @p0 .LBB2_4-.Ltmp1, $4  }
0x5f: {  	v15 =	vadd.s32 v2, v4;
	v11 =	vcvt.f32.s32 v11;
	v22 =	vpop (erf);
	(erf) = vrcp.f32 v18  }
0x60: {  	v24 =	vcvt.s32.f32 v8;
	v25 =	vsub.f32 v17, v30;
	v20 =	vadd.f32 $1.000000000e+00, v22;
	v21 =	vpop (erf)  }
0x61: {  	v17 =	vcvt.s32.f32 v11;
	(erf) = vpow2.f32 v23;
	v18 =	vsub.f32 $1.000000000e+00, v21;
	v14 =	vpop (erf)  }
0x62: {  	s19 =	sadd.s32 $0x40, s19;
	v23 =	vsub.f32 v24, v31;
	v24 =	vmul.f32 $1.250000000e+01, v25;
	(erf) = vrcp.f32 v26  }
0x63: {  	v22 =	vmul.f32 $2.683372810e+05, v22;
	(erf) = vrcp.f32 v19  }
0x64: {  	v19 =	vmul.f32 $1.250000000e+01, v23;
	v23 =	vmul.f32 $1.442695020e+00, v24  }
0x65: {  	(erf) = vrcp.f32 v20;
	v22 =	vadd.f32 $1.000000000e+00, v22  }
0x66: {  	v13 =	vsub.f32 v17, v13;
	v19 =	vmul.f32 $1.442695020e+00, v19;
	(erf) = vpow2.f32 v23  }
0x67: {  	(erf) = vrcp.f32 v22  }
0x68: {  	v13 =	vmul.f32 $1.250000000e+01, v13;
	(erf) = vpow2.f32 v19  }
0x69: {  	v17 =	vpop (erf)  }
0x6a: {  	v13 =	vmul.f32 $1.442695020e+00, v13;
	v19 =	vpop (erf)  }
0x6b: {  	v20 =	vpop (erf)  }
0x6c: {  	(erf) = vpow2.f32 v13;
	v22 =	vpop (erf)  }
0x6d: {  	v4 =	vadd.s32 v3, v4;
	v23 =	vpop (erf)  }
0x6e: {  	v26 =	vadd.s32 v3, v7;
	v29 =	vadd.s32 v2, v7;
	v24 =	vmul.f32 $2.683372810e+05, v20;
	v25 =	vpop (erf)  }
0x6f: {  	v7 =	vadd.s32 v0, v7;
	[tilespmem:v16+s13+$0x0] =	vst.idx.add.f32.msk $0xffff, v18;
	v16 =	vadd.s32 v2, v5;
	v20 =	vadd.f32 $1.000000000e+00, v20;
	v27 =	vpop (erf)  }
0x70: {  	v13 =	vsub.f32 v21, v14;
	v21 =	vadd.s32 v0, v6;
	v24 =	vadd.f32 $1.000000000e+00, v24;
	v30 =	vpop (erf)  }
0x71: {  	v28 =	vsub.f32 $1.000000000e+00, v17;
	v6 =	vadd.s32 v2, v6;
	(erf) = vrcp.f32 v20;
	v31 =	vpop (erf)  }
0x72: {  	(erf) = vrcp.f32 v24;
	v20 =	vmul.f32 $2.683372810e+05, v27;
	v24 =	vadd.f32 $1.000000000e+00, v31  }
0x73: {  	[tilespmem:v15+s13+$0x0] =	vst.idx.add.f32.msk $0xffff, v13;
	v13 =	vadd.s32 v0, v5;
	v27 =	vadd.f32 $1.000000000e+00, v27;
	v18 =	vmul.f32 $2.683372810e+05, v31  }
0x74: {  	[tilespmem:v4+s13+$0x0] =	vst.idx.add.f32.msk $0xffff, v14;
	v17 =	vsub.f32 v17, v23;
	v15 =	vadd.f32 $1.000000000e+00, v20;
	(erf) = vrcp.f32 v24  }
0x75: {  	[tilespmem:v21+s13+$0x0] =	vst.idx.add.f32.msk $0xffff, v28;
	v4 =	vsub.f32 $1.000000000e+00, v25;
	v14 =	vpop (erf);
	v18 =	vadd.f32 $1.000000000e+00, v18;
	(erf) = vrcp.f32 v27  }
0x76: {  	[tilespmem:v6+s13+$0x0] =	vst.idx.add.f32.msk $0xffff, v17;
	v6 =	vadd.f32 $1.000000000e+00, v14;
	v14 =	vmul.f32 $2.683372810e+05, v14;
	(erf) = vrcp.f32 v15  }
0x77: {  	v5 =	vadd.s32 v3, v5;
	v20 =	vsub.f32 $1.000000000e+00, v19;
	(erf) = vrcp.f32 v18  }
0x78: {  	[tilespmem:v13+s13+$0x0] =	vst.idx.add.f32.msk $0xffff, v4;
	v4 =	vadd.f32 $1.000000000e+00, v14  }
0x79: {  	[tilespmem:v7+s13+$0x0] =	vst.idx.add.f32.msk $0xffff, v20;
	v7 =	vsub.f32 v25, v30;
	v15 =	vsub.f32 v19, v22;
	(erf) = vrcp.f32 v6  }
0x7a: {  	[tilespmem:v9+s13+$0x0] =	vst.idx.add.f32.msk $0xffff, v23;
	v6 =	vadd.s32 v0, v12  }
0x7b: {  	[tilespmem:v16+s13+$0x0] =	vst.idx.add.f32.msk $0xffff, v7;
	v7 =	vadd.s32 v2, v12;
	v13 =	vpop (erf);
	(erf) = vrcp.f32 v4  }
0x7c: {  	v14 =	vadd.s32 v0, v8;
	[tilespmem:v5+s13+$0x0] =	vst.idx.add.f32.msk $0xffff, v30;
	v4 =	vpop (erf)  }
0x7d: {  	[tilespmem:v29+s13+$0x0] =	vst.idx.add.f32.msk $0xffff, v15;
	v9 =	vsub.f32 $1.000000000e+00, v13;
	v12 =	vadd.s32 v3, v12;
	v15 =	vpop (erf)  }
0x7e: {  	v16 =	vadd.s32 v2, v8;
	[tilespmem:v26+s13+$0x0] =	vst.idx.add.f32.msk $0xffff, v22;
	v5 =	vsub.f32 v13, v4;
	v13 =	vpop (erf)  }
0x7f: {  	[tilespmem:v6+s13+$0x0] =	vst.idx.add.f32.msk $0xffff, v9;
	v9 =	vadd.s32 v0, v10;
	v6 =	vsub.f32 $1.000000000e+00, v15;
	v17 =	vpop (erf)  }
0x80: {  	[tilespmem:v7+s13+$0x0] =	vst.idx.add.f32.msk $0xffff, v5;
	v5 =	vadd.s32 v0, v11;
	v7 =	vpop (erf)  }
0x81: {  	v18 =	vadd.s32 v2, v10;
	[tilespmem:v14+s13+$0x0] =	vst.idx.add.f32.msk $0xffff, v6;
	v6 =	vsub.f32 v15, v7  }
0x82: {  	[tilespmem:v12+s13+$0x0] =	vst.idx.add.f32.msk $0xffff, v4;
	v14 =	vadd.s32 v2, v11;
	v15 =	vsub.f32 $1.000000000e+00, v13;
	v4 =	vpop (erf)  }
0x83: {  	v10 =	vadd.s32 v3, v10;
	v11 =	vadd.s32 v3, v11;
	v12 =	vsub.f32 $1.000000000e+00, v4;
	[tilespmem:v16+s13+$0x0] =	vst.idx.add.f32.msk $0xffff, v6  }
0x84: {  	v6 =	vadd.s32 v3, v8;
	v8 =	vsub.f32 v13, v17;
	[tilespmem:v9+s13+$0x0] =	vst.idx.add.f32.msk $0xffff, v15;
	v9 =	vpop (erf)  }
0x85: {  	v4 =	vsub.f32 v4, v9;
	[tilespmem:v5+s13+$0x0] =	vst.idx.add.f32.msk $0xffff, v12  }
0x86: {  	[tilespmem:v18+s13+$0x0] =	vst.idx.add.f32.msk $0xffff, v8  }
0x87: {  	[tilespmem:v14+s13+$0x0] =	vst.idx.add.f32.msk $0xffff, v4  }
0x88: {  	[tilespmem:v10+s13+$0x0] =	vst.idx.add.f32.msk $0xffff, v17  }
0x89: {  	[tilespmem:v11+s13+$0x0] =	vst.idx.add.f32.msk $0xffff, v9  }
0x8a: {  	[tilespmem:v6+s13+$0x0] =	vst.idx.add.f32.msk $0xffff, v7  }
0x8b: {  	[tilespmem:s2], [sflag:$0x1] =	stream.linear.gather [hbm4b:s7+s2], $0x2000, $0x38;
	[tilespmem:$0x4500] =	vst v63  }
0x8c: {  	_ =	swait.ge [sflag:s14], $0x2000  }
0x8d: {  	[sflag:s14] =	ssyncset.done $0x0  }
0x8e: {  	s18 =	simm.s32 $0x2030;
	[sflag:s14] =	ssyncadd.s32 $0xFFFFE000  }
0x8f: {  	v4 =	vld [tilespmem:s18+$0x0];
	_ =	sdelay $0x4  }
0x90: {  	v4 =	vmul.f32 $8.000000000e+00, v4;
	_ =	sdelay $0x1  }
0x91: {  	v5 =	vld [tilespmem:s18+$0xFFFFFFF0];
	v6 =	vadd.f32 $3.200000000e+01, v4  }
0x92: {  	v7 =	vld [tilespmem:s18+$0xFFFFFFE0]  }
0x93: {  	v4 =	vmax.f32 v6, $0.0e+00  }
0x94: {  	v4 =	vmin.f32 v4, $6.300000000e+01  }
0x95: {  	v4 =	vtrunc.f32 v4  }
0x96: {  	v8 =	vld [tilespmem:s18+$0xFFFFFFD0];
	v5 =	vmul.f32 $8.000000000e+00, v5;
	v4 =	vcvt.f32.s32 v4  }
0x97: {  	v7 =	vmul.f32 $8.000000000e+00, v7  }
0x98: {  	v5 =	vadd.f32 $3.200000000e+01, v5;
	v9 =	vcvt.s32.f32 v4  }
0x99: {  	v10 =	vadd.f32 $3.200000000e+01, v7  }
0x9a: {  	v7 =	vmax.f32 v5, $0.0e+00;
	v6 =	vsub.f32 v9, v6  }
0x9b: {  	v8 =	vmul.f32 $8.000000000e+00, v8;
	v7 =	vmin.f32 v7, $6.300000000e+01;
	v9 =	vmax.f32 v10, $0.0e+00  }
0x9c: {  	v7 =	vtrunc.f32 v7;
	v9 =	vmin.f32 v9, $6.300000000e+01;
	v6 =	vmul.f32 $1.250000000e+01, v6  }
0x9d: {  	v7 =	vcvt.f32.s32 v7;
	v9 =	vtrunc.f32 v9  }
0x9e: {  	v8 =	vadd.f32 $3.200000000e+01, v8;
	v11 =	vmul.f32 $1.442695020e+00, v6;
	v6 =	vcvt.f32.s32 v9  }
0x9f: {  	v9 =	vcvt.s32.f32 v7  }
0xa0: {  	s31 =	simm.s32 $0x2070;
	(erf) = vpow2.f32 v11;
	v11 =	vmax.f32 v8, $0.0e+00;
	v12 =	vcvt.s32.f32 v6  }
0xa1: {  	v13 =	vld [tilespmem:s31+$0x0];
	v9 =	vsub.f32 v9, v5;
	v11 =	vmin.f32 v11, $6.300000000e+01  }
0xa2: {  	v14 =	vld [tilespmem:s31+$0xFFFFFFE0];
	v5 =	vtrunc.f32 v11;
	v10 =	vsub.f32 v12, v10  }
0xa3: {  	v9 =	vmul.f32 $1.250000000e+01, v9;
	v11 =	vld [tilespmem:s31+$0xFFFFFFF0];
	v5 =	vcvt.f32.s32 v5  }
0xa4: {  	v15 =	vld [tilespmem:s31+$0xFFFFFFD0];
	v10 =	vmul.f32 $1.250000000e+01, v10  }
0xa5: {  	v9 =	vmul.f32 $1.442695020e+00, v9;
	v12 =	vcvt.s32.f32 v5  }
0xa6: {  	v13 =	vmul.f32 $8.000000000e+00, v13;
	v10 =	vmul.f32 $1.442695020e+00, v10  }
0xa7: {  	(erf) = vpow2.f32 v9;
	v8 =	vsub.f32 v12, v8;
	v12 =	vmul.f32 $8.000000000e+00, v14  }
0xa8: {  	(erf) = vpow2.f32 v10;
	v10 =	vmul.f32 $8.000000000e+00, v11;
	v11 =	vadd.f32 $3.200000000e+01, v13  }
0xa9: {  	v15 =	vmul.f32 $8.000000000e+00, v15;
	v8 =	vmul.f32 $1.250000000e+01, v8  }
0xaa: {  	v9 =	vpop (erf);
	v23 =	vadd.f32 $3.200000000e+01, v12;
	v14 =	vadd.f32 $3.200000000e+01, v10;
	v10 =	vmax.f32 v11, $0.0e+00  }
0xab: {  	v13 =	vadd.f32 $1.000000000e+00, v9;
	v9 =	vmul.f32 $2.683372810e+05, v9;
	v10 =	vmin.f32 v10, $6.300000000e+01  }
0xac: {  	v8 =	vmul.f32 $1.442695020e+00, v8;
	v12 =	vmax.f32 v14, $0.0e+00;
	v10 =	vtrunc.f32 v10  }
0xad: {  	v9 =	vadd.f32 $1.000000000e+00, v9;
	v16 =	vmin.f32 v12, $6.300000000e+01;
	v12 =	vcvt.f32.s32 v10  }
0xae: {  	v10 =	vmax.f32 v23, $0.0e+00;
	(erf) = vpow2.f32 v8;
	v16 =	vtrunc.f32 v16  }
0xaf: {  	v8 =	vmin.f32 v10, $6.300000000e+01;
	(erf) = vrcp.f32 v13;
	v10 =	vcvt.s32.f32 v12  }
0xb0: {  	v13 =	vadd.f32 $3.200000000e+01, v15;
	v17 =	vpop (erf);
	v8 =	vtrunc.f32 v8;
	(erf) = vrcp.f32 v9  }
0xb1: {  	v8 =	vcvt.f32.s32 v8;
	v15 =	vmul.f32 $2.683372810e+05, v17;
	v11 =	vsub.f32 v10, v11  }
0xb2: {  	v18 =	vmax.f32 v13, $0.0e+00;
	v17 =	vadd.f32 $1.000000000e+00, v17;
	v9 =	vpop (erf);
	v10 =	vcvt.f32.s32 v16  }
0xb3: {  	v18 =	vmin.f32 v18, $6.300000000e+01;
	v19 =	vadd.f32 $1.000000000e+00, v9;
	v11 =	vmul.f32 $1.250000000e+01, v11  }
0xb4: {  	v25 =	vadd.f32 $1.000000000e+00, v15;
	v15 =	vmul.f32 $2.683372810e+05, v9;
	v26 =	vcvt.s32.f32 v8  }
0xb5: {  	v16 =	vadd.s32 v0, v4;
	(erf) = vrcp.f32 v19;
	v24 =	vmul.f32 $1.442695020e+00, v11  }
0xb6: {  	v9 =	vadd.s32 v3, v6;
	v11 =	vtrunc.f32 v18;
	v18 =	vcvt.s32.f32 v10  }
0xb7: {  	v19 =	vadd.f32 $1.000000000e+00, v15;
	(erf) = vrcp.f32 v17;
	v11 =	vcvt.f32.s32 v11;
	v22 =	vpop (erf)  }
0xb8: {  	v15 =	vadd.s32 v2, v4;
	v23 =	vsub.f32 v26, v23;
	v27 =	vsub.f32 v18, v14;
	v21 =	vpop (erf)  }
0xb9: {  	(erf) = vpow2.f32 v24;
	v17 =	vcvt.s32.f32 v11;
	v18 =	vsub.f32 $1.000000000e+00, v21  }
0xba: {  	s19 =	simm.s32 $0x20B0;
	s18 =	simm.s32 $0x2040;
	v20 =	vadd.f32 $1.000000000e+00, v22;
	v14 =	vpop (erf);
	(erf) = vrcp.f32 v25;
	v24 =	vmul.f32 $1.250000000e+01, v27  }
.LBB2_6:
0xbb: {  	s18 =	sadd.s32 $0x40, s18;
	v22 =	vmul.f32 $2.683372810e+05, v22;
	v21 =	vsub.f32 v21, v14;
	[tilespmem:v16+s13+$0x0] =	vst.idx.add.f32.msk $0xffff, v18;
	(erf) = vrcp.f32 v19  }
0xbc: {  	v16 =	vld [tilespmem:s19+$0xFFFFFFF0];
	p0 =	slt.u32 s18, $0x3FC0;
	v18 =	vmul.f32 $1.250000000e+01, v23;
	v19 =	vmul.f32 $1.442695020e+00, v24;
	v23 =	vadd.s32 v0, v6  }
0xbd: {  	v25 =	vadd.s32 v3, v4;
	v4 =	vmovc v12;
	v24 =	vld [tilespmem:s19+$0x0];
	v22 =	vadd.f32 $1.000000000e+00, v22;
	(erf) = vrcp.f32 v20  }
0xbe: {  	v12 =	vmul.f32 $1.442695020e+00, v18;
	(erf) = vpow2.f32 v19;
	v18 =	vadd.s32 v3, v7;
	[tilespmem:v15+s13+$0x0] =	vst.idx.add.f32.msk $0xffff, v21;
	v15 =	vpop (erf)  }
0xbf: {  	v21 =	vadd.s32 v2, v7;
	v19 =	vld [tilespmem:s19+$0xFFFFFFE0];
	v20 =	vsub.f32 $1.000000000e+00, v15;
	(erf) = vrcp.f32 v22  }
0xc0: {  	v29 =	vsub.f32 v17, v13;
	v17 =	vadd.s32 v3, v5;
	v26 =	vadd.s32 v0, v7;
	v22 =	vld [tilespmem:s19+$0xFFFFFFD0];
	v27 =	vpop (erf)  }
0xc1: {  	v28 =	vadd.s32 v2, v5;
	(erf) = vpow2.f32 v12;
	[tilespmem:v23+s13+$0x0] =	vst.idx.add.f32.msk $0xffff, v20;
	v12 =	vadd.s32 v2, v6  }
0xc2: {  	v31 =	vmul.f32 $1.250000000e+01, v29;
	v20 =	vsub.f32 $1.000000000e+00, v27;
	v30 =	vmul.f32 $8.000000000e+00, v24;
	v13 =	vpop (erf);
	[tilespmem:v25+s13+$0x0] =	vst.idx.add.f32.msk $0xffff, v14  }
0xc3: {  	v5 =	vadd.s32 v0, v5;
	v14 =	vadd.f32 $1.000000000e+00, v13;
	v32 =	vmul.f32 $2.683372810e+05, v13;
	v23 =	vpop (erf)  }
0xc4: {  	v33 =	vmul.f32 $8.000000000e+00, v16;
	v25 =	vmul.f32 $1.442695020e+00, v31;
	v24 =	vadd.f32 $3.200000000e+01, v30;
	v29 =	vpop (erf)  }
0xc5: {  	v7 =	vmovc v10;
	v6 =	vmovc v8;
	v19 =	vmul.f32 $8.000000000e+00, v19;
	v22 =	vmul.f32 $8.000000000e+00, v22;
	v15 =	vsub.f32 v15, v29  }
0xc6: {  	v30 =	vadd.f32 $3.200000000e+01, v33;
	v10 =	vadd.f32 $1.000000000e+00, v32;
	v8 =	vmax.f32 v24, $0.0e+00;
	v13 =	vpop (erf)  }
0xc7: {  	v31 =	vadd.f32 $3.200000000e+01, v19;
	v8 =	vmin.f32 v8, $6.300000000e+01;
	v16 =	vpop (erf);
	v19 =	vsub.f32 $1.000000000e+00, v13;
	[tilespmem:v12+s13+$0x0] =	vst.idx.add.f32.msk $0xffff, v15  }
0xc8: {  	v12 =	vmax.f32 v30, $0.0e+00;
	v15 =	vsub.f32 v27, v23;
	v8 =	vtrunc.f32 v8;
	[tilespmem:v26+s13+$0x0] =	vst.idx.add.f32.msk $0xffff, v20;
	v20 =	vpop (erf)  }
0xc9: {  	v26 =	vmin.f32 v12, $6.300000000e+01;
	v12 =	vcvt.f32.s32 v8;
	v8 =	vsub.f32 v13, v20;
	[tilespmem:v5+s13+$0x0] =	vst.idx.add.f32.msk $0xffff, v19;
	v5 =	vmovc v11  }
0xca: {  	v11 =	vmax.f32 v31, $0.0e+00;
	v19 =	vtrunc.f32 v26;
	(erf) = vpow2.f32 v25;
	v25 =	vpop (erf);
	[tilespmem:v21+s13+$0x0] =	vst.idx.add.f32.msk $0xffff, v15  }
0xcb: {  	v11 =	vmin.f32 v11, $6.300000000e+01;
	v15 =	vcvt.s32.f32 v12;
	(erf) = vrcp.f32 v14;
	[tilespmem:v28+s13+$0x0] =	vst.idx.add.f32.msk $0xffff, v8  }
0xcc: {  	v13 =	vadd.f32 $3.200000000e+01, v22;
	v8 =	vtrunc.f32 v11;
	(erf) = vrcp.f32 v10;
	[tilespmem:v18+s13+$0x0] =	vst.idx.add.f32.msk $0xffff, v23  }
0xcd: {  	v14 =	vmul.f32 $2.683372810e+05, v16;
	v8 =	vcvt.f32.s32 v8;
	v11 =	vsub.f32 v15, v24;
	[tilespmem:v9+s13+$0x0] =	vst.idx.add.f32.msk $0xffff, v29  }
0xce: {  	v10 =	vcvt.f32.s32 v19;
	v9 =	vmax.f32 v13, $0.0e+00;
	v15 =	vadd.f32 $1.000000000e+00, v25;
	[tilespmem:v17+s13+$0x0] =	vst.idx.add.f32.msk $0xffff, v20  }
0xcf: {  	v26 =	vadd.f32 $1.000000000e+00, v14;
	v17 =	vmin.f32 v9, $6.300000000e+01;
	v11 =	vmul.f32 $1.250000000e+01, v11  }
0xd0: {  	v18 =	vadd.f32 $1.000000000e+00, v16;
	v14 =	vmul.f32 $2.683372810e+05, v25;
	v9 =	vadd.s32 v3, v6  }
0xd1: {  	v16 =	vadd.s32 v0, v4;
	v23 =	vmul.f32 $1.442695020e+00, v11;
	(erf) = vrcp.f32 v15  }
.Ltmp2:
0xd2: {  	v19 =	vadd.f32 $1.000000000e+00, v14;
	v11 =	vtrunc.f32 v17;
	v17 =	vcvt.s32.f32 v10;
	(pc) =	sbr.rel @p0 .LBB2_6-.Ltmp2, $4  }
0xd3: {  	v15 =	vadd.s32 v2, v4;
	v11 =	vcvt.f32.s32 v11;
	v22 =	vpop (erf);
	(erf) = vrcp.f32 v18  }
0xd4: {  	v24 =	vcvt.s32.f32 v8;
	v25 =	vsub.f32 v17, v30;
	v20 =	vadd.f32 $1.000000000e+00, v22;
	v21 =	vpop (erf)  }
0xd5: {  	v17 =	vcvt.s32.f32 v11;
	(erf) = vpow2.f32 v23;
	v18 =	vsub.f32 $1.000000000e+00, v21;
	v14 =	vpop (erf)  }
0xd6: {  	s19 =	sadd.s32 $0x40, s19;
	v23 =	vsub.f32 v24, v31;
	v24 =	vmul.f32 $1.250000000e+01, v25;
	(erf) = vrcp.f32 v26  }
0xd7: {  	v22 =	vmul.f32 $2.683372810e+05, v22;
	(erf) = vrcp.f32 v19  }
0xd8: {  	v19 =	vmul.f32 $1.250000000e+01, v23;
	v23 =	vmul.f32 $1.442695020e+00, v24  }
0xd9: {  	(erf) = vrcp.f32 v20;
	v22 =	vadd.f32 $1.000000000e+00, v22  }
0xda: {  	v13 =	vsub.f32 v17, v13;
	v19 =	vmul.f32 $1.442695020e+00, v19;
	(erf) = vpow2.f32 v23  }
0xdb: {  	(erf) = vrcp.f32 v22  }
0xdc: {  	v13 =	vmul.f32 $1.250000000e+01, v13;
	(erf) = vpow2.f32 v19  }
0xdd: {  	v17 =	vpop (erf)  }
0xde: {  	v13 =	vmul.f32 $1.442695020e+00, v13;
	v19 =	vpop (erf)  }
0xdf: {  	v20 =	vpop (erf)  }
0xe0: {  	(erf) = vpow2.f32 v13;
	v22 =	vpop (erf)  }
0xe1: {  	v4 =	vadd.s32 v3, v4;
	v23 =	vpop (erf)  }
0xe2: {  	v26 =	vadd.s32 v3, v7;
	v29 =	vadd.s32 v2, v7;
	v24 =	vmul.f32 $2.683372810e+05, v20;
	v25 =	vpop (erf)  }
0xe3: {  	v7 =	vadd.s32 v0, v7;
	[tilespmem:v16+s13+$0x0] =	vst.idx.add.f32.msk $0xffff, v18;
	v16 =	vadd.s32 v2, v5;
	v20 =	vadd.f32 $1.000000000e+00, v20;
	v27 =	vpop (erf)  }
0xe4: {  	v13 =	vsub.f32 v21, v14;
	v21 =	vadd.s32 v0, v6;
	v24 =	vadd.f32 $1.000000000e+00, v24;
	v30 =	vpop (erf)  }
0xe5: {  	v28 =	vsub.f32 $1.000000000e+00, v17;
	v6 =	vadd.s32 v2, v6;
	(erf) = vrcp.f32 v20;
	v31 =	vpop (erf)  }
0xe6: {  	(erf) = vrcp.f32 v24;
	v20 =	vmul.f32 $2.683372810e+05, v27;
	v24 =	vadd.f32 $1.000000000e+00, v31  }
0xe7: {  	[tilespmem:v15+s13+$0x0] =	vst.idx.add.f32.msk $0xffff, v13;
	v13 =	vadd.s32 v0, v5;
	v27 =	vadd.f32 $1.000000000e+00, v27;
	v18 =	vmul.f32 $2.683372810e+05, v31  }
0xe8: {  	[tilespmem:v4+s13+$0x0] =	vst.idx.add.f32.msk $0xffff, v14;
	v17 =	vsub.f32 v17, v23;
	v15 =	vadd.f32 $1.000000000e+00, v20;
	(erf) = vrcp.f32 v24  }
0xe9: {  	[tilespmem:v21+s13+$0x0] =	vst.idx.add.f32.msk $0xffff, v28;
	v4 =	vsub.f32 $1.000000000e+00, v25;
	v14 =	vpop (erf);
	v18 =	vadd.f32 $1.000000000e+00, v18;
	(erf) = vrcp.f32 v27  }
0xea: {  	[tilespmem:v6+s13+$0x0] =	vst.idx.add.f32.msk $0xffff, v17;
	v6 =	vadd.f32 $1.000000000e+00, v14;
	v14 =	vmul.f32 $2.683372810e+05, v14;
	(erf) = vrcp.f32 v15  }
0xeb: {  	v5 =	vadd.s32 v3, v5;
	v20 =	vsub.f32 $1.000000000e+00, v19;
	(erf) = vrcp.f32 v18  }
0xec: {  	[tilespmem:v13+s13+$0x0] =	vst.idx.add.f32.msk $0xffff, v4;
	v4 =	vadd.f32 $1.000000000e+00, v14  }
0xed: {  	[tilespmem:v7+s13+$0x0] =	vst.idx.add.f32.msk $0xffff, v20;
	v7 =	vsub.f32 v25, v30;
	v15 =	vsub.f32 v19, v22;
	(erf) = vrcp.f32 v6  }
0xee: {  	[tilespmem:v9+s13+$0x0] =	vst.idx.add.f32.msk $0xffff, v23;
	v6 =	vadd.s32 v0, v12  }
0xef: {  	[tilespmem:v16+s13+$0x0] =	vst.idx.add.f32.msk $0xffff, v7;
	v7 =	vadd.s32 v2, v12;
	v13 =	vpop (erf);
	(erf) = vrcp.f32 v4  }
0xf0: {  	v14 =	vadd.s32 v0, v8;
	[tilespmem:v5+s13+$0x0] =	vst.idx.add.f32.msk $0xffff, v30;
	v4 =	vpop (erf)  }
0xf1: {  	[tilespmem:v29+s13+$0x0] =	vst.idx.add.f32.msk $0xffff, v15;
	v9 =	vsub.f32 $1.000000000e+00, v13;
	v12 =	vadd.s32 v3, v12;
	v15 =	vpop (erf)  }
0xf2: {  	v16 =	vadd.s32 v2, v8;
	[tilespmem:v26+s13+$0x0] =	vst.idx.add.f32.msk $0xffff, v22;
	v5 =	vsub.f32 v13, v4;
	v13 =	vpop (erf)  }
0xf3: {  	[tilespmem:v6+s13+$0x0] =	vst.idx.add.f32.msk $0xffff, v9;
	v9 =	vadd.s32 v0, v10;
	v6 =	vsub.f32 $1.000000000e+00, v15;
	v17 =	vpop (erf)  }
0xf4: {  	[tilespmem:v7+s13+$0x0] =	vst.idx.add.f32.msk $0xffff, v5;
	v5 =	vadd.s32 v0, v11;
	v7 =	vpop (erf)  }
0xf5: {  	v18 =	vadd.s32 v2, v10;
	[tilespmem:v14+s13+$0x0] =	vst.idx.add.f32.msk $0xffff, v6;
	v6 =	vsub.f32 v15, v7  }
0xf6: {  	[tilespmem:v12+s13+$0x0] =	vst.idx.add.f32.msk $0xffff, v4;
	v14 =	vadd.s32 v2, v11;
	v15 =	vsub.f32 $1.000000000e+00, v13;
	v4 =	vpop (erf)  }
0xf7: {  	v10 =	vadd.s32 v3, v10;
	v11 =	vadd.s32 v3, v11;
	v12 =	vsub.f32 $1.000000000e+00, v4;
	[tilespmem:v16+s13+$0x0] =	vst.idx.add.f32.msk $0xffff, v6  }
0xf8: {  	v6 =	vadd.s32 v3, v8;
	v8 =	vsub.f32 v13, v17;
	[tilespmem:v9+s13+$0x0] =	vst.idx.add.f32.msk $0xffff, v15;
	v9 =	vpop (erf)  }
0xf9: {  	v4 =	vsub.f32 v4, v9;
	[tilespmem:v5+s13+$0x0] =	vst.idx.add.f32.msk $0xffff, v12  }
0xfa: {  	[tilespmem:v18+s13+$0x0] =	vst.idx.add.f32.msk $0xffff, v8  }
0xfb: {  	[tilespmem:v14+s13+$0x0] =	vst.idx.add.f32.msk $0xffff, v4  }
0xfc: {  	[tilespmem:v10+s13+$0x0] =	vst.idx.add.f32.msk $0xffff, v17  }
0xfd: {  	[tilespmem:v11+s13+$0x0] =	vst.idx.add.f32.msk $0xffff, v9  }
0xfe: {  	[tilespmem:v6+s13+$0x0] =	vst.idx.add.f32.msk $0xffff, v7  }
0xff: {  	[tilespmem:s11], [sflag:$0x2] =	stream.linear.gather [hbm4b:s8+s2], $0x2000, $0x38;
	[tilespmem:$0x4500] =	vst v63  }
0x100: {  	_ =	swait.ge [sflag:s12], $0x2000  }
0x101: {  	[sflag:s12] =	ssyncset.done $0x0  }
0x102: {  	s18 =	simm.s32 $0x20;
	[sflag:s12] =	ssyncadd.s32 $0xFFFFE000  }
0x103: {  	v4 =	vld [tilespmem:s18+$0x10];
	_ =	sdelay $0x4  }
0x104: {  	v4 =	vmul.f32 $8.000000000e+00, v4;
	_ =	sdelay $0x1  }
0x105: {  	v5 =	vld [tilespmem:s18+$0x0];
	v6 =	vadd.f32 $3.200000000e+01, v4  }
0x106: {  	v7 =	vld [tilespmem:s18+$0xFFFFFFF0]  }
0x107: {  	v4 =	vmax.f32 v6, $0.0e+00  }
0x108: {  	v4 =	vmin.f32 v4, $6.300000000e+01  }
0x109: {  	v4 =	vtrunc.f32 v4  }
0x10a: {  	v8 =	vld [tilespmem:s18+$0xFFFFFFE0];
	v5 =	vmul.f32 $8.000000000e+00, v5;
	v4 =	vcvt.f32.s32 v4  }
0x10b: {  	v7 =	vmul.f32 $8.000000000e+00, v7  }
0x10c: {  	v5 =	vadd.f32 $3.200000000e+01, v5;
	v9 =	vcvt.s32.f32 v4  }
0x10d: {  	v10 =	vadd.f32 $3.200000000e+01, v7  }
0x10e: {  	v7 =	vmax.f32 v5, $0.0e+00;
	v6 =	vsub.f32 v9, v6  }
0x10f: {  	v8 =	vmul.f32 $8.000000000e+00, v8;
	v7 =	vmin.f32 v7, $6.300000000e+01;
	v9 =	vmax.f32 v10, $0.0e+00  }
0x110: {  	v7 =	vtrunc.f32 v7;
	v9 =	vmin.f32 v9, $6.300000000e+01;
	v6 =	vmul.f32 $1.250000000e+01, v6  }
0x111: {  	v7 =	vcvt.f32.s32 v7;
	v9 =	vtrunc.f32 v9  }
0x112: {  	v8 =	vadd.f32 $3.200000000e+01, v8;
	v11 =	vmul.f32 $1.442695020e+00, v6;
	v6 =	vcvt.f32.s32 v9  }
0x113: {  	v9 =	vcvt.s32.f32 v7  }
0x114: {  	s31 =	simm.s32 $0x60;
	(erf) = vpow2.f32 v11;
	v11 =	vmax.f32 v8, $0.0e+00;
	v12 =	vcvt.s32.f32 v6  }
0x115: {  	v13 =	vld [tilespmem:s31+$0x10];
	v9 =	vsub.f32 v9, v5;
	v11 =	vmin.f32 v11, $6.300000000e+01  }
0x116: {  	v14 =	vld [tilespmem:s31+$0xFFFFFFF0];
	v5 =	vtrunc.f32 v11;
	v10 =	vsub.f32 v12, v10  }
0x117: {  	v9 =	vmul.f32 $1.250000000e+01, v9;
	v11 =	vld [tilespmem:s31+$0x0];
	v5 =	vcvt.f32.s32 v5  }
0x118: {  	v15 =	vld [tilespmem:s31+$0xFFFFFFE0];
	v10 =	vmul.f32 $1.250000000e+01, v10  }
0x119: {  	v9 =	vmul.f32 $1.442695020e+00, v9;
	v12 =	vcvt.s32.f32 v5  }
0x11a: {  	v13 =	vmul.f32 $8.000000000e+00, v13;
	v10 =	vmul.f32 $1.442695020e+00, v10  }
0x11b: {  	(erf) = vpow2.f32 v9;
	v8 =	vsub.f32 v12, v8;
	v12 =	vmul.f32 $8.000000000e+00, v14  }
0x11c: {  	(erf) = vpow2.f32 v10;
	v10 =	vmul.f32 $8.000000000e+00, v11;
	v11 =	vadd.f32 $3.200000000e+01, v13  }
0x11d: {  	v15 =	vmul.f32 $8.000000000e+00, v15;
	v8 =	vmul.f32 $1.250000000e+01, v8  }
0x11e: {  	v9 =	vpop (erf);
	v23 =	vadd.f32 $3.200000000e+01, v12;
	v14 =	vadd.f32 $3.200000000e+01, v10;
	v10 =	vmax.f32 v11, $0.0e+00  }
0x11f: {  	v13 =	vadd.f32 $1.000000000e+00, v9;
	v9 =	vmul.f32 $2.683372810e+05, v9;
	v10 =	vmin.f32 v10, $6.300000000e+01  }
0x120: {  	v8 =	vmul.f32 $1.442695020e+00, v8;
	v12 =	vmax.f32 v14, $0.0e+00;
	v10 =	vtrunc.f32 v10  }
0x121: {  	v9 =	vadd.f32 $1.000000000e+00, v9;
	v16 =	vmin.f32 v12, $6.300000000e+01;
	v12 =	vcvt.f32.s32 v10  }
0x122: {  	v10 =	vmax.f32 v23, $0.0e+00;
	(erf) = vpow2.f32 v8;
	v16 =	vtrunc.f32 v16  }
0x123: {  	v8 =	vmin.f32 v10, $6.300000000e+01;
	(erf) = vrcp.f32 v13;
	v10 =	vcvt.s32.f32 v12  }
0x124: {  	v13 =	vadd.f32 $3.200000000e+01, v15;
	v17 =	vpop (erf);
	v8 =	vtrunc.f32 v8;
	(erf) = vrcp.f32 v9  }
0x125: {  	v8 =	vcvt.f32.s32 v8;
	v15 =	vmul.f32 $2.683372810e+05, v17;
	v11 =	vsub.f32 v10, v11  }
0x126: {  	v18 =	vmax.f32 v13, $0.0e+00;
	v17 =	vadd.f32 $1.000000000e+00, v17;
	v9 =	vpop (erf);
	v10 =	vcvt.f32.s32 v16  }
0x127: {  	v18 =	vmin.f32 v18, $6.300000000e+01;
	v19 =	vadd.f32 $1.000000000e+00, v9;
	v11 =	vmul.f32 $1.250000000e+01, v11  }
0x128: {  	v25 =	vadd.f32 $1.000000000e+00, v15;
	v15 =	vmul.f32 $2.683372810e+05, v9;
	v26 =	vcvt.s32.f32 v8  }
0x129: {  	v16 =	vadd.s32 v0, v4;
	(erf) = vrcp.f32 v19;
	v24 =	vmul.f32 $1.442695020e+00, v11  }
0x12a: {  	v9 =	vadd.s32 v3, v6;
	v11 =	vtrunc.f32 v18;
	v18 =	vcvt.s32.f32 v10  }
0x12b: {  	v19 =	vadd.f32 $1.000000000e+00, v15;
	(erf) = vrcp.f32 v17;
	v11 =	vcvt.f32.s32 v11;
	v22 =	vpop (erf)  }
0x12c: {  	v15 =	vadd.s32 v2, v4;
	v23 =	vsub.f32 v26, v23;
	v27 =	vsub.f32 v18, v14;
	v21 =	vpop (erf)  }
0x12d: {  	(erf) = vpow2.f32 v24;
	v17 =	vcvt.s32.f32 v11;
	v18 =	vsub.f32 $1.000000000e+00, v21  }
0x12e: {  	s19 =	simm.s32 $0xA0;
	s18 =	simm.s32 $0x40;
	v20 =	vadd.f32 $1.000000000e+00, v22;
	v14 =	vpop (erf);
	(erf) = vrcp.f32 v25;
	v24 =	vmul.f32 $1.250000000e+01, v27  }
.LBB2_8:
0x12f: {  	s18 =	sadd.s32 $0x40, s18;
	v22 =	vmul.f32 $2.683372810e+05, v22;
	v21 =	vsub.f32 v21, v14;
	[tilespmem:v16+s13+$0x0] =	vst.idx.add.f32.msk $0xffff, v18;
	(erf) = vrcp.f32 v19  }
0x130: {  	v16 =	vld [tilespmem:s19+$0x0];
	p0 =	slt.u32 s18, $0x1FC0;
	v18 =	vmul.f32 $1.250000000e+01, v23;
	v19 =	vmul.f32 $1.442695020e+00, v24;
	v23 =	vadd.s32 v0, v6  }
0x131: {  	v25 =	vadd.s32 v3, v4;
	v4 =	vmovc v12;
	v24 =	vld [tilespmem:s19+$0x10];
	v22 =	vadd.f32 $1.000000000e+00, v22;
	(erf) = vrcp.f32 v20  }
0x132: {  	v12 =	vmul.f32 $1.442695020e+00, v18;
	(erf) = vpow2.f32 v19;
	v18 =	vadd.s32 v3, v7;
	[tilespmem:v15+s13+$0x0] =	vst.idx.add.f32.msk $0xffff, v21;
	v15 =	vpop (erf)  }
0x133: {  	v21 =	vadd.s32 v2, v7;
	v19 =	vld [tilespmem:s19+$0xFFFFFFF0];
	v20 =	vsub.f32 $1.000000000e+00, v15;
	(erf) = vrcp.f32 v22  }
0x134: {  	v29 =	vsub.f32 v17, v13;
	v17 =	vadd.s32 v3, v5;
	v26 =	vadd.s32 v0, v7;
	v22 =	vld [tilespmem:s19+$0xFFFFFFE0];
	v27 =	vpop (erf)  }
0x135: {  	v28 =	vadd.s32 v2, v5;
	(erf) = vpow2.f32 v12;
	[tilespmem:v23+s13+$0x0] =	vst.idx.add.f32.msk $0xffff, v20;
	v12 =	vadd.s32 v2, v6  }
0x136: {  	v31 =	vmul.f32 $1.250000000e+01, v29;
	v20 =	vsub.f32 $1.000000000e+00, v27;
	v30 =	vmul.f32 $8.000000000e+00, v24;
	v13 =	vpop (erf);
	[tilespmem:v25+s13+$0x0] =	vst.idx.add.f32.msk $0xffff, v14  }
0x137: {  	v5 =	vadd.s32 v0, v5;
	v14 =	vadd.f32 $1.000000000e+00, v13;
	v32 =	vmul.f32 $2.683372810e+05, v13;
	v23 =	vpop (erf)  }
0x138: {  	v33 =	vmul.f32 $8.000000000e+00, v16;
	v25 =	vmul.f32 $1.442695020e+00, v31;
	v24 =	vadd.f32 $3.200000000e+01, v30;
	v29 =	vpop (erf)  }
0x139: {  	v7 =	vmovc v10;
	v6 =	vmovc v8;
	v19 =	vmul.f32 $8.000000000e+00, v19;
	v22 =	vmul.f32 $8.000000000e+00, v22;
	v15 =	vsub.f32 v15, v29  }
0x13a: {  	v30 =	vadd.f32 $3.200000000e+01, v33;
	v10 =	vadd.f32 $1.000000000e+00, v32;
	v8 =	vmax.f32 v24, $0.0e+00;
	v13 =	vpop (erf)  }
0x13b: {  	v31 =	vadd.f32 $3.200000000e+01, v19;
	v8 =	vmin.f32 v8, $6.300000000e+01;
	v16 =	vpop (erf);
	v19 =	vsub.f32 $1.000000000e+00, v13;
	[tilespmem:v12+s13+$0x0] =	vst.idx.add.f32.msk $0xffff, v15  }
0x13c: {  	v12 =	vmax.f32 v30, $0.0e+00;
	v15 =	vsub.f32 v27, v23;
	v8 =	vtrunc.f32 v8;
	[tilespmem:v26+s13+$0x0] =	vst.idx.add.f32.msk $0xffff, v20;
	v20 =	vpop (erf)  }
0x13d: {  	v26 =	vmin.f32 v12, $6.300000000e+01;
	v12 =	vcvt.f32.s32 v8;
	v8 =	vsub.f32 v13, v20;
	[tilespmem:v5+s13+$0x0] =	vst.idx.add.f32.msk $0xffff, v19;
	v5 =	vmovc v11  }
0x13e: {  	v11 =	vmax.f32 v31, $0.0e+00;
	v19 =	vtrunc.f32 v26;
	(erf) = vpow2.f32 v25;
	v25 =	vpop (erf);
	[tilespmem:v21+s13+$0x0] =	vst.idx.add.f32.msk $0xffff, v15  }
0x13f: {  	v11 =	vmin.f32 v11, $6.300000000e+01;
	v15 =	vcvt.s32.f32 v12;
	(erf) = vrcp.f32 v14;
	[tilespmem:v28+s13+$0x0] =	vst.idx.add.f32.msk $0xffff, v8  }
0x140: {  	v13 =	vadd.f32 $3.200000000e+01, v22;
	v8 =	vtrunc.f32 v11;
	(erf) = vrcp.f32 v10;
	[tilespmem:v18+s13+$0x0] =	vst.idx.add.f32.msk $0xffff, v23  }
0x141: {  	v14 =	vmul.f32 $2.683372810e+05, v16;
	v8 =	vcvt.f32.s32 v8;
	v11 =	vsub.f32 v15, v24;
	[tilespmem:v9+s13+$0x0] =	vst.idx.add.f32.msk $0xffff, v29  }
0x142: {  	v10 =	vcvt.f32.s32 v19;
	v9 =	vmax.f32 v13, $0.0e+00;
	v15 =	vadd.f32 $1.000000000e+00, v25;
	[tilespmem:v17+s13+$0x0] =	vst.idx.add.f32.msk $0xffff, v20  }
0x143: {  	v26 =	vadd.f32 $1.000000000e+00, v14;
	v17 =	vmin.f32 v9, $6.300000000e+01;
	v11 =	vmul.f32 $1.250000000e+01, v11  }
0x144: {  	v18 =	vadd.f32 $1.000000000e+00, v16;
	v14 =	vmul.f32 $2.683372810e+05, v25;
	v9 =	vadd.s32 v3, v6  }
0x145: {  	v16 =	vadd.s32 v0, v4;
	v23 =	vmul.f32 $1.442695020e+00, v11;
	(erf) = vrcp.f32 v15  }
.Ltmp3:
0x146: {  	v19 =	vadd.f32 $1.000000000e+00, v14;
	v11 =	vtrunc.f32 v17;
	v17 =	vcvt.s32.f32 v10;
	(pc) =	sbr.rel @p0 .LBB2_8-.Ltmp3, $4  }
0x147: {  	v15 =	vadd.s32 v2, v4;
	v11 =	vcvt.f32.s32 v11;
	v22 =	vpop (erf);
	(erf) = vrcp.f32 v18  }
0x148: {  	v24 =	vcvt.s32.f32 v8;
	v25 =	vsub.f32 v17, v30;
	v20 =	vadd.f32 $1.000000000e+00, v22;
	v21 =	vpop (erf)  }
0x149: {  	v17 =	vcvt.s32.f32 v11;
	(erf) = vpow2.f32 v23;
	v18 =	vsub.f32 $1.000000000e+00, v21;
	v14 =	vpop (erf)  }
0x14a: {  	s19 =	sadd.s32 $0x40, s19;
	v23 =	vsub.f32 v24, v31;
	v24 =	vmul.f32 $1.250000000e+01, v25;
	(erf) = vrcp.f32 v26  }
0x14b: {  	v22 =	vmul.f32 $2.683372810e+05, v22;
	(erf) = vrcp.f32 v19  }
0x14c: {  	v19 =	vmul.f32 $1.250000000e+01, v23;
	v23 =	vmul.f32 $1.442695020e+00, v24  }
0x14d: {  	(erf) = vrcp.f32 v20;
	v22 =	vadd.f32 $1.000000000e+00, v22  }
0x14e: {  	v13 =	vsub.f32 v17, v13;
	v19 =	vmul.f32 $1.442695020e+00, v19;
	(erf) = vpow2.f32 v23  }
0x14f: {  	(erf) = vrcp.f32 v22  }
0x150: {  	v13 =	vmul.f32 $1.250000000e+01, v13;
	(erf) = vpow2.f32 v19  }
0x151: {  	v17 =	vpop (erf)  }
0x152: {  	v13 =	vmul.f32 $1.442695020e+00, v13;
	v19 =	vpop (erf)  }
0x153: {  	v20 =	vpop (erf)  }
0x154: {  	(erf) = vpow2.f32 v13;
	v22 =	vpop (erf)  }
0x155: {  	v4 =	vadd.s32 v3, v4;
	v23 =	vpop (erf)  }
0x156: {  	v26 =	vadd.s32 v3, v7;
	v29 =	vadd.s32 v2, v7;
	v24 =	vmul.f32 $2.683372810e+05, v20;
	v25 =	vpop (erf)  }
0x157: {  	v7 =	vadd.s32 v0, v7;
	[tilespmem:v16+s13+$0x0] =	vst.idx.add.f32.msk $0xffff, v18;
	v16 =	vadd.s32 v2, v5;
	v20 =	vadd.f32 $1.000000000e+00, v20;
	v27 =	vpop (erf)  }
0x158: {  	v13 =	vsub.f32 v21, v14;
	v21 =	vadd.s32 v0, v6;
	v24 =	vadd.f32 $1.000000000e+00, v24;
	v30 =	vpop (erf)  }
0x159: {  	v28 =	vsub.f32 $1.000000000e+00, v17;
	v6 =	vadd.s32 v2, v6;
	(erf) = vrcp.f32 v20;
	v31 =	vpop (erf)  }
0x15a: {  	(erf) = vrcp.f32 v24;
	v20 =	vmul.f32 $2.683372810e+05, v27;
	v24 =	vadd.f32 $1.000000000e+00, v31  }
0x15b: {  	[tilespmem:v15+s13+$0x0] =	vst.idx.add.f32.msk $0xffff, v13;
	v13 =	vadd.s32 v0, v5;
	v27 =	vadd.f32 $1.000000000e+00, v27;
	v18 =	vmul.f32 $2.683372810e+05, v31  }
0x15c: {  	[tilespmem:v4+s13+$0x0] =	vst.idx.add.f32.msk $0xffff, v14;
	v17 =	vsub.f32 v17, v23;
	v15 =	vadd.f32 $1.000000000e+00, v20;
	(erf) = vrcp.f32 v24  }
0x15d: {  	[tilespmem:v21+s13+$0x0] =	vst.idx.add.f32.msk $0xffff, v28;
	v4 =	vsub.f32 $1.000000000e+00, v25;
	v14 =	vpop (erf);
	v18 =	vadd.f32 $1.000000000e+00, v18;
	(erf) = vrcp.f32 v27  }
0x15e: {  	[tilespmem:v6+s13+$0x0] =	vst.idx.add.f32.msk $0xffff, v17;
	v6 =	vadd.f32 $1.000000000e+00, v14;
	v14 =	vmul.f32 $2.683372810e+05, v14;
	(erf) = vrcp.f32 v15  }
0x15f: {  	v5 =	vadd.s32 v3, v5;
	v20 =	vsub.f32 $1.000000000e+00, v19;
	(erf) = vrcp.f32 v18  }
0x160: {  	[tilespmem:v13+s13+$0x0] =	vst.idx.add.f32.msk $0xffff, v4;
	v4 =	vadd.f32 $1.000000000e+00, v14  }
0x161: {  	[tilespmem:v7+s13+$0x0] =	vst.idx.add.f32.msk $0xffff, v20;
	v7 =	vsub.f32 v25, v30;
	v15 =	vsub.f32 v19, v22;
	(erf) = vrcp.f32 v6  }
0x162: {  	[tilespmem:v9+s13+$0x0] =	vst.idx.add.f32.msk $0xffff, v23;
	v6 =	vadd.s32 v0, v12  }
0x163: {  	[tilespmem:v16+s13+$0x0] =	vst.idx.add.f32.msk $0xffff, v7;
	v7 =	vadd.s32 v2, v12;
	v13 =	vpop (erf);
	(erf) = vrcp.f32 v4  }
0x164: {  	v14 =	vadd.s32 v0, v8;
	[tilespmem:v5+s13+$0x0] =	vst.idx.add.f32.msk $0xffff, v30;
	v4 =	vpop (erf)  }
0x165: {  	[tilespmem:v29+s13+$0x0] =	vst.idx.add.f32.msk $0xffff, v15;
	v9 =	vsub.f32 $1.000000000e+00, v13;
	v12 =	vadd.s32 v3, v12;
	v15 =	vpop (erf)  }
0x166: {  	v16 =	vadd.s32 v2, v8;
	[tilespmem:v26+s13+$0x0] =	vst.idx.add.f32.msk $0xffff, v22;
	v5 =	vsub.f32 v13, v4;
	v13 =	vpop (erf)  }
0x167: {  	[tilespmem:v6+s13+$0x0] =	vst.idx.add.f32.msk $0xffff, v9;
	v9 =	vadd.s32 v0, v10;
	v6 =	vsub.f32 $1.000000000e+00, v15;
	v17 =	vpop (erf)  }
0x168: {  	[tilespmem:v7+s13+$0x0] =	vst.idx.add.f32.msk $0xffff, v5;
	v5 =	vadd.s32 v0, v11;
	v7 =	vpop (erf)  }
0x169: {  	v18 =	vadd.s32 v2, v10;
	[tilespmem:v14+s13+$0x0] =	vst.idx.add.f32.msk $0xffff, v6;
	v6 =	vsub.f32 v15, v7  }
0x16a: {  	[tilespmem:v12+s13+$0x0] =	vst.idx.add.f32.msk $0xffff, v4;
	v14 =	vadd.s32 v2, v11;
	v15 =	vsub.f32 $1.000000000e+00, v13;
	v4 =	vpop (erf)  }
0x16b: {  	v10 =	vadd.s32 v3, v10;
	v11 =	vadd.s32 v3, v11;
	v12 =	vsub.f32 $1.000000000e+00, v4;
	[tilespmem:v16+s13+$0x0] =	vst.idx.add.f32.msk $0xffff, v6  }
0x16c: {  	v6 =	vadd.s32 v3, v8;
	v8 =	vsub.f32 v13, v17;
	[tilespmem:v9+s13+$0x0] =	vst.idx.add.f32.msk $0xffff, v15;
	v9 =	vpop (erf)  }
0x16d: {  	v4 =	vsub.f32 v4, v9;
	[tilespmem:v5+s13+$0x0] =	vst.idx.add.f32.msk $0xffff, v12  }
0x16e: {  	[tilespmem:v18+s13+$0x0] =	vst.idx.add.f32.msk $0xffff, v8  }
0x16f: {  	[tilespmem:v14+s13+$0x0] =	vst.idx.add.f32.msk $0xffff, v4  }
0x170: {  	[tilespmem:v10+s13+$0x0] =	vst.idx.add.f32.msk $0xffff, v17  }
0x171: {  	[tilespmem:v11+s13+$0x0] =	vst.idx.add.f32.msk $0xffff, v9  }
0x172: {  	[tilespmem:v6+s13+$0x0] =	vst.idx.add.f32.msk $0xffff, v7  }
0x173: {  	[tilespmem:s2], [sflag:$0x1] =	stream.linear.gather [hbm4b:s9+s2], $0x2000, $0x38;
	[tilespmem:$0x4500] =	vst v63  }
0x174: {  	_ =	swait.ge [sflag:s14], $0x2000  }
0x175: {  	[sflag:s14] =	ssyncset.done $0x0  }
0x176: {  	s18 =	simm.s32 $0x2030;
	[sflag:s14] =	ssyncadd.s32 $0xFFFFE000  }
0x177: {  	v4 =	vld [tilespmem:s18+$0x0];
	_ =	sdelay $0x4  }
0x178: {  	v4 =	vmul.f32 $8.000000000e+00, v4;
	_ =	sdelay $0x1  }
0x179: {  	v5 =	vld [tilespmem:s18+$0xFFFFFFF0];
	v6 =	vadd.f32 $3.200000000e+01, v4  }
0x17a: {  	v7 =	vld [tilespmem:s18+$0xFFFFFFE0]  }
0x17b: {  	v4 =	vmax.f32 v6, $0.0e+00  }
0x17c: {  	v4 =	vmin.f32 v4, $6.300000000e+01  }
0x17d: {  	v4 =	vtrunc.f32 v4  }
0x17e: {  	v8 =	vld [tilespmem:s18+$0xFFFFFFD0];
	v5 =	vmul.f32 $8.000000000e+00, v5;
	v4 =	vcvt.f32.s32 v4  }
0x17f: {  	v7 =	vmul.f32 $8.000000000e+00, v7  }
0x180: {  	v5 =	vadd.f32 $3.200000000e+01, v5;
	v9 =	vcvt.s32.f32 v4  }
0x181: {  	v10 =	vadd.f32 $3.200000000e+01, v7  }
0x182: {  	v7 =	vmax.f32 v5, $0.0e+00;
	v6 =	vsub.f32 v9, v6  }
0x183: {  	v8 =	vmul.f32 $8.000000000e+00, v8;
	v7 =	vmin.f32 v7, $6.300000000e+01;
	v9 =	vmax.f32 v10, $0.0e+00  }
0x184: {  	v7 =	vtrunc.f32 v7;
	v9 =	vmin.f32 v9, $6.300000000e+01;
	v6 =	vmul.f32 $1.250000000e+01, v6  }
0x185: {  	v7 =	vcvt.f32.s32 v7;
	v9 =	vtrunc.f32 v9  }
0x186: {  	v8 =	vadd.f32 $3.200000000e+01, v8;
	v11 =	vmul.f32 $1.442695020e+00, v6;
	v6 =	vcvt.f32.s32 v9  }
0x187: {  	v9 =	vcvt.s32.f32 v7  }
0x188: {  	s31 =	simm.s32 $0x2070;
	(erf) = vpow2.f32 v11;
	v11 =	vmax.f32 v8, $0.0e+00;
	v12 =	vcvt.s32.f32 v6  }
0x189: {  	v13 =	vld [tilespmem:s31+$0x0];
	v9 =	vsub.f32 v9, v5;
	v11 =	vmin.f32 v11, $6.300000000e+01  }
0x18a: {  	v14 =	vld [tilespmem:s31+$0xFFFFFFE0];
	v5 =	vtrunc.f32 v11;
	v10 =	vsub.f32 v12, v10  }
0x18b: {  	v9 =	vmul.f32 $1.250000000e+01, v9;
	v11 =	vld [tilespmem:s31+$0xFFFFFFF0];
	v5 =	vcvt.f32.s32 v5  }
0x18c: {  	v15 =	vld [tilespmem:s31+$0xFFFFFFD0];
	v10 =	vmul.f32 $1.250000000e+01, v10  }
0x18d: {  	v9 =	vmul.f32 $1.442695020e+00, v9;
	v12 =	vcvt.s32.f32 v5  }
0x18e: {  	v13 =	vmul.f32 $8.000000000e+00, v13;
	v10 =	vmul.f32 $1.442695020e+00, v10  }
0x18f: {  	(erf) = vpow2.f32 v9;
	v8 =	vsub.f32 v12, v8;
	v12 =	vmul.f32 $8.000000000e+00, v14  }
0x190: {  	(erf) = vpow2.f32 v10;
	v10 =	vmul.f32 $8.000000000e+00, v11;
	v11 =	vadd.f32 $3.200000000e+01, v13  }
0x191: {  	v15 =	vmul.f32 $8.000000000e+00, v15;
	v8 =	vmul.f32 $1.250000000e+01, v8  }
0x192: {  	v9 =	vpop (erf);
	v23 =	vadd.f32 $3.200000000e+01, v12;
	v14 =	vadd.f32 $3.200000000e+01, v10;
	v10 =	vmax.f32 v11, $0.0e+00  }
0x193: {  	v13 =	vadd.f32 $1.000000000e+00, v9;
	v9 =	vmul.f32 $2.683372810e+05, v9;
	v10 =	vmin.f32 v10, $6.300000000e+01  }
0x194: {  	v8 =	vmul.f32 $1.442695020e+00, v8;
	v12 =	vmax.f32 v14, $0.0e+00;
	v10 =	vtrunc.f32 v10  }
0x195: {  	v9 =	vadd.f32 $1.000000000e+00, v9;
	v16 =	vmin.f32 v12, $6.300000000e+01;
	v12 =	vcvt.f32.s32 v10  }
0x196: {  	v10 =	vmax.f32 v23, $0.0e+00;
	(erf) = vpow2.f32 v8;
	v16 =	vtrunc.f32 v16  }
0x197: {  	v8 =	vmin.f32 v10, $6.300000000e+01;
	(erf) = vrcp.f32 v13;
	v10 =	vcvt.s32.f32 v12  }
0x198: {  	v13 =	vadd.f32 $3.200000000e+01, v15;
	v17 =	vpop (erf);
	v8 =	vtrunc.f32 v8;
	(erf) = vrcp.f32 v9  }
0x199: {  	v8 =	vcvt.f32.s32 v8;
	v15 =	vmul.f32 $2.683372810e+05, v17;
	v11 =	vsub.f32 v10, v11  }
0x19a: {  	v18 =	vmax.f32 v13, $0.0e+00;
	v17 =	vadd.f32 $1.000000000e+00, v17;
	v9 =	vpop (erf);
	v10 =	vcvt.f32.s32 v16  }
0x19b: {  	v18 =	vmin.f32 v18, $6.300000000e+01;
	v19 =	vadd.f32 $1.000000000e+00, v9;
	v11 =	vmul.f32 $1.250000000e+01, v11  }
0x19c: {  	v25 =	vadd.f32 $1.000000000e+00, v15;
	v15 =	vmul.f32 $2.683372810e+05, v9;
	v26 =	vcvt.s32.f32 v8  }
0x19d: {  	v16 =	vadd.s32 v0, v4;
	(erf) = vrcp.f32 v19;
	v24 =	vmul.f32 $1.442695020e+00, v11  }
0x19e: {  	v9 =	vadd.s32 v3, v6;
	v11 =	vtrunc.f32 v18;
	v18 =	vcvt.s32.f32 v10  }
0x19f: {  	v19 =	vadd.f32 $1.000000000e+00, v15;
	(erf) = vrcp.f32 v17;
	v11 =	vcvt.f32.s32 v11;
	v22 =	vpop (erf)  }
0x1a0: {  	v15 =	vadd.s32 v2, v4;
	v23 =	vsub.f32 v26, v23;
	v27 =	vsub.f32 v18, v14;
	v21 =	vpop (erf)  }
0x1a1: {  	(erf) = vpow2.f32 v24;
	v17 =	vcvt.s32.f32 v11;
	v18 =	vsub.f32 $1.000000000e+00, v21  }
0x1a2: {  	s19 =	simm.s32 $0x20B0;
	s18 =	simm.s32 $0x2040;
	v20 =	vadd.f32 $1.000000000e+00, v22;
	v14 =	vpop (erf);
	(erf) = vrcp.f32 v25;
	v24 =	vmul.f32 $1.250000000e+01, v27  }
.LBB2_10:
0x1a3: {  	s18 =	sadd.s32 $0x40, s18;
	v22 =	vmul.f32 $2.683372810e+05, v22;
	v21 =	vsub.f32 v21, v14;
	[tilespmem:v16+s13+$0x0] =	vst.idx.add.f32.msk $0xffff, v18;
	(erf) = vrcp.f32 v19  }
0x1a4: {  	v16 =	vld [tilespmem:s19+$0xFFFFFFF0];
	p0 =	slt.u32 s18, $0x3FC0;
	v18 =	vmul.f32 $1.250000000e+01, v23;
	v19 =	vmul.f32 $1.442695020e+00, v24;
	v23 =	vadd.s32 v0, v6  }
0x1a5: {  	v25 =	vadd.s32 v3, v4;
	v4 =	vmovc v12;
	v24 =	vld [tilespmem:s19+$0x0];
	v22 =	vadd.f32 $1.000000000e+00, v22;
	(erf) = vrcp.f32 v20  }
0x1a6: {  	v12 =	vmul.f32 $1.442695020e+00, v18;
	(erf) = vpow2.f32 v19;
	v18 =	vadd.s32 v3, v7;
	[tilespmem:v15+s13+$0x0] =	vst.idx.add.f32.msk $0xffff, v21;
	v15 =	vpop (erf)  }
0x1a7: {  	v21 =	vadd.s32 v2, v7;
	v19 =	vld [tilespmem:s19+$0xFFFFFFE0];
	v20 =	vsub.f32 $1.000000000e+00, v15;
	(erf) = vrcp.f32 v22  }
0x1a8: {  	v29 =	vsub.f32 v17, v13;
	v17 =	vadd.s32 v3, v5;
	v26 =	vadd.s32 v0, v7;
	v22 =	vld [tilespmem:s19+$0xFFFFFFD0];
	v27 =	vpop (erf)  }
0x1a9: {  	v28 =	vadd.s32 v2, v5;
	(erf) = vpow2.f32 v12;
	[tilespmem:v23+s13+$0x0] =	vst.idx.add.f32.msk $0xffff, v20;
	v12 =	vadd.s32 v2, v6  }
0x1aa: {  	v31 =	vmul.f32 $1.250000000e+01, v29;
	v20 =	vsub.f32 $1.000000000e+00, v27;
	v30 =	vmul.f32 $8.000000000e+00, v24;
	v13 =	vpop (erf);
	[tilespmem:v25+s13+$0x0] =	vst.idx.add.f32.msk $0xffff, v14  }
0x1ab: {  	v5 =	vadd.s32 v0, v5;
	v14 =	vadd.f32 $1.000000000e+00, v13;
	v32 =	vmul.f32 $2.683372810e+05, v13;
	v23 =	vpop (erf)  }
0x1ac: {  	v33 =	vmul.f32 $8.000000000e+00, v16;
	v25 =	vmul.f32 $1.442695020e+00, v31;
	v24 =	vadd.f32 $3.200000000e+01, v30;
	v29 =	vpop (erf)  }
0x1ad: {  	v7 =	vmovc v10;
	v6 =	vmovc v8;
	v19 =	vmul.f32 $8.000000000e+00, v19;
	v22 =	vmul.f32 $8.000000000e+00, v22;
	v15 =	vsub.f32 v15, v29  }
0x1ae: {  	v30 =	vadd.f32 $3.200000000e+01, v33;
	v10 =	vadd.f32 $1.000000000e+00, v32;
	v8 =	vmax.f32 v24, $0.0e+00;
	v13 =	vpop (erf)  }
0x1af: {  	v31 =	vadd.f32 $3.200000000e+01, v19;
	v8 =	vmin.f32 v8, $6.300000000e+01;
	v16 =	vpop (erf);
	v19 =	vsub.f32 $1.000000000e+00, v13;
	[tilespmem:v12+s13+$0x0] =	vst.idx.add.f32.msk $0xffff, v15  }
0x1b0: {  	v12 =	vmax.f32 v30, $0.0e+00;
	v15 =	vsub.f32 v27, v23;
	v8 =	vtrunc.f32 v8;
	[tilespmem:v26+s13+$0x0] =	vst.idx.add.f32.msk $0xffff, v20;
	v20 =	vpop (erf)  }
0x1b1: {  	v26 =	vmin.f32 v12, $6.300000000e+01;
	v12 =	vcvt.f32.s32 v8;
	v8 =	vsub.f32 v13, v20;
	[tilespmem:v5+s13+$0x0] =	vst.idx.add.f32.msk $0xffff, v19;
	v5 =	vmovc v11  }
0x1b2: {  	v11 =	vmax.f32 v31, $0.0e+00;
	v19 =	vtrunc.f32 v26;
	(erf) = vpow2.f32 v25;
	v25 =	vpop (erf);
	[tilespmem:v21+s13+$0x0] =	vst.idx.add.f32.msk $0xffff, v15  }
0x1b3: {  	v11 =	vmin.f32 v11, $6.300000000e+01;
	v15 =	vcvt.s32.f32 v12;
	(erf) = vrcp.f32 v14;
	[tilespmem:v28+s13+$0x0] =	vst.idx.add.f32.msk $0xffff, v8  }
0x1b4: {  	v13 =	vadd.f32 $3.200000000e+01, v22;
	v8 =	vtrunc.f32 v11;
	(erf) = vrcp.f32 v10;
	[tilespmem:v18+s13+$0x0] =	vst.idx.add.f32.msk $0xffff, v23  }
0x1b5: {  	v14 =	vmul.f32 $2.683372810e+05, v16;
	v8 =	vcvt.f32.s32 v8;
	v11 =	vsub.f32 v15, v24;
	[tilespmem:v9+s13+$0x0] =	vst.idx.add.f32.msk $0xffff, v29  }
0x1b6: {  	v10 =	vcvt.f32.s32 v19;
	v9 =	vmax.f32 v13, $0.0e+00;
	v15 =	vadd.f32 $1.000000000e+00, v25;
	[tilespmem:v17+s13+$0x0] =	vst.idx.add.f32.msk $0xffff, v20  }
0x1b7: {  	v26 =	vadd.f32 $1.000000000e+00, v14;
	v17 =	vmin.f32 v9, $6.300000000e+01;
	v11 =	vmul.f32 $1.250000000e+01, v11  }
0x1b8: {  	v18 =	vadd.f32 $1.000000000e+00, v16;
	v14 =	vmul.f32 $2.683372810e+05, v25;
	v9 =	vadd.s32 v3, v6  }
0x1b9: {  	v16 =	vadd.s32 v0, v4;
	v23 =	vmul.f32 $1.442695020e+00, v11;
	(erf) = vrcp.f32 v15  }
.Ltmp4:
0x1ba: {  	v19 =	vadd.f32 $1.000000000e+00, v14;
	v11 =	vtrunc.f32 v17;
	v17 =	vcvt.s32.f32 v10;
	(pc) =	sbr.rel @p0 .LBB2_10-.Ltmp4, $4  }
0x1bb: {  	v15 =	vadd.s32 v2, v4;
	v11 =	vcvt.f32.s32 v11;
	v22 =	vpop (erf);
	(erf) = vrcp.f32 v18  }
0x1bc: {  	v24 =	vcvt.s32.f32 v8;
	v25 =	vsub.f32 v17, v30;
	v20 =	vadd.f32 $1.000000000e+00, v22;
	v21 =	vpop (erf)  }
0x1bd: {  	v17 =	vcvt.s32.f32 v11;
	(erf) = vpow2.f32 v23;
	v18 =	vsub.f32 $1.000000000e+00, v21;
	v14 =	vpop (erf)  }
0x1be: {  	s19 =	sadd.s32 $0x40, s19;
	v23 =	vsub.f32 v24, v31;
	v24 =	vmul.f32 $1.250000000e+01, v25;
	(erf) = vrcp.f32 v26  }
0x1bf: {  	v22 =	vmul.f32 $2.683372810e+05, v22;
	(erf) = vrcp.f32 v19  }
0x1c0: {  	v19 =	vmul.f32 $1.250000000e+01, v23;
	v23 =	vmul.f32 $1.442695020e+00, v24  }
0x1c1: {  	(erf) = vrcp.f32 v20;
	v22 =	vadd.f32 $1.000000000e+00, v22  }
0x1c2: {  	v13 =	vsub.f32 v17, v13;
	v19 =	vmul.f32 $1.442695020e+00, v19;
	(erf) = vpow2.f32 v23  }
0x1c3: {  	(erf) = vrcp.f32 v22  }
0x1c4: {  	v13 =	vmul.f32 $1.250000000e+01, v13;
	(erf) = vpow2.f32 v19  }
0x1c5: {  	v17 =	vpop (erf)  }
0x1c6: {  	v13 =	vmul.f32 $1.442695020e+00, v13;
	v19 =	vpop (erf)  }
0x1c7: {  	v20 =	vpop (erf)  }
0x1c8: {  	(erf) = vpow2.f32 v13;
	v22 =	vpop (erf)  }
0x1c9: {  	v4 =	vadd.s32 v3, v4;
	v23 =	vpop (erf)  }
0x1ca: {  	v26 =	vadd.s32 v3, v7;
	v29 =	vadd.s32 v2, v7;
	v24 =	vmul.f32 $2.683372810e+05, v20;
	v25 =	vpop (erf)  }
0x1cb: {  	v7 =	vadd.s32 v0, v7;
	[tilespmem:v16+s13+$0x0] =	vst.idx.add.f32.msk $0xffff, v18;
	v16 =	vadd.s32 v2, v5;
	v20 =	vadd.f32 $1.000000000e+00, v20;
	v27 =	vpop (erf)  }
0x1cc: {  	v13 =	vsub.f32 v21, v14;
	v21 =	vadd.s32 v0, v6;
	v24 =	vadd.f32 $1.000000000e+00, v24;
	v30 =	vpop (erf)  }
0x1cd: {  	v28 =	vsub.f32 $1.000000000e+00, v17;
	v6 =	vadd.s32 v2, v6;
	(erf) = vrcp.f32 v20;
	v31 =	vpop (erf)  }
0x1ce: {  	(erf) = vrcp.f32 v24;
	v20 =	vmul.f32 $2.683372810e+05, v27;
	v24 =	vadd.f32 $1.000000000e+00, v31  }
0x1cf: {  	[tilespmem:v15+s13+$0x0] =	vst.idx.add.f32.msk $0xffff, v13;
	v13 =	vadd.s32 v0, v5;
	v27 =	vadd.f32 $1.000000000e+00, v27;
	v18 =	vmul.f32 $2.683372810e+05, v31  }
0x1d0: {  	[tilespmem:v4+s13+$0x0] =	vst.idx.add.f32.msk $0xffff, v14;
	v17 =	vsub.f32 v17, v23;
	v15 =	vadd.f32 $1.000000000e+00, v20;
	(erf) = vrcp.f32 v24  }
0x1d1: {  	[tilespmem:v21+s13+$0x0] =	vst.idx.add.f32.msk $0xffff, v28;
	v4 =	vsub.f32 $1.000000000e+00, v25;
	v14 =	vpop (erf);
	v18 =	vadd.f32 $1.000000000e+00, v18;
	(erf) = vrcp.f32 v27  }
0x1d2: {  	[tilespmem:v6+s13+$0x0] =	vst.idx.add.f32.msk $0xffff, v17;
	v6 =	vadd.f32 $1.000000000e+00, v14;
	v14 =	vmul.f32 $2.683372810e+05, v14;
	(erf) = vrcp.f32 v15  }
0x1d3: {  	v5 =	vadd.s32 v3, v5;
	v20 =	vsub.f32 $1.000000000e+00, v19;
	(erf) = vrcp.f32 v18  }
0x1d4: {  	[tilespmem:v13+s13+$0x0] =	vst.idx.add.f32.msk $0xffff, v4;
	v4 =	vadd.f32 $1.000000000e+00, v14  }
0x1d5: {  	[tilespmem:v7+s13+$0x0] =	vst.idx.add.f32.msk $0xffff, v20;
	v7 =	vsub.f32 v25, v30;
	v15 =	vsub.f32 v19, v22;
	(erf) = vrcp.f32 v6  }
0x1d6: {  	[tilespmem:v9+s13+$0x0] =	vst.idx.add.f32.msk $0xffff, v23;
	v6 =	vadd.s32 v0, v12  }
0x1d7: {  	[tilespmem:v16+s13+$0x0] =	vst.idx.add.f32.msk $0xffff, v7;
	v7 =	vadd.s32 v2, v12;
	v13 =	vpop (erf);
	(erf) = vrcp.f32 v4  }
0x1d8: {  	v14 =	vadd.s32 v0, v8;
	[tilespmem:v5+s13+$0x0] =	vst.idx.add.f32.msk $0xffff, v30;
	v4 =	vpop (erf)  }
0x1d9: {  	[tilespmem:v29+s13+$0x0] =	vst.idx.add.f32.msk $0xffff, v15;
	v9 =	vsub.f32 $1.000000000e+00, v13;
	v12 =	vadd.s32 v3, v12;
	v15 =	vpop (erf)  }
0x1da: {  	v16 =	vadd.s32 v2, v8;
	[tilespmem:v26+s13+$0x0] =	vst.idx.add.f32.msk $0xffff, v22;
	v5 =	vsub.f32 v13, v4;
	v13 =	vpop (erf)  }
0x1db: {  	[tilespmem:v6+s13+$0x0] =	vst.idx.add.f32.msk $0xffff, v9;
	v9 =	vadd.s32 v0, v10;
	v6 =	vsub.f32 $1.000000000e+00, v15;
	v17 =	vpop (erf)  }
0x1dc: {  	[tilespmem:v7+s13+$0x0] =	vst.idx.add.f32.msk $0xffff, v5;
	v5 =	vadd.s32 v0, v11;
	v7 =	vpop (erf)  }
0x1dd: {  	v18 =	vadd.s32 v2, v10;
	[tilespmem:v14+s13+$0x0] =	vst.idx.add.f32.msk $0xffff, v6;
	v6 =	vsub.f32 v15, v7  }
0x1de: {  	[tilespmem:v12+s13+$0x0] =	vst.idx.add.f32.msk $0xffff, v4;
	v14 =	vadd.s32 v2, v11;
	v15 =	vsub.f32 $1.000000000e+00, v13;
	v4 =	vpop (erf)  }
0x1df: {  	v10 =	vadd.s32 v3, v10;
	v11 =	vadd.s32 v3, v11;
	v12 =	vsub.f32 $1.000000000e+00, v4;
	[tilespmem:v16+s13+$0x0] =	vst.idx.add.f32.msk $0xffff, v6  }
0x1e0: {  	v6 =	vadd.s32 v3, v8;
	v8 =	vsub.f32 v13, v17;
	[tilespmem:v9+s13+$0x0] =	vst.idx.add.f32.msk $0xffff, v15;
	v9 =	vpop (erf)  }
0x1e1: {  	v4 =	vsub.f32 v4, v9;
	[tilespmem:v5+s13+$0x0] =	vst.idx.add.f32.msk $0xffff, v12  }
0x1e2: {  	[tilespmem:v18+s13+$0x0] =	vst.idx.add.f32.msk $0xffff, v8  }
0x1e3: {  	[tilespmem:v14+s13+$0x0] =	vst.idx.add.f32.msk $0xffff, v4  }
0x1e4: {  	[tilespmem:v10+s13+$0x0] =	vst.idx.add.f32.msk $0xffff, v17  }
0x1e5: {  	[tilespmem:v11+s13+$0x0] =	vst.idx.add.f32.msk $0xffff, v9  }
0x1e6: {  	[tilespmem:v6+s13+$0x0] =	vst.idx.add.f32.msk $0xffff, v7  }
0x1e7: {  	[tilespmem:s11], [sflag:$0x2] =	stream.linear.gather [hbm4b:s10+s2], $0x2000, $0x38;
	[tilespmem:$0x4500] =	vst v63  }
0x1e8: {  	_ =	swait.ge [sflag:s12], $0x2000  }
0x1e9: {  	[sflag:s12] =	ssyncset.done $0x0  }
0x1ea: {  	s18 =	simm.s32 $0x20;
	[sflag:s12] =	ssyncadd.s32 $0xFFFFE000  }
0x1eb: {  	v4 =	vld [tilespmem:s18+$0x10];
	_ =	sdelay $0x4  }
0x1ec: {  	v4 =	vmul.f32 $8.000000000e+00, v4;
	_ =	sdelay $0x1  }
0x1ed: {  	v5 =	vld [tilespmem:s18+$0x0];
	v6 =	vadd.f32 $3.200000000e+01, v4  }
0x1ee: {  	v7 =	vld [tilespmem:s18+$0xFFFFFFF0]  }
0x1ef: {  	v4 =	vmax.f32 v6, $0.0e+00  }
0x1f0: {  	v4 =	vmin.f32 v4, $6.300000000e+01  }
0x1f1: {  	v4 =	vtrunc.f32 v4  }
0x1f2: {  	v8 =	vld [tilespmem:s18+$0xFFFFFFE0];
	v5 =	vmul.f32 $8.000000000e+00, v5;
	v4 =	vcvt.f32.s32 v4  }
0x1f3: {  	v7 =	vmul.f32 $8.000000000e+00, v7  }
0x1f4: {  	v5 =	vadd.f32 $3.200000000e+01, v5;
	v9 =	vcvt.s32.f32 v4  }
0x1f5: {  	v10 =	vadd.f32 $3.200000000e+01, v7  }
0x1f6: {  	v7 =	vmax.f32 v5, $0.0e+00;
	v6 =	vsub.f32 v9, v6  }
0x1f7: {  	v8 =	vmul.f32 $8.000000000e+00, v8;
	v7 =	vmin.f32 v7, $6.300000000e+01;
	v9 =	vmax.f32 v10, $0.0e+00  }
0x1f8: {  	v7 =	vtrunc.f32 v7;
	v9 =	vmin.f32 v9, $6.300000000e+01;
	v6 =	vmul.f32 $1.250000000e+01, v6  }
0x1f9: {  	v7 =	vcvt.f32.s32 v7;
	v9 =	vtrunc.f32 v9  }
0x1fa: {  	v8 =	vadd.f32 $3.200000000e+01, v8;
	v11 =	vmul.f32 $1.442695020e+00, v6;
	v6 =	vcvt.f32.s32 v9  }
0x1fb: {  	v9 =	vcvt.s32.f32 v7  }
0x1fc: {  	s31 =	simm.s32 $0x60;
	(erf) = vpow2.f32 v11;
	v11 =	vmax.f32 v8, $0.0e+00;
	v12 =	vcvt.s32.f32 v6  }
0x1fd: {  	v13 =	vld [tilespmem:s31+$0x10];
	v9 =	vsub.f32 v9, v5;
	v11 =	vmin.f32 v11, $6.300000000e+01  }
0x1fe: {  	v14 =	vld [tilespmem:s31+$0xFFFFFFF0];
	v5 =	vtrunc.f32 v11;
	v10 =	vsub.f32 v12, v10  }
0x1ff: {  	v9 =	vmul.f32 $1.250000000e+01, v9;
	v11 =	vld [tilespmem:s31+$0x0];
	v5 =	vcvt.f32.s32 v5  }
0x200: {  	v15 =	vld [tilespmem:s31+$0xFFFFFFE0];
	v10 =	vmul.f32 $1.250000000e+01, v10  }
0x201: {  	v9 =	vmul.f32 $1.442695020e+00, v9;
	v12 =	vcvt.s32.f32 v5  }
0x202: {  	v13 =	vmul.f32 $8.000000000e+00, v13;
	v10 =	vmul.f32 $1.442695020e+00, v10  }
0x203: {  	(erf) = vpow2.f32 v9;
	v8 =	vsub.f32 v12, v8;
	v12 =	vmul.f32 $8.000000000e+00, v14  }
0x204: {  	(erf) = vpow2.f32 v10;
	v10 =	vmul.f32 $8.000000000e+00, v11;
	v11 =	vadd.f32 $3.200000000e+01, v13  }
0x205: {  	v15 =	vmul.f32 $8.000000000e+00, v15;
	v8 =	vmul.f32 $1.250000000e+01, v8  }
0x206: {  	v9 =	vpop (erf);
	v23 =	vadd.f32 $3.200000000e+01, v12;
	v14 =	vadd.f32 $3.200000000e+01, v10;
	v10 =	vmax.f32 v11, $0.0e+00  }
0x207: {  	v13 =	vadd.f32 $1.000000000e+00, v9;
	v9 =	vmul.f32 $2.683372810e+05, v9;
	v10 =	vmin.f32 v10, $6.300000000e+01  }
0x208: {  	v8 =	vmul.f32 $1.442695020e+00, v8;
	v12 =	vmax.f32 v14, $0.0e+00;
	v10 =	vtrunc.f32 v10  }
0x209: {  	v9 =	vadd.f32 $1.000000000e+00, v9;
	v16 =	vmin.f32 v12, $6.300000000e+01;
	v12 =	vcvt.f32.s32 v10  }
0x20a: {  	v10 =	vmax.f32 v23, $0.0e+00;
	(erf) = vpow2.f32 v8;
	v16 =	vtrunc.f32 v16  }
0x20b: {  	v8 =	vmin.f32 v10, $6.300000000e+01;
	(erf) = vrcp.f32 v13;
	v10 =	vcvt.s32.f32 v12  }
0x20c: {  	v13 =	vadd.f32 $3.200000000e+01, v15;
	v17 =	vpop (erf);
	v8 =	vtrunc.f32 v8;
	(erf) = vrcp.f32 v9  }
0x20d: {  	v8 =	vcvt.f32.s32 v8;
	v15 =	vmul.f32 $2.683372810e+05, v17;
	v11 =	vsub.f32 v10, v11  }
0x20e: {  	v18 =	vmax.f32 v13, $0.0e+00;
	v17 =	vadd.f32 $1.000000000e+00, v17;
	v9 =	vpop (erf);
	v10 =	vcvt.f32.s32 v16  }
0x20f: {  	v18 =	vmin.f32 v18, $6.300000000e+01;
	v19 =	vadd.f32 $1.000000000e+00, v9;
	v11 =	vmul.f32 $1.250000000e+01, v11  }
0x210: {  	v25 =	vadd.f32 $1.000000000e+00, v15;
	v15 =	vmul.f32 $2.683372810e+05, v9;
	v26 =	vcvt.s32.f32 v8  }
0x211: {  	v16 =	vadd.s32 v0, v4;
	(erf) = vrcp.f32 v19;
	v24 =	vmul.f32 $1.442695020e+00, v11  }
0x212: {  	v9 =	vadd.s32 v3, v6;
	v11 =	vtrunc.f32 v18;
	v18 =	vcvt.s32.f32 v10  }
0x213: {  	v19 =	vadd.f32 $1.000000000e+00, v15;
	(erf) = vrcp.f32 v17;
	v11 =	vcvt.f32.s32 v11;
	v22 =	vpop (erf)  }
0x214: {  	v15 =	vadd.s32 v2, v4;
	v23 =	vsub.f32 v26, v23;
	v27 =	vsub.f32 v18, v14;
	v21 =	vpop (erf)  }
0x215: {  	(erf) = vpow2.f32 v24;
	v17 =	vcvt.s32.f32 v11;
	v18 =	vsub.f32 $1.000000000e+00, v21  }
0x216: {  	s19 =	simm.s32 $0xA0;
	s18 =	simm.s32 $0x40;
	v20 =	vadd.f32 $1.000000000e+00, v22;
	v14 =	vpop (erf);
	(erf) = vrcp.f32 v25;
	v24 =	vmul.f32 $1.250000000e+01, v27  }
.LBB2_12:
0x217: {  	s18 =	sadd.s32 $0x40, s18;
	v22 =	vmul.f32 $2.683372810e+05, v22;
	v21 =	vsub.f32 v21, v14;
	[tilespmem:v16+s13+$0x0] =	vst.idx.add.f32.msk $0xffff, v18;
	(erf) = vrcp.f32 v19  }
0x218: {  	v16 =	vld [tilespmem:s19+$0x0];
	p0 =	slt.u32 s18, $0x1FC0;
	v18 =	vmul.f32 $1.250000000e+01, v23;
	v19 =	vmul.f32 $1.442695020e+00, v24;
	v23 =	vadd.s32 v0, v6  }
0x219: {  	v25 =	vadd.s32 v3, v4;
	v4 =	vmovc v12;
	v24 =	vld [tilespmem:s19+$0x10];
	v22 =	vadd.f32 $1.000000000e+00, v22;
	(erf) = vrcp.f32 v20  }
0x21a: {  	v12 =	vmul.f32 $1.442695020e+00, v18;
	(erf) = vpow2.f32 v19;
	v18 =	vadd.s32 v3, v7;
	[tilespmem:v15+s13+$0x0] =	vst.idx.add.f32.msk $0xffff, v21;
	v15 =	vpop (erf)  }
0x21b: {  	v21 =	vadd.s32 v2, v7;
	v19 =	vld [tilespmem:s19+$0xFFFFFFF0];
	v20 =	vsub.f32 $1.000000000e+00, v15;
	(erf) = vrcp.f32 v22  }
0x21c: {  	v29 =	vsub.f32 v17, v13;
	v17 =	vadd.s32 v3, v5;
	v26 =	vadd.s32 v0, v7;
	v22 =	vld [tilespmem:s19+$0xFFFFFFE0];
	v27 =	vpop (erf)  }
0x21d: {  	v28 =	vadd.s32 v2, v5;
	(erf) = vpow2.f32 v12;
	[tilespmem:v23+s13+$0x0] =	vst.idx.add.f32.msk $0xffff, v20;
	v12 =	vadd.s32 v2, v6  }
0x21e: {  	v31 =	vmul.f32 $1.250000000e+01, v29;
	v20 =	vsub.f32 $1.000000000e+00, v27;
	v30 =	vmul.f32 $8.000000000e+00, v24;
	v13 =	vpop (erf);
	[tilespmem:v25+s13+$0x0] =	vst.idx.add.f32.msk $0xffff, v14  }
0x21f: {  	v5 =	vadd.s32 v0, v5;
	v14 =	vadd.f32 $1.000000000e+00, v13;
	v32 =	vmul.f32 $2.683372810e+05, v13;
	v23 =	vpop (erf)  }
0x220: {  	v33 =	vmul.f32 $8.000000000e+00, v16;
	v25 =	vmul.f32 $1.442695020e+00, v31;
	v24 =	vadd.f32 $3.200000000e+01, v30;
	v29 =	vpop (erf)  }
0x221: {  	v7 =	vmovc v10;
	v6 =	vmovc v8;
	v19 =	vmul.f32 $8.000000000e+00, v19;
	v22 =	vmul.f32 $8.000000000e+00, v22;
	v15 =	vsub.f32 v15, v29  }
0x222: {  	v30 =	vadd.f32 $3.200000000e+01, v33;
	v10 =	vadd.f32 $1.000000000e+00, v32;
	v8 =	vmax.f32 v24, $0.0e+00;
	v13 =	vpop (erf)  }
0x223: {  	v31 =	vadd.f32 $3.200000000e+01, v19;
	v8 =	vmin.f32 v8, $6.300000000e+01;
	v16 =	vpop (erf);
	v19 =	vsub.f32 $1.000000000e+00, v13;
	[tilespmem:v12+s13+$0x0] =	vst.idx.add.f32.msk $0xffff, v15  }
0x224: {  	v12 =	vmax.f32 v30, $0.0e+00;
	v15 =	vsub.f32 v27, v23;
	v8 =	vtrunc.f32 v8;
	[tilespmem:v26+s13+$0x0] =	vst.idx.add.f32.msk $0xffff, v20;
	v20 =	vpop (erf)  }
0x225: {  	v26 =	vmin.f32 v12, $6.300000000e+01;
	v12 =	vcvt.f32.s32 v8;
	v8 =	vsub.f32 v13, v20;
	[tilespmem:v5+s13+$0x0] =	vst.idx.add.f32.msk $0xffff, v19;
	v5 =	vmovc v11  }
0x226: {  	v11 =	vmax.f32 v31, $0.0e+00;
	v19 =	vtrunc.f32 v26;
	(erf) = vpow2.f32 v25;
	v25 =	vpop (erf);
	[tilespmem:v21+s13+$0x0] =	vst.idx.add.f32.msk $0xffff, v15  }
0x227: {  	v11 =	vmin.f32 v11, $6.300000000e+01;
	v15 =	vcvt.s32.f32 v12;
	(erf) = vrcp.f32 v14;
	[tilespmem:v28+s13+$0x0] =	vst.idx.add.f32.msk $0xffff, v8  }
0x228: {  	v13 =	vadd.f32 $3.200000000e+01, v22;
	v8 =	vtrunc.f32 v11;
	(erf) = vrcp.f32 v10;
	[tilespmem:v18+s13+$0x0] =	vst.idx.add.f32.msk $0xffff, v23  }
0x229: {  	v14 =	vmul.f32 $2.683372810e+05, v16;
	v8 =	vcvt.f32.s32 v8;
	v11 =	vsub.f32 v15, v24;
	[tilespmem:v9+s13+$0x0] =	vst.idx.add.f32.msk $0xffff, v29  }
0x22a: {  	v10 =	vcvt.f32.s32 v19;
	v9 =	vmax.f32 v13, $0.0e+00;
	v15 =	vadd.f32 $1.000000000e+00, v25;
	[tilespmem:v17+s13+$0x0] =	vst.idx.add.f32.msk $0xffff, v20  }
0x22b: {  	v26 =	vadd.f32 $1.000000000e+00, v14;
	v17 =	vmin.f32 v9, $6.300000000e+01;
	v11 =	vmul.f32 $1.250000000e+01, v11  }
0x22c: {  	v18 =	vadd.f32 $1.000000000e+00, v16;
	v14 =	vmul.f32 $2.683372810e+05, v25;
	v9 =	vadd.s32 v3, v6  }
0x22d: {  	v16 =	vadd.s32 v0, v4;
	v23 =	vmul.f32 $1.442695020e+00, v11;
	(erf) = vrcp.f32 v15  }
.Ltmp5:
0x22e: {  	v19 =	vadd.f32 $1.000000000e+00, v14;
	v11 =	vtrunc.f32 v17;
	v17 =	vcvt.s32.f32 v10;
	(pc) =	sbr.rel @p0 .LBB2_12-.Ltmp5, $4  }
0x22f: {  	v15 =	vadd.s32 v2, v4;
	v11 =	vcvt.f32.s32 v11;
	v22 =	vpop (erf);
	(erf) = vrcp.f32 v18  }
0x230: {  	v24 =	vcvt.s32.f32 v8;
	v25 =	vsub.f32 v17, v30;
	v20 =	vadd.f32 $1.000000000e+00, v22;
	v21 =	vpop (erf)  }
0x231: {  	v17 =	vcvt.s32.f32 v11;
	(erf) = vpow2.f32 v23;
	v18 =	vsub.f32 $1.000000000e+00, v21;
	v14 =	vpop (erf)  }
0x232: {  	s19 =	sadd.s32 $0x40, s19;
	v23 =	vsub.f32 v24, v31;
	v24 =	vmul.f32 $1.250000000e+01, v25;
	(erf) = vrcp.f32 v26  }
0x233: {  	v22 =	vmul.f32 $2.683372810e+05, v22;
	(erf) = vrcp.f32 v19  }
0x234: {  	v19 =	vmul.f32 $1.250000000e+01, v23;
	v23 =	vmul.f32 $1.442695020e+00, v24  }
0x235: {  	(erf) = vrcp.f32 v20;
	v22 =	vadd.f32 $1.000000000e+00, v22  }
0x236: {  	v13 =	vsub.f32 v17, v13;
	v19 =	vmul.f32 $1.442695020e+00, v19;
	(erf) = vpow2.f32 v23  }
0x237: {  	(erf) = vrcp.f32 v22  }
0x238: {  	v13 =	vmul.f32 $1.250000000e+01, v13;
	(erf) = vpow2.f32 v19  }
0x239: {  	v17 =	vpop (erf)  }
0x23a: {  	v13 =	vmul.f32 $1.442695020e+00, v13;
	v19 =	vpop (erf)  }
0x23b: {  	v20 =	vpop (erf)  }
0x23c: {  	(erf) = vpow2.f32 v13;
	v22 =	vpop (erf)  }
0x23d: {  	v4 =	vadd.s32 v3, v4;
	v23 =	vpop (erf)  }
0x23e: {  	v26 =	vadd.s32 v3, v7;
	v29 =	vadd.s32 v2, v7;
	v24 =	vmul.f32 $2.683372810e+05, v20;
	v25 =	vpop (erf)  }
0x23f: {  	v7 =	vadd.s32 v0, v7;
	[tilespmem:v16+s13+$0x0] =	vst.idx.add.f32.msk $0xffff, v18;
	v16 =	vadd.s32 v2, v5;
	v20 =	vadd.f32 $1.000000000e+00, v20;
	v27 =	vpop (erf)  }
0x240: {  	v13 =	vsub.f32 v21, v14;
	v21 =	vadd.s32 v0, v6;
	v24 =	vadd.f32 $1.000000000e+00, v24;
	v30 =	vpop (erf)  }
0x241: {  	v28 =	vsub.f32 $1.000000000e+00, v17;
	v6 =	vadd.s32 v2, v6;
	(erf) = vrcp.f32 v20;
	v31 =	vpop (erf)  }
0x242: {  	(erf) = vrcp.f32 v24;
	v20 =	vmul.f32 $2.683372810e+05, v27;
	v24 =	vadd.f32 $1.000000000e+00, v31  }
0x243: {  	[tilespmem:v15+s13+$0x0] =	vst.idx.add.f32.msk $0xffff, v13;
	v13 =	vadd.s32 v0, v5;
	v27 =	vadd.f32 $1.000000000e+00, v27;
	v18 =	vmul.f32 $2.683372810e+05, v31  }
0x244: {  	[tilespmem:v4+s13+$0x0] =	vst.idx.add.f32.msk $0xffff, v14;
	v17 =	vsub.f32 v17, v23;
	v15 =	vadd.f32 $1.000000000e+00, v20;
	(erf) = vrcp.f32 v24  }
0x245: {  	[tilespmem:v21+s13+$0x0] =	vst.idx.add.f32.msk $0xffff, v28;
	v4 =	vsub.f32 $1.000000000e+00, v25;
	v14 =	vpop (erf);
	v18 =	vadd.f32 $1.000000000e+00, v18;
	(erf) = vrcp.f32 v27  }
0x246: {  	[tilespmem:v6+s13+$0x0] =	vst.idx.add.f32.msk $0xffff, v17;
	v6 =	vadd.f32 $1.000000000e+00, v14;
	v14 =	vmul.f32 $2.683372810e+05, v14;
	(erf) = vrcp.f32 v15  }
0x247: {  	v5 =	vadd.s32 v3, v5;
	v20 =	vsub.f32 $1.000000000e+00, v19;
	(erf) = vrcp.f32 v18  }
0x248: {  	[tilespmem:v13+s13+$0x0] =	vst.idx.add.f32.msk $0xffff, v4;
	v4 =	vadd.f32 $1.000000000e+00, v14  }
0x249: {  	[tilespmem:v7+s13+$0x0] =	vst.idx.add.f32.msk $0xffff, v20;
	v7 =	vsub.f32 v25, v30;
	v15 =	vsub.f32 v19, v22;
	(erf) = vrcp.f32 v6  }
0x24a: {  	[tilespmem:v9+s13+$0x0] =	vst.idx.add.f32.msk $0xffff, v23;
	v6 =	vadd.s32 v0, v12  }
0x24b: {  	[tilespmem:v16+s13+$0x0] =	vst.idx.add.f32.msk $0xffff, v7;
	v7 =	vadd.s32 v2, v12;
	v13 =	vpop (erf);
	(erf) = vrcp.f32 v4  }
0x24c: {  	v14 =	vadd.s32 v0, v8;
	[tilespmem:v5+s13+$0x0] =	vst.idx.add.f32.msk $0xffff, v30;
	v4 =	vpop (erf)  }
0x24d: {  	[tilespmem:v29+s13+$0x0] =	vst.idx.add.f32.msk $0xffff, v15;
	v9 =	vsub.f32 $1.000000000e+00, v13;
	v12 =	vadd.s32 v3, v12;
	v15 =	vpop (erf)  }
0x24e: {  	v16 =	vadd.s32 v2, v8;
	[tilespmem:v26+s13+$0x0] =	vst.idx.add.f32.msk $0xffff, v22;
	v5 =	vsub.f32 v13, v4;
	v13 =	vpop (erf)  }
0x24f: {  	[tilespmem:v6+s13+$0x0] =	vst.idx.add.f32.msk $0xffff, v9;
	v9 =	vadd.s32 v0, v10;
	v6 =	vsub.f32 $1.000000000e+00, v15;
	v17 =	vpop (erf)  }
0x250: {  	[tilespmem:v7+s13+$0x0] =	vst.idx.add.f32.msk $0xffff, v5;
	v5 =	vadd.s32 v0, v11;
	v7 =	vpop (erf)  }
0x251: {  	v18 =	vadd.s32 v2, v10;
	[tilespmem:v14+s13+$0x0] =	vst.idx.add.f32.msk $0xffff, v6;
	v6 =	vsub.f32 v15, v7  }
0x252: {  	[tilespmem:v12+s13+$0x0] =	vst.idx.add.f32.msk $0xffff, v4;
	v14 =	vadd.s32 v2, v11;
	v15 =	vsub.f32 $1.000000000e+00, v13;
	v4 =	vpop (erf)  }
0x253: {  	v10 =	vadd.s32 v3, v10;
	v11 =	vadd.s32 v3, v11;
	v12 =	vsub.f32 $1.000000000e+00, v4;
	[tilespmem:v16+s13+$0x0] =	vst.idx.add.f32.msk $0xffff, v6  }
0x254: {  	v6 =	vadd.s32 v3, v8;
	v8 =	vsub.f32 v13, v17;
	[tilespmem:v9+s13+$0x0] =	vst.idx.add.f32.msk $0xffff, v15;
	v9 =	vpop (erf)  }
0x255: {  	v4 =	vsub.f32 v4, v9;
	[tilespmem:v5+s13+$0x0] =	vst.idx.add.f32.msk $0xffff, v12  }
0x256: {  	[tilespmem:v18+s13+$0x0] =	vst.idx.add.f32.msk $0xffff, v8  }
0x257: {  	[tilespmem:v14+s13+$0x0] =	vst.idx.add.f32.msk $0xffff, v4  }
0x258: {  	[tilespmem:v10+s13+$0x0] =	vst.idx.add.f32.msk $0xffff, v17  }
0x259: {  	[tilespmem:v11+s13+$0x0] =	vst.idx.add.f32.msk $0xffff, v9  }
0x25a: {  	[tilespmem:v6+s13+$0x0] =	vst.idx.add.f32.msk $0xffff, v7  }
0x25b: {  	_ =	swait.ge [sflag:s14], $0x2000  }
0x25c: {  	[sflag:s14] =	ssyncset.done $0x0  }
0x25d: {  	s18 =	simm.s32 $0x2030;
	[sflag:s14] =	ssyncadd.s32 $0xFFFFE000  }
0x25e: {  	v4 =	vld [tilespmem:s18+$0x0];
	_ =	sdelay $0x4  }
0x25f: {  	v4 =	vmul.f32 $8.000000000e+00, v4;
	_ =	sdelay $0x1  }
0x260: {  	v5 =	vld [tilespmem:s18+$0xFFFFFFF0];
	v6 =	vadd.f32 $3.200000000e+01, v4  }
0x261: {  	v7 =	vld [tilespmem:s18+$0xFFFFFFE0]  }
0x262: {  	v4 =	vmax.f32 v6, $0.0e+00  }
0x263: {  	v4 =	vmin.f32 v4, $6.300000000e+01  }
0x264: {  	v8 =	vld [tilespmem:s18+$0xFFFFFFD0];
	v4 =	vtrunc.f32 v4  }
0x265: {  	v5 =	vmul.f32 $8.000000000e+00, v5;
	v4 =	vcvt.f32.s32 v4  }
0x266: {  	v7 =	vmul.f32 $8.000000000e+00, v7  }
0x267: {  	v5 =	vadd.f32 $3.200000000e+01, v5;
	v9 =	vcvt.s32.f32 v4  }
0x268: {  	v7 =	vadd.f32 $3.200000000e+01, v7  }
0x269: {  	v6 =	vsub.f32 v9, v6;
	v9 =	vmul.f32 $8.000000000e+00, v8;
	v8 =	vmax.f32 v5, $0.0e+00  }
0x26a: {  	v10 =	vmax.f32 v7, $0.0e+00;
	v8 =	vmin.f32 v8, $6.300000000e+01  }
0x26b: {  	v10 =	vmin.f32 v10, $6.300000000e+01;
	v6 =	vmul.f32 $1.250000000e+01, v6;
	v8 =	vtrunc.f32 v8  }
0x26c: {  	v10 =	vtrunc.f32 v10;
	v8 =	vcvt.f32.s32 v8  }
0x26d: {  	v9 =	vadd.f32 $3.200000000e+01, v9;
	v11 =	vmul.f32 $1.442695020e+00, v6;
	v6 =	vcvt.f32.s32 v10  }
0x26e: {  	s31 =	simm.s32 $0x2070;
	v10 =	vcvt.s32.f32 v8  }
0x26f: {  	v13 =	vld [tilespmem:s31+$0x0];
	(erf) = vpow2.f32 v11;
	v11 =	vmax.f32 v9, $0.0e+00;
	v12 =	vcvt.s32.f32 v6  }
0x270: {  	v14 =	vld [tilespmem:s31+$0xFFFFFFE0];
	v11 =	vmin.f32 v11, $6.300000000e+01;
	v10 =	vsub.f32 v10, v5  }
0x271: {  	v5 =	vtrunc.f32 v11;
	v7 =	vsub.f32 v12, v7;
	v11 =	vld [tilespmem:s31+$0xFFFFFFF0]  }
0x272: {  	v15 =	vld [tilespmem:s31+$0xFFFFFFD0];
	v10 =	vmul.f32 $1.250000000e+01, v10  }
0x273: {  	v5 =	vcvt.f32.s32 v5;
	v7 =	vmul.f32 $1.250000000e+01, v7  }
0x274: {  	v13 =	vmul.f32 $8.000000000e+00, v13;
	v10 =	vmul.f32 $1.442695020e+00, v10  }
0x275: {  	v12 =	vcvt.s32.f32 v5;
	v7 =	vmul.f32 $1.442695020e+00, v7  }
0x276: {  	(erf) = vpow2.f32 v10;
	v10 =	vmul.f32 $8.000000000e+00, v11;
	v11 =	vadd.f32 $3.200000000e+01, v13  }
0x277: {  	v15 =	vmul.f32 $8.000000000e+00, v15;
	v9 =	vsub.f32 v12, v9;
	v12 =	vmul.f32 $8.000000000e+00, v14  }
0x278: {  	(erf) = vpow2.f32 v7;
	v14 =	vadd.f32 $3.200000000e+01, v10;
	v10 =	vmax.f32 v11, $0.0e+00  }
0x279: {  	v9 =	vmul.f32 $1.250000000e+01, v9;
	v23 =	vadd.f32 $3.200000000e+01, v12;
	v7 =	vpop (erf);
	v10 =	vmin.f32 v10, $6.300000000e+01  }
0x27a: {  	v13 =	vadd.f32 $1.000000000e+00, v7;
	v7 =	vmul.f32 $2.683372810e+05, v7;
	v12 =	vmax.f32 v14, $0.0e+00  }
0x27b: {  	v9 =	vmul.f32 $1.442695020e+00, v9;
	v10 =	vtrunc.f32 v10;
	v16 =	vmin.f32 v12, $6.300000000e+01  }
0x27c: {  	v12 =	vcvt.f32.s32 v10;
	v10 =	vmax.f32 v23, $0.0e+00;
	v7 =	vadd.f32 $1.000000000e+00, v7  }
0x27d: {  	v16 =	vtrunc.f32 v16;
	(erf) = vpow2.f32 v9;
	v9 =	vmin.f32 v10, $6.300000000e+01  }
0x27e: {  	v10 =	vcvt.s32.f32 v12;
	(erf) = vrcp.f32 v13;
	v13 =	vadd.f32 $3.200000000e+01, v15  }
0x27f: {  	v9 =	vtrunc.f32 v9;
	v17 =	vpop (erf);
	(erf) = vrcp.f32 v7  }
0x280: {  	v7 =	vcvt.f32.s32 v9;
	v9 =	vsub.f32 v10, v11;
	v18 =	vmax.f32 v13, $0.0e+00  }
0x281: {  	v10 =	vcvt.f32.s32 v16;
	v15 =	vpop (erf);
	v11 =	vmul.f32 $2.683372810e+05, v17;
	v18 =	vmin.f32 v18, $6.300000000e+01  }
0x282: {  	v17 =	vadd.f32 $1.000000000e+00, v17;
	v19 =	vadd.f32 $1.000000000e+00, v15;
	v16 =	vmul.f32 $1.250000000e+01, v9  }
0x283: {  	v26 =	vcvt.s32.f32 v7;
	v25 =	vadd.f32 $1.000000000e+00, v11;
	v11 =	vmul.f32 $2.683372810e+05, v15  }
0x284: {  	v9 =	vadd.s32 v3, v6;
	v15 =	vtrunc.f32 v18;
	(erf) = vrcp.f32 v19  }
0x285: {  	v18 =	vcvt.s32.f32 v10;
	v24 =	vmul.f32 $1.442695020e+00, v16;
	v16 =	vadd.s32 v0, v4  }
0x286: {  	v19 =	vadd.f32 $1.000000000e+00, v11;
	v11 =	vcvt.f32.s32 v15;
	(erf) = vrcp.f32 v17;
	v22 =	vpop (erf)  }
0x287: {  	v23 =	vsub.f32 v26, v23;
	v15 =	vadd.s32 v2, v4;
	v27 =	vsub.f32 v18, v14;
	v21 =	vpop (erf)  }
0x288: {  	(erf) = vpow2.f32 v24;
	v17 =	vcvt.s32.f32 v11;
	v18 =	vsub.f32 $1.000000000e+00, v21  }
0x289: {  	s19 =	simm.s32 $0x20B0;
	s18 =	simm.s32 $0x2040;
	v20 =	vadd.f32 $1.000000000e+00, v22;
	v24 =	vmul.f32 $1.250000000e+01, v27;
	(erf) = vrcp.f32 v25;
	v14 =	vpop (erf)  }
.LBB2_14:
0x28a: {  	s18 =	sadd.s32 $0x40, s18;
	v22 =	vmul.f32 $2.683372810e+05, v22;
	v21 =	vsub.f32 v21, v14;
	[tilespmem:v16+s13+$0x0] =	vst.idx.add.f32.msk $0xffff, v18;
	(erf) = vrcp.f32 v19  }
0x28b: {  	v16 =	vld [tilespmem:s19+$0xFFFFFFF0];
	p0 =	slt.u32 s18, $0x3FC0;
	v18 =	vmul.f32 $1.250000000e+01, v23;
	v19 =	vmul.f32 $1.442695020e+00, v24;
	v23 =	vadd.s32 v0, v6  }
0x28c: {  	v25 =	vadd.s32 v3, v4;
	v4 =	vmovc v12;
	v24 =	vld [tilespmem:s19+$0x0];
	v22 =	vadd.f32 $1.000000000e+00, v22;
	(erf) = vrcp.f32 v20  }
0x28d: {  	v12 =	vmul.f32 $1.442695020e+00, v18;
	(erf) = vpow2.f32 v19;
	v18 =	vadd.s32 v3, v8;
	[tilespmem:v15+s13+$0x0] =	vst.idx.add.f32.msk $0xffff, v21;
	v15 =	vpop (erf)  }
0x28e: {  	v21 =	vadd.s32 v2, v8;
	v19 =	vld [tilespmem:s19+$0xFFFFFFE0];
	v20 =	vsub.f32 $1.000000000e+00, v15;
	(erf) = vrcp.f32 v22  }
0x28f: {  	v29 =	vsub.f32 v17, v13;
	v17 =	vadd.s32 v3, v5;
	v26 =	vadd.s32 v0, v8;
	v22 =	vld [tilespmem:s19+$0xFFFFFFD0];
	v27 =	vpop (erf)  }
0x290: {  	v28 =	vadd.s32 v2, v5;
	(erf) = vpow2.f32 v12;
	[tilespmem:v23+s13+$0x0] =	vst.idx.add.f32.msk $0xffff, v20;
	v12 =	vadd.s32 v2, v6  }
0x291: {  	v31 =	vmul.f32 $1.250000000e+01, v29;
	v20 =	vsub.f32 $1.000000000e+00, v27;
	v30 =	vmul.f32 $8.000000000e+00, v24;
	v13 =	vpop (erf);
	[tilespmem:v25+s13+$0x0] =	vst.idx.add.f32.msk $0xffff, v14  }
0x292: {  	v5 =	vadd.s32 v0, v5;
	v14 =	vadd.f32 $1.000000000e+00, v13;
	v32 =	vmul.f32 $2.683372810e+05, v13;
	v23 =	vpop (erf)  }
0x293: {  	v33 =	vmul.f32 $8.000000000e+00, v16;
	v25 =	vmul.f32 $1.442695020e+00, v31;
	v24 =	vadd.f32 $3.200000000e+01, v30;
	v29 =	vpop (erf)  }
0x294: {  	v8 =	vmovc v10;
	v6 =	vmovc v7;
	v19 =	vmul.f32 $8.000000000e+00, v19;
	v22 =	vmul.f32 $8.000000000e+00, v22;
	v15 =	vsub.f32 v15, v29  }
0x295: {  	v30 =	vadd.f32 $3.200000000e+01, v33;
	v10 =	vadd.f32 $1.000000000e+00, v32;
	v7 =	vmax.f32 v24, $0.0e+00;
	v13 =	vpop (erf)  }
0x296: {  	v31 =	vadd.f32 $3.200000000e+01, v19;
	v7 =	vmin.f32 v7, $6.300000000e+01;
	v16 =	vpop (erf);
	v19 =	vsub.f32 $1.000000000e+00, v13;
	[tilespmem:v12+s13+$0x0] =	vst.idx.add.f32.msk $0xffff, v15  }
0x297: {  	v12 =	vmax.f32 v30, $0.0e+00;
	v15 =	vsub.f32 v27, v23;
	v7 =	vtrunc.f32 v7;
	[tilespmem:v26+s13+$0x0] =	vst.idx.add.f32.msk $0xffff, v20;
	v20 =	vpop (erf)  }
0x298: {  	v26 =	vmin.f32 v12, $6.300000000e+01;
	v12 =	vcvt.f32.s32 v7;
	v7 =	vsub.f32 v13, v20;
	[tilespmem:v5+s13+$0x0] =	vst.idx.add.f32.msk $0xffff, v19;
	v5 =	vmovc v11  }
0x299: {  	v11 =	vmax.f32 v31, $0.0e+00;
	v19 =	vtrunc.f32 v26;
	(erf) = vpow2.f32 v25;
	v25 =	vpop (erf);
	[tilespmem:v21+s13+$0x0] =	vst.idx.add.f32.msk $0xffff, v15  }
0x29a: {  	v11 =	vmin.f32 v11, $6.300000000e+01;
	v15 =	vcvt.s32.f32 v12;
	(erf) = vrcp.f32 v14;
	[tilespmem:v28+s13+$0x0] =	vst.idx.add.f32.msk $0xffff, v7  }
0x29b: {  	v13 =	vadd.f32 $3.200000000e+01, v22;
	v7 =	vtrunc.f32 v11;
	(erf) = vrcp.f32 v10;
	[tilespmem:v18+s13+$0x0] =	vst.idx.add.f32.msk $0xffff, v23  }
0x29c: {  	v14 =	vmul.f32 $2.683372810e+05, v16;
	v7 =	vcvt.f32.s32 v7;
	v11 =	vsub.f32 v15, v24;
	[tilespmem:v9+s13+$0x0] =	vst.idx.add.f32.msk $0xffff, v29  }
0x29d: {  	v10 =	vcvt.f32.s32 v19;
	v9 =	vmax.f32 v13, $0.0e+00;
	v15 =	vadd.f32 $1.000000000e+00, v25;
	[tilespmem:v17+s13+$0x0] =	vst.idx.add.f32.msk $0xffff, v20  }
0x29e: {  	v26 =	vadd.f32 $1.000000000e+00, v14;
	v17 =	vmin.f32 v9, $6.300000000e+01;
	v11 =	vmul.f32 $1.250000000e+01, v11  }
0x29f: {  	v18 =	vadd.f32 $1.000000000e+00, v16;
	v14 =	vmul.f32 $2.683372810e+05, v25;
	v9 =	vadd.s32 v3, v6  }
0x2a0: {  	v16 =	vadd.s32 v0, v4;
	v23 =	vmul.f32 $1.442695020e+00, v11;
	(erf) = vrcp.f32 v15  }
.Ltmp6:
0x2a1: {  	v19 =	vadd.f32 $1.000000000e+00, v14;
	v11 =	vtrunc.f32 v17;
	v17 =	vcvt.s32.f32 v10;
	(pc) =	sbr.rel @p0 .LBB2_14-.Ltmp6, $4  }
0x2a2: {  	v15 =	vadd.s32 v2, v4;
	v11 =	vcvt.f32.s32 v11;
	v22 =	vpop (erf);
	(erf) = vrcp.f32 v18  }
0x2a3: {  	v24 =	vcvt.s32.f32 v7;
	v25 =	vsub.f32 v17, v30;
	v20 =	vadd.f32 $1.000000000e+00, v22;
	v21 =	vpop (erf)  }
0x2a4: {  	v17 =	vcvt.s32.f32 v11;
	(erf) = vpow2.f32 v23;
	v18 =	vsub.f32 $1.000000000e+00, v21;
	v14 =	vpop (erf)  }
0x2a5: {  	s19 =	sadd.s32 $0x40, s19;
	v23 =	vsub.f32 v24, v31;
	v24 =	vmul.f32 $1.250000000e+01, v25;
	(erf) = vrcp.f32 v26  }
0x2a6: {  	v22 =	vmul.f32 $2.683372810e+05, v22;
	(erf) = vrcp.f32 v19  }
0x2a7: {  	v46 =	vmul.f32 $1.250000000e+01, v23;
	v47 =	vmul.f32 $1.442695020e+00, v24  }
0x2a8: {  	v13 =	vsub.f32 v17, v13;
	(erf) = vrcp.f32 v20;
	v22 =	vadd.f32 $1.000000000e+00, v22  }
0x2a9: {  	v19 =	vmul.f32 $1.442695020e+00, v46;
	(erf) = vpow2.f32 v47  }
0x2aa: {  	v13 =	vmul.f32 $1.250000000e+01, v13;
	(erf) = vrcp.f32 v22  }
0x2ab: {  	(erf) = vpow2.f32 v19  }
0x2ac: {  	v48 =	vpop (erf);
	v13 =	vmul.f32 $1.442695020e+00, v13  }
0x2ad: {  	v49 =	vpop (erf)  }
0x2ae: {  	(erf) = vpow2.f32 v13;
	v50 =	vpop (erf)  }
0x2af: {  	v53 =	vsub.f32 v21, v14;
	v51 =	vpop (erf)  }
0x2b0: {  	v54 =	vadd.s32 v0, v6;
	v4 =	vadd.s32 v3, v4;
	v25 =	vadd.s32 v3, v8;
	v52 =	vpop (erf)  }
0x2b1: {  	v29 =	vadd.s32 v2, v8;
	v56 =	vadd.s32 v0, v8;
	v27 =	vmul.f32 $2.683372810e+05, v50;
	v55 =	vpop (erf)  }
0x2b2: {  	v31 =	vadd.s32 v2, v5;
	v57 =	vadd.s32 v2, v6;
	v20 =	vadd.f32 $1.000000000e+00, v50;
	v28 =	vpop (erf)  }
0x2b3: {  	v61 =	vadd.s32 v0, v5;
	v5 =	vadd.s32 v3, v5;
	v27 =	vadd.f32 $1.000000000e+00, v27;
	v30 =	vpop (erf)  }
0x2b4: {  	[tilespmem:v16+s13+$0x0] =	vst.idx.add.f32.msk $0xffff, v18;
	v26 =	vsub.f32 $1.000000000e+00, v48;
	v63 =	vsub.f32 $1.000000000e+00, v49;
	(erf) = vrcp.f32 v20;
	v32 =	vpop (erf)  }
0x2b5: {  	[tilespmem:v15+s13+$0x0] =	vst.idx.add.f32.msk $0xffff, v53;
	(erf) = vrcp.f32 v27;
	v58 =	vmul.f32 $2.683372810e+05, v28;
	v33 =	vadd.f32 $1.000000000e+00, v32  }
0x2b6: {  	[tilespmem:v4+s13+$0x0] =	vst.idx.add.f32.msk $0xffff, v14;
	v17 =	vsub.f32 v48, v52;
	v60 =	vadd.f32 $1.000000000e+00, v28;
	v59 =	vmul.f32 $2.683372810e+05, v32  }
0x2b7: {  	[tilespmem:v54+s13+$0x0] =	vst.idx.add.f32.msk $0xffff, v26;
	v4 =	vsub.f32 $1.000000000e+00, v55;
	v62 =	vadd.f32 $1.000000000e+00, v58;
	v21 =	vpop (erf);
	(erf) = vrcp.f32 v33  }
0x2b8: {  	[tilespmem:v56+s13+$0x0] =	vst.idx.add.f32.msk $0xffff, v63;
	v14 =	vmul.f32 $2.683372810e+05, v21;
	v16 =	vadd.f32 $1.000000000e+00, v59;
	(erf) = vrcp.f32 v60  }
0x2b9: {  	[tilespmem:v57+s13+$0x0] =	vst.idx.add.f32.msk $0xffff, v17;
	v27 =	vsub.f32 v49, v51;
	v28 =	vsub.f32 v55, v30;
	(erf) = vrcp.f32 v62  }
0x2ba: {  	[tilespmem:v61+s13+$0x0] =	vst.idx.add.f32.msk $0xffff, v4;
	v26 =	vadd.f32 $1.000000000e+00, v21;
	v4 =	vadd.f32 $1.000000000e+00, v14;
	(erf) = vrcp.f32 v16  }
0x2bb: {  	[tilespmem:v29+s13+$0x0] =	vst.idx.add.f32.msk $0xffff, v27;
	v29 =	vadd.s32 v0, v12  }
0x2bc: {  	[tilespmem:v31+s13+$0x0] =	vst.idx.add.f32.msk $0xffff, v28;
	v31 =	vadd.s32 v2, v12;
	(erf) = vrcp.f32 v26  }
0x2bd: {  	v35 =	vadd.s32 v3, v12;
	[tilespmem:v9+s13+$0x0] =	vst.idx.add.f32.msk $0xffff, v52;
	v32 =	vpop (erf)  }
0x2be: {  	[tilespmem:v25+s13+$0x0] =	vst.idx.add.f32.msk $0xffff, v51;
	v33 =	vadd.s32 v0, v7;
	v34 =	vsub.f32 $1.000000000e+00, v32;
	(erf) = vrcp.f32 v4;
	v4 =	vpop (erf)  }
0x2bf: {  	v40 =	vadd.s32 v0, v10;
	[tilespmem:v5+s13+$0x0] =	vst.idx.add.f32.msk $0xffff, v30;
	v5 =	vsub.f32 v32, v4  }
0x2c0: {  	v43 =	vadd.s32 v2, v10;
	[tilespmem:v29+s13+$0x0] =	vst.idx.add.f32.msk $0xffff, v34;
	v36 =	vpop (erf)  }
0x2c1: {  	v38 =	vadd.s32 v2, v7;
	[tilespmem:v31+s13+$0x0] =	vst.idx.add.f32.msk $0xffff, v5;
	v37 =	vpop (erf);
	v39 =	vsub.f32 $1.000000000e+00, v36  }
0x2c2: {  	v47 =	vadd.s32 v3, v10;
	[tilespmem:v35+s13+$0x0] =	vst.idx.add.f32.msk $0xffff, v4;
	v41 =	vpop (erf);
	v46 =	vsub.f32 $1.000000000e+00, v37  }
0x2c3: {  	v5 =	vadd.s32 v0, v11;
	v42 =	vpop (erf);
	[tilespmem:v33+s13+$0x0] =	vst.idx.add.f32.msk $0xffff, v39;
	v50 =	vsub.f32 v37, v41  }
0x2c4: {  	v49 =	vadd.s32 v3, v7;
	v44 =	vsub.f32 v36, v42;
	[tilespmem:v40+s13+$0x0] =	vst.idx.add.f32.msk $0xffff, v46  }
0x2c5: {  	v45 =	vadd.s32 v2, v11;
	v4 =	vpop (erf);
	[tilespmem:v43+s13+$0x0] =	vst.idx.add.f32.msk $0xffff, v50  }
0x2c6: {  	v52 =	vadd.s32 v3, v11;
	v48 =	vsub.f32 $1.000000000e+00, v4;
	[tilespmem:v38+s13+$0x0] =	vst.idx.add.f32.msk $0xffff, v44  }
0x2c7: {  	v51 =	vpop (erf);
	[tilespmem:v47+s13+$0x0] =	vst.idx.add.f32.msk $0xffff, v41  }
0x2c8: {  	v4 =	vsub.f32 v4, v51;
	[tilespmem:v5+s13+$0x0] =	vst.idx.add.f32.msk $0xffff, v48  }
0x2c9: {  	[tilespmem:v49+s13+$0x0] =	vst.idx.add.f32.msk $0xffff, v42  }
0x2ca: {  	[tilespmem:v45+s13+$0x0] =	vst.idx.add.f32.msk $0xffff, v4  }
0x2cb: {  	[tilespmem:v52+s13+$0x0] =	vst.idx.add.f32.msk $0xffff, v51  }
0x2cc: {  	v4 =	vld [tilespmem:$0x4001]  }
0x2cd: {  	v5 =	vld [tilespmem:$0x4049]  }
0x2ce: {  	v6 =	vld [tilespmem:$0x4091]  }
0x2cf: {  	v7 =	vld [tilespmem:$0x40D9]  }
0x2d0: {  	v8 =	vld [tilespmem:$0x4121]  }
0x2d1: {  	v9 =	vld [tilespmem:$0x4169]  }
0x2d2: {  	v10 =	vld [tilespmem:$0x41B1]  }
0x2d3: {  	v11 =	vld [tilespmem:$0x41F9]  }
0x2d4: {  	v12 =	vld [tilespmem:$0x4241]  }
0x2d5: {  	v53 =	vld [tilespmem:$0x4289]  }
0x2d6: {  	v14 =	vld [tilespmem:$0x42D1]  }
0x2d7: {  	v15 =	vld [tilespmem:$0x4319]  }
0x2d8: {  	v16 =	vld [tilespmem:$0x4361]  }
0x2d9: {  	v17 =	vld [tilespmem:$0x43A9]  }
0x2da: {  	v18 =	vld [tilespmem:$0x43F1]  }
0x2db: {  	v19 =	vld [tilespmem:$0x4439]  }
0x2dc: {  	v54 =	vld [tilespmem:$0x4011]  }
0x2dd: {  	v21 =	vld [tilespmem:$0x4059]  }
0x2de: {  	v22 =	vld [tilespmem:$0x40A1]  }
0x2df: {  	v23 =	vld [tilespmem:$0x40E9]  }
0x2e0: {  	v55 =	vld [tilespmem:$0x4131]  }
0x2e1: {  	v25 =	vld [tilespmem:$0x4179]  }
0x2e2: {  	v26 =	vld [tilespmem:$0x41C1]  }
0x2e3: {  	v56 =	vld [tilespmem:$0x4209]  }
0x2e4: {  	v57 =	vld [tilespmem:$0x4251]  }
0x2e5: {  	v29 =	vld [tilespmem:$0x4299]  }
0x2e6: {  	v30 =	vld [tilespmem:$0x42E1]  }
0x2e7: {  	v31 =	vld [tilespmem:$0x4329]  }
0x2e8: {  	v32 =	vld [tilespmem:$0x4371]  }
0x2e9: {  	v33 =	vld [tilespmem:$0x43B9]  }
0x2ea: {  	v34 =	vld [tilespmem:$0x4401]  }
0x2eb: {  	v35 =	vld [tilespmem:$0x4449]  }
0x2ec: {  	v36 =	vld [tilespmem:$0x4021]  }
0x2ed: {  	v37 =	vld [tilespmem:$0x4069]  }
0x2ee: {  	v38 =	vld [tilespmem:$0x4031]  }
0x2ef: {  	v39 =	vld [tilespmem:$0x4079]  }
0x2f0: {  	v40 =	vld [tilespmem:$0x40B1]  }
0x2f1: {  	v4 =	vadd.f32 v5, v4;
	v5 =	vld [tilespmem:$0x40C1]  }
0x2f2: {  	v58 =	vld [tilespmem:$0x40F9];
	v20 =	vadd.f32 v21, v54  }
0x2f3: {  	v60 =	vld [tilespmem:$0x4109];
	v59 =	vadd.f32 v37, v36;
	v4 =	vadd.f32 v6, v4  }
0x2f4: {  	v62 =	vld [tilespmem:$0x4141];
	v61 =	vadd.f32 v39, v38;
	v20 =	vadd.f32 v22, v20  }
0x2f5: {  	v63 =	vld [tilespmem:$0x4151];
	v6 =	vadd.f32 v40, v59;
	v4 =	vadd.f32 v7, v4  }
0x2f6: {  	v38 =	vld [tilespmem:$0x4189];
	v20 =	vadd.f32 v23, v20;
	v5 =	vadd.f32 v5, v61  }
0x2f7: {  	v39 =	vld [tilespmem:$0x4199];
	v6 =	vadd.f32 v58, v6;
	v4 =	vadd.f32 v8, v4  }
0x2f8: {  	v40 =	vld [tilespmem:$0x41D1];
	v20 =	vadd.f32 v55, v20;
	v5 =	vadd.f32 v60, v5  }
0x2f9: {  	v41 =	vld [tilespmem:$0x41E1];
	v6 =	vadd.f32 v62, v6;
	v4 =	vadd.f32 v9, v4  }
0x2fa: {  	v42 =	vld [tilespmem:$0x4219];
	v20 =	vadd.f32 v25, v20;
	v5 =	vadd.f32 v63, v5  }
0x2fb: {  	v43 =	vld [tilespmem:$0x4229];
	v6 =	vadd.f32 v38, v6;
	v4 =	vadd.f32 v10, v4  }
0x2fc: {  	v44 =	vld [tilespmem:$0x4261];
	v20 =	vadd.f32 v26, v20;
	v5 =	vadd.f32 v39, v5  }
0x2fd: {  	v45 =	vld [tilespmem:$0x4271];
	v6 =	vadd.f32 v40, v6;
	v4 =	vadd.f32 v11, v4  }
0x2fe: {  	v46 =	vld [tilespmem:$0x42A9];
	v20 =	vadd.f32 v56, v20;
	v5 =	vadd.f32 v41, v5  }
0x2ff: {  	v47 =	vld [tilespmem:$0x42B9];
	v6 =	vadd.f32 v42, v6;
	v4 =	vadd.f32 v12, v4  }
0x300: {  	v49 =	vld [tilespmem:$0x42F1];
	v48 =	vadd.f32 v57, v20;
	v5 =	vadd.f32 v43, v5  }
0x301: {  	v50 =	vld [tilespmem:$0x4301];
	v6 =	vadd.f32 v44, v6;
	v4 =	vadd.f32 v53, v4  }
0x302: {  	v51 =	vld [tilespmem:$0x4339];
	v12 =	vadd.f32 v29, v48;
	v5 =	vadd.f32 v45, v5  }
0x303: {  	v52 =	vld [tilespmem:$0x4349];
	v6 =	vadd.f32 v46, v6;
	v4 =	vadd.f32 v14, v4  }
0x304: {  	v54 =	vld [tilespmem:$0x4381];
	v53 =	vadd.f32 v30, v12;
	v5 =	vadd.f32 v47, v5  }
0x305: {  	v55 =	vld [tilespmem:$0x4391];
	v6 =	vadd.f32 v49, v6;
	v4 =	vadd.f32 v15, v4  }
0x306: {  	v57 =	vld [tilespmem:$0x43C9];
	v56 =	vadd.f32 v31, v53;
	v5 =	vadd.f32 v50, v5  }
0x307: {  	v58 =	vld [tilespmem:$0x43D9];
	v6 =	vadd.f32 v51, v6;
	v4 =	vadd.f32 v16, v4  }
0x308: {  	v59 =	vld [tilespmem:$0x4411];
	v10 =	vadd.f32 v32, v56;
	v5 =	vadd.f32 v52, v5  }
0x309: {  	v60 =	vld [tilespmem:$0x4421];
	v6 =	vadd.f32 v54, v6;
	v4 =	vadd.f32 v17, v4  }
0x30a: {  	v61 =	vld [tilespmem:$0x4459];
	v10 =	vadd.f32 v33, v10;
	v5 =	vadd.f32 v55, v5  }
0x30b: {  	v62 =	vld [tilespmem:$0x4469];
	v6 =	vadd.f32 v57, v6;
	v4 =	vadd.f32 v18, v4  }
0x30c: {  	v10 =	vadd.f32 v34, v10;
	v5 =	vadd.f32 v58, v5  }
0x30d: {  	v6 =	vadd.f32 v59, v6;
	v4 =	vadd.f32 v19, v4  }
0x30e: {  	v63 =	vadd.f32 v35, v10;
	v5 =	vadd.f32 v60, v5  }
0x30f: {  	[tilespmem:$0x4480] =	vst v4;
	v4 =	vadd.f32 v61, v6  }
0x310: {  	s17 =	sadd.s32 $0x1, s17;
	[tilespmem:$0x4490] =	vst v63;
	v5 =	vadd.f32 v62, v5  }
0x311: {  	p0 =	sne.s32 s17, s4;
	[tilespmem:$0x44A0] =	vst v4  }
.Ltmp7:
0x312: {  	[tilespmem:$0x44B0] =	vst v5;
	(pc) =	sbr.rel @p0 .LBB2_1-.Ltmp7, $4  }
0x313: {  	[hbm4b:s3+s2] =	stream.linear.scatter [tilespmem:s15], [sflag:$0x3], $0x40, $0x38;
	[tilespmem:$0x4500] =	vst v63  }
0x314: {  	_ =	swait.ge [sflag:s16], $0x40  }
0x315: {  	[sflag:s16] =	ssyncset.done $0x0  }
0x316: {  	[sflag:s16] =	ssyncadd.s32 $0xFFFFFFC0  }
0x317: {  	_ =	sfence.sel $0x180000  }
0x318: {  	[bflag:$0x0] =	sbarrier.arrive $0xFFFF  }
0x319: {  	p0 =	sne.s32 s0, $0x0;
	_ =	strace $0x90000047  }
0x31a: {  	s0 =	sadd.s32 @!p0 $0x100000, s1;
	[bflag:$0x2] =	sbarrier.arrive $0xFFFF  }
0x31b: {  	[sflag:s0] =	ssyncadd.tile.s32 @!p0 $0x1;
	_ =	shalt  }
.Lfunc_end2:
_tile_overlayer_lowered:
.L_overlay_start_2:
0x31c: {  	(tag) =	ssettag $0x2  }
0x31d: {  	s0 =	rddreg [dreg:$0x0];
	s2 =	stileid.u32  }
0x31e: {  	s1 =	rddreg [dreg:$0x1];
	p0 =	sne.s32 s2, $0x0  }
0x31f: {  	s3 =	rddreg [dreg:$0x2];
	[bflag:$0x3] =	sbarrier.arrive $0xFFFF;
	s2 =	simm.s32 @!p0 $0x1C03  }
0x320: {  	[timem:s3], [sflag:s2] =	dma.local @!p0 [hbm:s0], s1  }
0x321: {  	s0 =	simm.s32 @!p0 $0x3  }
0x322: {  	_ =	swait.ge @!p0 [sflag:s0], s1  }
0x323: {  	s1 =	ssub.s32 @!p0 $0x0, s1;
	[sflag:s0] =	ssyncset.done @!p0 $0x0  }
0x324: {  	[sflag:s0] =	ssyncadd.s32 @!p0 s1  }
0x325: {  	[bflag:$0x3] =	sbarrier.arrive $0xFFFF  }
0x326: {  	_ =	shalt  }

</sc_bundles>
